<compile_context>
chip_gen: v7x
topology: tpu7x:2x2x1
jax: 0.10.2.dev20260603
libtpu: 0.0.44.dev20260713+nightly
codegen_flags: <defaults>
</compile_context>

<pallas_src>
import functools

import jax
import jax.numpy as jnp
from jax import lax
from jax.experimental import pallas as pl
from jax.experimental.pallas import tpu as pltpu
from jax.experimental.pallas import tpu_sc as plsc

B, P, S, L = 1024, 16384, 8, 32
NC, NS = 2, 16
NW = NC * NS
LANES = 16
GROWS = P * 4 // 128
G = 4
SLABW = 2048
NSLAB = P // SLABW
YB = SLABW // 128
RB = 4
MB = B // RB // G


def _sc_body(params_hbm, y_hbm, a2s_hbm, pre_hbm, add_hbm, del_hbm,
             a2s_v, pidx_v, plane_v, y0_v, y1_v, sv0_v, sv1_v,
             o00, o01, o02, o10, o11, o12,
             ysem0, ysem1, gsem, osem0, osem1):
    wid = lax.axis_index("s") * NC + lax.axis_index("c")
    slab = wid // G
    par = wid % G
    col0 = slab * SLABW

    zf = jnp.zeros((LANES,), jnp.float32)
    iota = lax.iota(jnp.int32, LANES)
    sel0 = jnp.zeros((LANES,), jnp.int32)

    obs = ((o00, o01, o02), (o10, o11, o12))
    yvs = (y0_v, y1_v)
    svs = (sv0_v, sv1_v)
    ysems = (ysem0, ysem1)
    osems = (osem0, osem1)
    outs = (pre_hbm, add_hbm, del_hbm)

    pltpu.sync_copy(a2s_hbm, a2s_v)
    for m in range(S * YB * 3 // LANES):
        j16 = iota + m * LANES
        s = j16 // (YB * 3)
        rem = j16 - s * (YB * 3)
        yb = rem // 3
        cp = rem - yb * 3
        pidx_v[pl.ds(m * LANES, LANES)] = (s * 128 + slab * YB + yb) * 4 + cp + 1
    qtr = S * YB * 3 // 4
    gcps = [pltpu.async_copy(params_hbm.at[pidx_v.at[pl.ds(q * qtr, qtr)]],
                             plane_v.at[pl.ds(q * qtr, qtr)], gsem)
            for q in range(4)]

    def _zero(i, _):
        row = i >> (SLABW // LANES).bit_length() - 1
        off = (i & (SLABW // LANES - 1)) * LANES
        for bset in obs:
            for bref in bset:
                bref[row, pl.ds(off, LANES)] = zf
        return 0

    lax.fori_loop(0, RB * SLABW // LANES, _zero, 0)
    for gcp in gcps:
        gcp.wait()

    pltpu.async_copy(y_hbm.at[pl.ds(par * RB, RB)], y0_v, ysem0)

    def _pair(g, _):
        for k in (0, 1):
            m = g * 2 + k
            b0 = (G * m + par) * RB
            pltpu.make_async_copy(y_hbm.at[pl.ds(b0, RB)], yvs[k],
                                  ysems[k]).wait()
            nxt = jnp.where(b0 + G * RB >= B, 0, b0 + G * RB)
            pltpu.async_copy(y_hbm.at[pl.ds(nxt, RB)], yvs[1 - k],
                             ysems[1 - k])

            @pl.when(g > 0)
            def _():
                for bref in obs[k]:
                    pltpu.make_async_copy(
                        bref,
                        pre_hbm.at[pl.ds(b0 - 2 * G * RB, RB),
                                   pl.ds(col0, SLABW)],
                        osems[k]).wait()

                def _rz(r, _):
                    rv = sel0 + r
                    for h in (0, 1):
                        sx = plsc.load_gather(svs[k], [rv, iota + h * LANES])
                        mask = sx < SLABW
                        sxc = jnp.minimum(sx, SLABW - 1)
                        for bref in obs[k]:
                            plsc.store_scatter(bref, [rv, sxc], zf, mask=mask)
                    return 0

                lax.fori_loop(0, RB, _rz, 0)

            def _row(r, _):
                rv = sel0 + r
                sbv = plsc.load_gather(a2s_v, [sel0 + b0 + r])
                for h in (0, 1):
                    yh = plsc.load_gather(yvs[k], [rv, iota + h * LANES])
                    mask = (yh >> 11) == slab
                    yl = yh & (SLABW - 1)
                    lane = yh & 127
                    base = (sbv * YB + (yl >> 7)) * 3
                    c1 = plsc.load_gather(plane_v, [base, lane])
                    c2 = plsc.load_gather(plane_v, [base + 1, lane])
                    c3 = plsc.load_gather(plane_v, [base + 2, lane])
                    plsc.addupdate_scatter(obs[k][0], [rv, yl], c2 + c3,
                                           mask=mask)
                    plsc.addupdate_scatter(obs[k][1], [rv, yl], c1, mask=mask)
                    plsc.addupdate_scatter(obs[k][2], [rv, yl], c3, mask=mask)
                    plsc.store_scatter(svs[k], [rv, iota + h * LANES],
                                       jnp.where(mask, yl, SLABW))
                return 0

            lax.fori_loop(0, RB, _row, 0)
            for bref, o in zip(obs[k], outs):
                pltpu.async_copy(
                    bref, o.at[pl.ds(b0, RB), pl.ds(col0, SLABW)], osems[k])
        return 0

    lax.fori_loop(0, MB // 2, _pair, 0)

    for k in (0, 1):
        b0 = (G * (MB - 2 + k) + par) * RB
        for bref, o in zip(obs[k], outs):
            pltpu.make_async_copy(
                bref, o.at[pl.ds(b0, RB), pl.ds(col0, SLABW)],
                osems[k]).wait()
    pltpu.make_async_copy(y_hbm.at[pl.ds(0, RB)], yvs[0], ysems[0]).wait()


@functools.partial(jax.jit, donate_argnums=())
def kernel(schema_params, y_indices, action_to_schema):
    params2d = (schema_params
                .reshape(S, P // 128, 128, 4)
                .transpose(0, 1, 3, 2)
                .reshape(GROWS * S, 128))
    mesh = plsc.VectorSubcoreMesh(core_axis_name="c", subcore_axis_name="s")
    out = jax.ShapeDtypeStruct((B, P), jnp.float32)
    run = pl.kernel(
        _sc_body,
        out_type=[out, out, out],
        mesh=mesh,
        compiler_params=pltpu.CompilerParams(needs_layout_passes=False),
        scratch_types=[
            pltpu.VMEM((B,), jnp.int32),
            pltpu.VMEM((S * YB * 3,), jnp.int32),
            pltpu.VMEM((S * YB * 3, 128), jnp.float32),
            pltpu.VMEM((RB, L), jnp.int32),
            pltpu.VMEM((RB, L), jnp.int32),
            pltpu.VMEM((RB, L), jnp.int32),
            pltpu.VMEM((RB, L), jnp.int32),
            pltpu.VMEM((RB, SLABW), jnp.float32),
            pltpu.VMEM((RB, SLABW), jnp.float32),
            pltpu.VMEM((RB, SLABW), jnp.float32),
            pltpu.VMEM((RB, SLABW), jnp.float32),
            pltpu.VMEM((RB, SLABW), jnp.float32),
            pltpu.VMEM((RB, SLABW), jnp.float32),
            pltpu.SemaphoreType.DMA,
            pltpu.SemaphoreType.DMA,
            pltpu.SemaphoreType.DMA,
            pltpu.SemaphoreType.DMA,
            pltpu.SemaphoreType.DMA,
        ],
    )
    pre, add, dele = run(params2d, y_indices, action_to_schema)
    return (pre, add, dele)

# --- scband reference (transcript-rebuilt; emitter-appended) ---
"""Pipeline reference for scband-domain-model-11596411699935 (READ-ONLY COPY).

The authoritative reference and input builder live on the scoring server;
editing this copy changes nothing except your own understanding.
"""

import jax, jax.numpy as jnp
import numpy as np

B, P, S, L = 1024, 16384, 8, 32


def setup_inputs(seed: int = 0) -> dict:
    key = jax.random.key(seed)
    k1, k2, k3 = jax.random.split(key, 3)
    y_indices = jax.random.randint(k1, (B, L), 0, P, dtype=jnp.int32)
    action_to_schema = jax.random.randint(k2, (B,), 0, S, dtype=jnp.int32)
    schema_params = jax.random.uniform(k3, (S, P, 4), dtype=jnp.float32)
    return {
        "schema_params": schema_params,
        "y_indices": y_indices,
        "action_to_schema": action_to_schema,
    }


def reference(schema_params, y_indices, action_to_schema):
    # Faithful vectorization of Domain_Model.build's scatter path:
    #   schema_prams = schema()              -> [P, 4] per schema
    #   schema_precon = schema_prams @ [0,0,1,1]
    #   schema_addeff = schema_prams @ [0,1,0,0]
    #   schema_deleff = schema_prams @ [0,0,0,1]
    #   precon[x_indices, y_indices] += schema_precon[y_indices]  (etc.)
    vec_pre = jnp.array([0.0, 0.0, 1.0, 1.0], dtype=jnp.float32)
    vec_add = jnp.array([0.0, 1.0, 0.0, 0.0], dtype=jnp.float32)
    vec_del = jnp.array([0.0, 0.0, 0.0, 1.0], dtype=jnp.float32)
    # gather each action's schema params at its grounded proposition indices: [B, L, 4]
    params_g = schema_params[action_to_schema[:, None], y_indices]
    v_pre = params_g @ vec_pre  # [B, L]
    v_add = params_g @ vec_add  # [B, L]
    v_del = params_g @ vec_del  # [B, L]
    rows = jnp.broadcast_to(jnp.arange(B, dtype=jnp.int32)[:, None], (B, L))
    precon = jnp.zeros((B, P), dtype=jnp.float32).at[rows, y_indices].add(v_pre)
    addeff = jnp.zeros((B, P), dtype=jnp.float32).at[rows, y_indices].add(v_add)
    deleff = jnp.zeros((B, P), dtype=jnp.float32).at[rows, y_indices].add(v_del)
    return (precon, addeff, deleff)

if __name__ == "__main__":
    import jax
    _d = setup_inputs()
    print(jax.jit(kernel)(*tuple(_d.values())))

</pallas_src>

<mosaic_0001>
#map = affine_map<(d0, d1) -> (0, 0)>
#map1 = affine_map<(d0, d1) -> (0)>
module attributes {stable_mosaic.version = 14 : i64} {
  func.func @_sc_body(%arg0: i32, %arg1: i32, %arg2: memref<4096x128xf32, #tpu.memory_space<hbm>>, %arg3: memref<1024x32xi32, #tpu.memory_space<hbm>>, %arg4: memref<1024xi32, #tpu.memory_space<hbm>>, %arg5: memref<1024x16384xf32, #tpu.memory_space<hbm>>, %arg6: memref<1024x16384xf32, #tpu.memory_space<hbm>>, %arg7: memref<1024x16384xf32, #tpu.memory_space<hbm>>, %arg8: memref<1024xi32, #tpu.memory_space<vmem>>, %arg9: memref<384xi32, #tpu.memory_space<vmem>>, %arg10: memref<384x128xf32, #tpu.memory_space<vmem>>, %arg11: memref<4x32xi32, #tpu.memory_space<vmem>>, %arg12: memref<4x32xi32, #tpu.memory_space<vmem>>, %arg13: memref<4x32xi32, #tpu.memory_space<vmem>>, %arg14: memref<4x32xi32, #tpu.memory_space<vmem>>, %arg15: memref<4x2048xf32, #tpu.memory_space<vmem>>, %arg16: memref<4x2048xf32, #tpu.memory_space<vmem>>, %arg17: memref<4x2048xf32, #tpu.memory_space<vmem>>, %arg18: memref<4x2048xf32, #tpu.memory_space<vmem>>, %arg19: memref<4x2048xf32, #tpu.memory_space<vmem>>, %arg20: memref<4x2048xf32, #tpu.memory_space<vmem>>, %arg21: memref<!tpu.dma_semaphore, #tpu.memory_space<semaphore_mem>>, %arg22: memref<!tpu.dma_semaphore, #tpu.memory_space<semaphore_mem>>, %arg23: memref<!tpu.dma_semaphore, #tpu.memory_space<semaphore_mem>>, %arg24: memref<!tpu.dma_semaphore, #tpu.memory_space<semaphore_mem>>, %arg25: memref<!tpu.dma_semaphore, #tpu.memory_space<semaphore_mem>>) attributes {dimension_semantics = [#tpu.dimension_semantics<core_parallel>, #tpu.dimension_semantics<subcore_parallel>], iteration_bounds = array<i64: 2, 16>, scalar_prefetch = 0 : i64, scratch_operands = 18 : i64, tpu.core_type = #tpu.core_type<sc_vector_subcore>, window_params = [{transform_indices = #map}, {transform_indices = #map}, {transform_indices = #map1}, {transform_indices = #map}, {transform_indices = #map}, {transform_indices = #map}]} {
    %mul3A = arith.constant 2 : i32
    %mul3A_0 = arith.muli %arg1, %mul3A : i32
    %add3A = arith.addi %mul3A_0, %arg0 : i32
    %jit3A = arith.constant 4 : i32
    %div3A = arith.divsi %add3A, %jit3A : i32
    %sign3A = arith.constant 0 : i32
    %sign3A_1 = arith.cmpi sgt, %add3A, %sign3A : i32
    %sign3A_2 = arith.extui %sign3A_1 : i1 to i32
    %sign3A_3 = arith.constant 0 : i32
    %sign3A_4 = arith.cmpi slt, %add3A, %sign3A_3 : i32
    %sign3A_5 = arith.extui %sign3A_4 : i1 to i32
    %sign3A_6 = arith.subi %sign3A_2, %sign3A_5 : i32
    %sign3A_7 = arith.constant 0 : i32
    %sign3A_8 = arith.cmpi sgt, %jit3A, %sign3A_7 : i32
    %sign3A_9 = arith.extui %sign3A_8 : i1 to i32
    %sign3A_10 = arith.constant 0 : i32
    %sign3A_11 = arith.cmpi slt, %jit3A, %sign3A_10 : i32
    %sign3A_12 = arith.extui %sign3A_11 : i1 to i32
    %sign3A_13 = arith.subi %sign3A_9, %sign3A_12 : i32
    %ne3A = arith.cmpi ne, %sign3A_6, %sign3A_13 : i32
    %rem3A = arith.remsi %add3A, %jit3A : i32
    %ne3A_14 = arith.constant 0 : i32
    %ne3A_15 = arith.cmpi ne, %rem3A, %ne3A_14 : i32
    %and3A = arith.andi %ne3A, %ne3A_15 : i1
    %sub3A = arith.constant 1 : i32
    %sub3A_16 = arith.subi %div3A, %sub3A : i32
    %select_n3A = arith.select %and3A, %sub3A_16, %div3A : i32
    %jit3A_17 = arith.constant 4 : i32
    %eq3A = arith.constant 0 : i32
    %eq3A_18 = arith.cmpi eq, %jit3A_17, %eq3A : i32
    %jit3A_19 = arith.constant 1 : i32
    %select_n3A_20 = arith.select %eq3A_18, %jit3A_19, %jit3A_17 : i32
    %rem3A_21 = arith.remsi %add3A, %select_n3A_20 : i32
    %ne3A_22 = arith.constant 0 : i32
    %ne3A_23 = arith.cmpi ne, %rem3A_21, %ne3A_22 : i32
    %lt3A = arith.constant 0 : i32
    %lt3A_24 = arith.cmpi slt, %rem3A_21, %lt3A : i32
    %lt3A_25 = arith.constant 0 : i32
    %lt3A_26 = arith.cmpi slt, %select_n3A_20, %lt3A_25 : i32
    %ne3A_27 = arith.xori %lt3A_24, %lt3A_26 : i1
    %and3A_28 = arith.andi %ne3A_27, %ne3A_23 : i1
    %add3A_29 = arith.addi %rem3A_21, %select_n3A_20 : i32
    %select_n3A_30 = arith.select %and3A_28, %add3A_29, %rem3A_21 : i32
    %mul3A_31 = arith.constant 2048 : i32
    %mul3A_32 = arith.muli %select_n3A, %mul3A_31 : i32
    %broadcast_in_dim3A = arith.constant 0.000000e+00 : f32
    %broadcast_in_dim3A_33 = vector.broadcast %broadcast_in_dim3A : f32 to vector<16xf32>
    %iota3A = tpu.iota {dimensions = array<i32: 0>} : vector<16xi32>
    %broadcast_in_dim3A_34 = arith.constant 0 : i32
    %broadcast_in_dim3A_35 = vector.broadcast %broadcast_in_dim3A_34 : i32 to vector<16xi32>
    "tpu.region"() ({
      %run_scoped3A = tpu.sem_alloc : memref<!tpu.dma_semaphore, #tpu.memory_space<semaphore_mem>>
      tpu.enqueue_dma source(%arg4 : memref<1024xi32, #tpu.memory_space<hbm>>) target(%arg8 : memref<1024xi32, #tpu.memory_space<vmem>>) target_semaphore(%run_scoped3A : memref<!tpu.dma_semaphore, #tpu.memory_space<semaphore_mem>>)
      tpu.wait_dma2 semaphore(%run_scoped3A : memref<!tpu.dma_semaphore, #tpu.memory_space<semaphore_mem>>) src(%arg4 : memref<1024xi32, #tpu.memory_space<hbm>>) dst(%arg8 : memref<1024xi32, #tpu.memory_space<vmem>>)
      tpu.yield
    }) : () -> ()
    %add3A_36 = arith.constant 0 : i32
    %add3A_37 = vector.broadcast %add3A_36 : i32 to vector<16xi32>
    %add3A_38 = arith.addi %iota3A, %add3A_37 : vector<16xi32>
    %jit3A_39 = arith.constant 48 : i32
    %div3A_40 = vector.broadcast %jit3A_39 : i32 to vector<16xi32>
    %div3A_41 = arith.divsi %add3A_38, %div3A_40 : vector<16xi32>
    %sign3A_42 = arith.constant 0 : i32
    %sign3A_43 = vector.broadcast %sign3A_42 : i32 to vector<16xi32>
    %sign3A_44 = arith.cmpi sgt, %add3A_38, %sign3A_43 : vector<16xi32>
    %sign3A_45 = arith.extui %sign3A_44 : vector<16xi1> to vector<16xi32>
    %sign3A_46 = arith.constant 0 : i32
    %sign3A_47 = vector.broadcast %sign3A_46 : i32 to vector<16xi32>
    %sign3A_48 = arith.cmpi slt, %add3A_38, %sign3A_47 : vector<16xi32>
    %sign3A_49 = arith.extui %sign3A_48 : vector<16xi1> to vector<16xi32>
    %sign3A_50 = arith.subi %sign3A_45, %sign3A_49 : vector<16xi32>
    %sign3A_51 = arith.constant 0 : i32
    %sign3A_52 = arith.cmpi sgt, %jit3A_39, %sign3A_51 : i32
    %sign3A_53 = arith.extui %sign3A_52 : i1 to i32
    %sign3A_54 = arith.constant 0 : i32
    %sign3A_55 = arith.cmpi slt, %jit3A_39, %sign3A_54 : i32
    %sign3A_56 = arith.extui %sign3A_55 : i1 to i32
    %sign3A_57 = arith.subi %sign3A_53, %sign3A_56 : i32
    %ne3A_58 = vector.broadcast %sign3A_57 : i32 to vector<16xi32>
    %ne3A_59 = arith.cmpi ne, %sign3A_50, %ne3A_58 : vector<16xi32>
    %rem3A_60 = vector.broadcast %jit3A_39 : i32 to vector<16xi32>
    %rem3A_61 = arith.remsi %add3A_38, %rem3A_60 : vector<16xi32>
    %ne3A_62 = arith.constant 0 : i32
    %ne3A_63 = vector.broadcast %ne3A_62 : i32 to vector<16xi32>
    %ne3A_64 = arith.cmpi ne, %rem3A_61, %ne3A_63 : vector<16xi32>
    %and3A_65 = arith.andi %ne3A_59, %ne3A_64 : vector<16xi1>
    %sub3A_66 = arith.constant 1 : i32
    %sub3A_67 = vector.broadcast %sub3A_66 : i32 to vector<16xi32>
    %sub3A_68 = arith.subi %div3A_41, %sub3A_67 : vector<16xi32>
    %select_n3A_69 = arith.select %and3A_65, %sub3A_68, %div3A_41 : vector<16xi1>, vector<16xi32>
    %mul3A_70 = arith.constant 48 : i32
    %mul3A_71 = vector.broadcast %mul3A_70 : i32 to vector<16xi32>
    %mul3A_72 = arith.muli %select_n3A_69, %mul3A_71 : vector<16xi32>
    %sub3A_73 = arith.subi %add3A_38, %mul3A_72 : vector<16xi32>
    %jit3A_74 = arith.constant 3 : i32
    %div3A_75 = vector.broadcast %jit3A_74 : i32 to vector<16xi32>
    %div3A_76 = arith.divsi %sub3A_73, %div3A_75 : vector<16xi32>
    %sign3A_77 = arith.constant 0 : i32
    %sign3A_78 = vector.broadcast %sign3A_77 : i32 to vector<16xi32>
    %sign3A_79 = arith.cmpi sgt, %sub3A_73, %sign3A_78 : vector<16xi32>
    %sign3A_80 = arith.extui %sign3A_79 : vector<16xi1> to vector<16xi32>
    %sign3A_81 = arith.constant 0 : i32
    %sign3A_82 = vector.broadcast %sign3A_81 : i32 to vector<16xi32>
    %sign3A_83 = arith.cmpi slt, %sub3A_73, %sign3A_82 : vector<16xi32>
    %sign3A_84 = arith.extui %sign3A_83 : vector<16xi1> to vector<16xi32>
    %sign3A_85 = arith.subi %sign3A_80, %sign3A_84 : vector<16xi32>
    %sign3A_86 = arith.constant 0 : i32
    %sign3A_87 = arith.cmpi sgt, %jit3A_74, %sign3A_86 : i32
    %sign3A_88 = arith.extui %sign3A_87 : i1 to i32
    %sign3A_89 = arith.constant 0 : i32
    %sign3A_90 = arith.cmpi slt, %jit3A_74, %sign3A_89 : i32
    %sign3A_91 = arith.extui %sign3A_90 : i1 to i32
    %sign3A_92 = arith.subi %sign3A_88, %sign3A_91 : i32
    %ne3A_93 = vector.broadcast %sign3A_92 : i32 to vector<16xi32>
    %ne3A_94 = arith.cmpi ne, %sign3A_85, %ne3A_93 : vector<16xi32>
    %rem3A_95 = vector.broadcast %jit3A_74 : i32 to vector<16xi32>
    %rem3A_96 = arith.remsi %sub3A_73, %rem3A_95 : vector<16xi32>
    %ne3A_97 = arith.constant 0 : i32
    %ne3A_98 = vector.broadcast %ne3A_97 : i32 to vector<16xi32>
    %ne3A_99 = arith.cmpi ne, %rem3A_96, %ne3A_98 : vector<16xi32>
    %and3A_100 = arith.andi %ne3A_94, %ne3A_99 : vector<16xi1>
    %sub3A_101 = arith.constant 1 : i32
    %sub3A_102 = vector.broadcast %sub3A_101 : i32 to vector<16xi32>
    %sub3A_103 = arith.subi %div3A_76, %sub3A_102 : vector<16xi32>
    %select_n3A_104 = arith.select %and3A_100, %sub3A_103, %div3A_76 : vector<16xi1>, vector<16xi32>
    %mul3A_105 = arith.constant 3 : i32
    %mul3A_106 = vector.broadcast %mul3A_105 : i32 to vector<16xi32>
    %mul3A_107 = arith.muli %select_n3A_104, %mul3A_106 : vector<16xi32>
    %sub3A_108 = arith.subi %sub3A_73, %mul3A_107 : vector<16xi32>
    %mul3A_109 = arith.constant 128 : i32
    %mul3A_110 = vector.broadcast %mul3A_109 : i32 to vector<16xi32>
    %mul3A_111 = arith.muli %select_n3A_69, %mul3A_110 : vector<16xi32>
    %mul3A_112 = arith.constant 16 : i32
    %mul3A_113 = arith.muli %select_n3A, %mul3A_112 : i32
    %add3A_114 = vector.broadcast %mul3A_113 : i32 to vector<16xi32>
    %add3A_115 = arith.addi %mul3A_111, %add3A_114 : vector<16xi32>
    %add3A_116 = arith.addi %add3A_115, %select_n3A_104 : vector<16xi32>
    %mul3A_117 = arith.constant 4 : i32
    %mul3A_118 = vector.broadcast %mul3A_117 : i32 to vector<16xi32>
    %mul3A_119 = arith.muli %add3A_116, %mul3A_118 : vector<16xi32>
    %add3A_120 = arith.addi %mul3A_119, %sub3A_108 : vector<16xi32>
    %add3A_121 = arith.constant 1 : i32
    %add3A_122 = vector.broadcast %add3A_121 : i32 to vector<16xi32>
    %add3A_123 = arith.addi %add3A_120, %add3A_122 : vector<16xi32>
    %swap3A = arith.constant 0 : index
    %swap3A_124 = tpu.vector_load %arg9[%swap3A] {strides = array<i32>} : memref<384xi32, #tpu.memory_space<vmem>>, vector<16xi32>,
    tpu.vector_store %arg9[%swap3A], %add3A_123 {strides = array<i32>} : memref<384xi32, #tpu.memory_space<vmem>>, vector<16xi32>,
    %add3A_125 = arith.constant 16 : i32
    %add3A_126 = vector.broadcast %add3A_125 : i32 to vector<16xi32>
    %add3A_127 = arith.addi %iota3A, %add3A_126 : vector<16xi32>
    %jit3A_128 = arith.constant 48 : i32
    %div3A_129 = vector.broadcast %jit3A_128 : i32 to vector<16xi32>
    %div3A_130 = arith.divsi %add3A_127, %div3A_129 : vector<16xi32>
    %sign3A_131 = arith.constant 0 : i32
    %sign3A_132 = vector.broadcast %sign3A_131 : i32 to vector<16xi32>
    %sign3A_133 = arith.cmpi sgt, %add3A_127, %sign3A_132 : vector<16xi32>
    %sign3A_134 = arith.extui %sign3A_133 : vector<16xi1> to vector<16xi32>
    %sign3A_135 = arith.constant 0 : i32
    %sign3A_136 = vector.broadcast %sign3A_135 : i32 to vector<16xi32>
    %sign3A_137 = arith.cmpi slt, %add3A_127, %sign3A_136 : vector<16xi32>
    %sign3A_138 = arith.extui %sign3A_137 : vector<16xi1> to vector<16xi32>
    %sign3A_139 = arith.subi %sign3A_134, %sign3A_138 : vector<16xi32>
    %sign3A_140 = arith.constant 0 : i32
    %sign3A_141 = arith.cmpi sgt, %jit3A_128, %sign3A_140 : i32
    %sign3A_142 = arith.extui %sign3A_141 : i1 to i32
    %sign3A_143 = arith.constant 0 : i32
    %sign3A_144 = arith.cmpi slt, %jit3A_128, %sign3A_143 : i32
    %sign3A_145 = arith.extui %sign3A_144 : i1 to i32
    %sign3A_146 = arith.subi %sign3A_142, %sign3A_145 : i32
    %ne3A_147 = vector.broadcast %sign3A_146 : i32 to vector<16xi32>
    %ne3A_148 = arith.cmpi ne, %sign3A_139, %ne3A_147 : vector<16xi32>
    %rem3A_149 = vector.broadcast %jit3A_128 : i32 to vector<16xi32>
    %rem3A_150 = arith.remsi %add3A_127, %rem3A_149 : vector<16xi32>
    %ne3A_151 = arith.constant 0 : i32
    %ne3A_152 = vector.broadcast %ne3A_151 : i32 to vector<16xi32>
    %ne3A_153 = arith.cmpi ne, %rem3A_150, %ne3A_152 : vector<16xi32>
    %and3A_154 = arith.andi %ne3A_148, %ne3A_153 : vector<16xi1>
    %sub3A_155 = arith.constant 1 : i32
    %sub3A_156 = vector.broadcast %sub3A_155 : i32 to vector<16xi32>
    %sub3A_157 = arith.subi %div3A_130, %sub3A_156 : vector<16xi32>
    %select_n3A_158 = arith.select %and3A_154, %sub3A_157, %div3A_130 : vector<16xi1>, vector<16xi32>
    %mul3A_159 = arith.constant 48 : i32
    %mul3A_160 = vector.broadcast %mul3A_159 : i32 to vector<16xi32>
    %mul3A_161 = arith.muli %select_n3A_158, %mul3A_160 : vector<16xi32>
    %sub3A_162 = arith.subi %add3A_127, %mul3A_161 : vector<16xi32>
    %jit3A_163 = arith.constant 3 : i32
    %div3A_164 = vector.broadcast %jit3A_163 : i32 to vector<16xi32>
    %div3A_165 = arith.divsi %sub3A_162, %div3A_164 : vector<16xi32>
    %sign3A_166 = arith.constant 0 : i32
    %sign3A_167 = vector.broadcast %sign3A_166 : i32 to vector<16xi32>
    %sign3A_168 = arith.cmpi sgt, %sub3A_162, %sign3A_167 : vector<16xi32>
    %sign3A_169 = arith.extui %sign3A_168 : vector<16xi1> to vector<16xi32>
    %sign3A_170 = arith.constant 0 : i32
    %sign3A_171 = vector.broadcast %sign3A_170 : i32 to vector<16xi32>
    %sign3A_172 = arith.cmpi slt, %sub3A_162, %sign3A_171 : vector<16xi32>
    %sign3A_173 = arith.extui %sign3A_172 : vector<16xi1> to vector<16xi32>
    %sign3A_174 = arith.subi %sign3A_169, %sign3A_173 : vector<16xi32>
    %sign3A_175 = arith.constant 0 : i32
    %sign3A_176 = arith.cmpi sgt, %jit3A_163, %sign3A_175 : i32
    %sign3A_177 = arith.extui %sign3A_176 : i1 to i32
    %sign3A_178 = arith.constant 0 : i32
    %sign3A_179 = arith.cmpi slt, %jit3A_163, %sign3A_178 : i32
    %sign3A_180 = arith.extui %sign3A_179 : i1 to i32
    %sign3A_181 = arith.subi %sign3A_177, %sign3A_180 : i32
    %ne3A_182 = vector.broadcast %sign3A_181 : i32 to vector<16xi32>
    %ne3A_183 = arith.cmpi ne, %sign3A_174, %ne3A_182 : vector<16xi32>
    %rem3A_184 = vector.broadcast %jit3A_163 : i32 to vector<16xi32>
    %rem3A_185 = arith.remsi %sub3A_162, %rem3A_184 : vector<16xi32>
    %ne3A_186 = arith.constant 0 : i32
    %ne3A_187 = vector.broadcast %ne3A_186 : i32 to vector<16xi32>
    %ne3A_188 = arith.cmpi ne, %rem3A_185, %ne3A_187 : vector<16xi32>
    %and3A_189 = arith.andi %ne3A_183, %ne3A_188 : vector<16xi1>
    %sub3A_190 = arith.constant 1 : i32
    %sub3A_191 = vector.broadcast %sub3A_190 : i32 to vector<16xi32>
    %sub3A_192 = arith.subi %div3A_165, %sub3A_191 : vector<16xi32>
    %select_n3A_193 = arith.select %and3A_189, %sub3A_192, %div3A_165 : vector<16xi1>, vector<16xi32>
    %mul3A_194 = arith.constant 3 : i32
    %mul3A_195 = vector.broadcast %mul3A_194 : i32 to vector<16xi32>
    %mul3A_196 = arith.muli %select_n3A_193, %mul3A_195 : vector<16xi32>
    %sub3A_197 = arith.subi %sub3A_162, %mul3A_196 : vector<16xi32>
    %mul3A_198 = arith.constant 128 : i32
    %mul3A_199 = vector.broadcast %mul3A_198 : i32 to vector<16xi32>
    %mul3A_200 = arith.muli %select_n3A_158, %mul3A_199 : vector<16xi32>
    %mul3A_201 = arith.constant 16 : i32
    %mul3A_202 = arith.muli %select_n3A, %mul3A_201 : i32
    %add3A_203 = vector.broadcast %mul3A_202 : i32 to vector<16xi32>
    %add3A_204 = arith.addi %mul3A_200, %add3A_203 : vector<16xi32>
    %add3A_205 = arith.addi %add3A_204, %select_n3A_193 : vector<16xi32>
    %mul3A_206 = arith.constant 4 : i32
    %mul3A_207 = vector.broadcast %mul3A_206 : i32 to vector<16xi32>
    %mul3A_208 = arith.muli %add3A_205, %mul3A_207 : vector<16xi32>
    %add3A_209 = arith.addi %mul3A_208, %sub3A_197 : vector<16xi32>
    %add3A_210 = arith.constant 1 : i32
    %add3A_211 = vector.broadcast %add3A_210 : i32 to vector<16xi32>
    %add3A_212 = arith.addi %add3A_209, %add3A_211 : vector<16xi32>
    %swap3A_213 = arith.constant 16 : index
    %swap3A_214 = tpu.vector_load %arg9[%swap3A_213] {strides = array<i32>} : memref<384xi32, #tpu.memory_space<vmem>>, vector<16xi32>,
    tpu.vector_store %arg9[%swap3A_213], %add3A_212 {strides = array<i32>} : memref<384xi32, #tpu.memory_space<vmem>>, vector<16xi32>,
    %add3A_215 = arith.constant 32 : i32
    %add3A_216 = vector.broadcast %add3A_215 : i32 to vector<16xi32>
    %add3A_217 = arith.addi %iota3A, %add3A_216 : vector<16xi32>
    %jit3A_218 = arith.constant 48 : i32
    %div3A_219 = vector.broadcast %jit3A_218 : i32 to vector<16xi32>
    %div3A_220 = arith.divsi %add3A_217, %div3A_219 : vector<16xi32>
    %sign3A_221 = arith.constant 0 : i32
    %sign3A_222 = vector.broadcast %sign3A_221 : i32 to vector<16xi32>
    %sign3A_223 = arith.cmpi sgt, %add3A_217, %sign3A_222 : vector<16xi32>
    %sign3A_224 = arith.extui %sign3A_223 : vector<16xi1> to vector<16xi32>
    %sign3A_225 = arith.constant 0 : i32
    %sign3A_226 = vector.broadcast %sign3A_225 : i32 to vector<16xi32>
    %sign3A_227 = arith.cmpi slt, %add3A_217, %sign3A_226 : vector<16xi32>
    %sign3A_228 = arith.extui %sign3A_227 : vector<16xi1> to vector<16xi32>
    %sign3A_229 = arith.subi %sign3A_224, %sign3A_228 : vector<16xi32>
    %sign3A_230 = arith.constant 0 : i32
    %sign3A_231 = arith.cmpi sgt, %jit3A_218, %sign3A_230 : i32
    %sign3A_232 = arith.extui %sign3A_231 : i1 to i32
    %sign3A_233 = arith.constant 0 : i32
    %sign3A_234 = arith.cmpi slt, %jit3A_218, %sign3A_233 : i32
    %sign3A_235 = arith.extui %sign3A_234 : i1 to i32
    %sign3A_236 = arith.subi %sign3A_232, %sign3A_235 : i32
    %ne3A_237 = vector.broadcast %sign3A_236 : i32 to vector<16xi32>
    %ne3A_238 = arith.cmpi ne, %sign3A_229, %ne3A_237 : vector<16xi32>
    %rem3A_239 = vector.broadcast %jit3A_218 : i32 to vector<16xi32>
    %rem3A_240 = arith.remsi %add3A_217, %rem3A_239 : vector<16xi32>
    %ne3A_241 = arith.constant 0 : i32
    %ne3A_242 = vector.broadcast %ne3A_241 : i32 to vector<16xi32>
    %ne3A_243 = arith.cmpi ne, %rem3A_240, %ne3A_242 : vector<16xi32>
    %and3A_244 = arith.andi %ne3A_238, %ne3A_243 : vector<16xi1>
    %sub3A_245 = arith.constant 1 : i32
    %sub3A_246 = vector.broadcast %sub3A_245 : i32 to vector<16xi32>
    %sub3A_247 = arith.subi %div3A_220, %sub3A_246 : vector<16xi32>
    %select_n3A_248 = arith.select %and3A_244, %sub3A_247, %div3A_220 : vector<16xi1>, vector<16xi32>
    %mul3A_249 = arith.constant 48 : i32
    %mul3A_250 = vector.broadcast %mul3A_249 : i32 to vector<16xi32>
    %mul3A_251 = arith.muli %select_n3A_248, %mul3A_250 : vector<16xi32>
    %sub3A_252 = arith.subi %add3A_217, %mul3A_251 : vector<16xi32>
    %jit3A_253 = arith.constant 3 : i32
    %div3A_254 = vector.broadcast %jit3A_253 : i32 to vector<16xi32>
    %div3A_255 = arith.divsi %sub3A_252, %div3A_254 : vector<16xi32>
    %sign3A_256 = arith.constant 0 : i32
    %sign3A_257 = vector.broadcast %sign3A_256 : i32 to vector<16xi32>
    %sign3A_258 = arith.cmpi sgt, %sub3A_252, %sign3A_257 : vector<16xi32>
    %sign3A_259 = arith.extui %sign3A_258 : vector<16xi1> to vector<16xi32>
    %sign3A_260 = arith.constant 0 : i32
    %sign3A_261 = vector.broadcast %sign3A_260 : i32 to vector<16xi32>
    %sign3A_262 = arith.cmpi slt, %sub3A_252, %sign3A_261 : vector<16xi32>
    %sign3A_263 = arith.extui %sign3A_262 : vector<16xi1> to vector<16xi32>
    %sign3A_264 = arith.subi %sign3A_259, %sign3A_263 : vector<16xi32>
    %sign3A_265 = arith.constant 0 : i32
    %sign3A_266 = arith.cmpi sgt, %jit3A_253, %sign3A_265 : i32
    %sign3A_267 = arith.extui %sign3A_266 : i1 to i32
    %sign3A_268 = arith.constant 0 : i32
    %sign3A_269 = arith.cmpi slt, %jit3A_253, %sign3A_268 : i32
    %sign3A_270 = arith.extui %sign3A_269 : i1 to i32
    %sign3A_271 = arith.subi %sign3A_267, %sign3A_270 : i32
    %ne3A_272 = vector.broadcast %sign3A_271 : i32 to vector<16xi32>
    %ne3A_273 = arith.cmpi ne, %sign3A_264, %ne3A_272 : vector<16xi32>
    %rem3A_274 = vector.broadcast %jit3A_253 : i32 to vector<16xi32>
    %rem3A_275 = arith.remsi %sub3A_252, %rem3A_274 : vector<16xi32>
    %ne3A_276 = arith.constant 0 : i32
    %ne3A_277 = vector.broadcast %ne3A_276 : i32 to vector<16xi32>
    %ne3A_278 = arith.cmpi ne, %rem3A_275, %ne3A_277 : vector<16xi32>
    %and3A_279 = arith.andi %ne3A_273, %ne3A_278 : vector<16xi1>
    %sub3A_280 = arith.constant 1 : i32
    %sub3A_281 = vector.broadcast %sub3A_280 : i32 to vector<16xi32>
    %sub3A_282 = arith.subi %div3A_255, %sub3A_281 : vector<16xi32>
    %select_n3A_283 = arith.select %and3A_279, %sub3A_282, %div3A_255 : vector<16xi1>, vector<16xi32>
    %mul3A_284 = arith.constant 3 : i32
    %mul3A_285 = vector.broadcast %mul3A_284 : i32 to vector<16xi32>
    %mul3A_286 = arith.muli %select_n3A_283, %mul3A_285 : vector<16xi32>
    %sub3A_287 = arith.subi %sub3A_252, %mul3A_286 : vector<16xi32>
    %mul3A_288 = arith.constant 128 : i32
    %mul3A_289 = vector.broadcast %mul3A_288 : i32 to vector<16xi32>
    %mul3A_290 = arith.muli %select_n3A_248, %mul3A_289 : vector<16xi32>
    %mul3A_291 = arith.constant 16 : i32
    %mul3A_292 = arith.muli %select_n3A, %mul3A_291 : i32
    %add3A_293 = vector.broadcast %mul3A_292 : i32 to vector<16xi32>
    %add3A_294 = arith.addi %mul3A_290, %add3A_293 : vector<16xi32>
    %add3A_295 = arith.addi %add3A_294, %select_n3A_283 : vector<16xi32>
    %mul3A_296 = arith.constant 4 : i32
    %mul3A_297 = vector.broadcast %mul3A_296 : i32 to vector<16xi32>
    %mul3A_298 = arith.muli %add3A_295, %mul3A_297 : vector<16xi32>
    %add3A_299 = arith.addi %mul3A_298, %sub3A_287 : vector<16xi32>
    %add3A_300 = arith.constant 1 : i32
    %add3A_301 = vector.broadcast %add3A_300 : i32 to vector<16xi32>
    %add3A_302 = arith.addi %add3A_299, %add3A_301 : vector<16xi32>
    %swap3A_303 = arith.constant 32 : index
    %swap3A_304 = tpu.vector_load %arg9[%swap3A_303] {strides = array<i32>} : memref<384xi32, #tpu.memory_space<vmem>>, vector<16xi32>,
    tpu.vector_store %arg9[%swap3A_303], %add3A_302 {strides = array<i32>} : memref<384xi32, #tpu.memory_space<vmem>>, vector<16xi32>,
    %add3A_305 = arith.constant 48 : i32
    %add3A_306 = vector.broadcast %add3A_305 : i32 to vector<16xi32>
    %add3A_307 = arith.addi %iota3A, %add3A_306 : vector<16xi32>
    %jit3A_308 = arith.constant 48 : i32
    %div3A_309 = vector.broadcast %jit3A_308 : i32 to vector<16xi32>
    %div3A_310 = arith.divsi %add3A_307, %div3A_309 : vector<16xi32>
    %sign3A_311 = arith.constant 0 : i32
    %sign3A_312 = vector.broadcast %sign3A_311 : i32 to vector<16xi32>
    %sign3A_313 = arith.cmpi sgt, %add3A_307, %sign3A_312 : vector<16xi32>
    %sign3A_314 = arith.extui %sign3A_313 : vector<16xi1> to vector<16xi32>
    %sign3A_315 = arith.constant 0 : i32
    %sign3A_316 = vector.broadcast %sign3A_315 : i32 to vector<16xi32>
    %sign3A_317 = arith.cmpi slt, %add3A_307, %sign3A_316 : vector<16xi32>
    %sign3A_318 = arith.extui %sign3A_317 : vector<16xi1> to vector<16xi32>
    %sign3A_319 = arith.subi %sign3A_314, %sign3A_318 : vector<16xi32>
    %sign3A_320 = arith.constant 0 : i32
    %sign3A_321 = arith.cmpi sgt, %jit3A_308, %sign3A_320 : i32
    %sign3A_322 = arith.extui %sign3A_321 : i1 to i32
    %sign3A_323 = arith.constant 0 : i32
    %sign3A_324 = arith.cmpi slt, %jit3A_308, %sign3A_323 : i32
    %sign3A_325 = arith.extui %sign3A_324 : i1 to i32
    %sign3A_326 = arith.subi %sign3A_322, %sign3A_325 : i32
    %ne3A_327 = vector.broadcast %sign3A_326 : i32 to vector<16xi32>
    %ne3A_328 = arith.cmpi ne, %sign3A_319, %ne3A_327 : vector<16xi32>
    %rem3A_329 = vector.broadcast %jit3A_308 : i32 to vector<16xi32>
    %rem3A_330 = arith.remsi %add3A_307, %rem3A_329 : vector<16xi32>
    %ne3A_331 = arith.constant 0 : i32
    %ne3A_332 = vector.broadcast %ne3A_331 : i32 to vector<16xi32>
    %ne3A_333 = arith.cmpi ne, %rem3A_330, %ne3A_332 : vector<16xi32>
    %and3A_334 = arith.andi %ne3A_328, %ne3A_333 : vector<16xi1>
    %sub3A_335 = arith.constant 1 : i32
    %sub3A_336 = vector.broadcast %sub3A_335 : i32 to vector<16xi32>
    %sub3A_337 = arith.subi %div3A_310, %sub3A_336 : vector<16xi32>
    %select_n3A_338 = arith.select %and3A_334, %sub3A_337, %div3A_310 : vector<16xi1>, vector<16xi32>
    %mul3A_339 = arith.constant 48 : i32
    %mul3A_340 = vector.broadcast %mul3A_339 : i32 to vector<16xi32>
    %mul3A_341 = arith.muli %select_n3A_338, %mul3A_340 : vector<16xi32>
    %sub3A_342 = arith.subi %add3A_307, %mul3A_341 : vector<16xi32>
    %jit3A_343 = arith.constant 3 : i32
    %div3A_344 = vector.broadcast %jit3A_343 : i32 to vector<16xi32>
    %div3A_345 = arith.divsi %sub3A_342, %div3A_344 : vector<16xi32>
    %sign3A_346 = arith.constant 0 : i32
    %sign3A_347 = vector.broadcast %sign3A_346 : i32 to vector<16xi32>
    %sign3A_348 = arith.cmpi sgt, %sub3A_342, %sign3A_347 : vector<16xi32>
    %sign3A_349 = arith.extui %sign3A_348 : vector<16xi1> to vector<16xi32>
    %sign3A_350 = arith.constant 0 : i32
    %sign3A_351 = vector.broadcast %sign3A_350 : i32 to vector<16xi32>
    %sign3A_352 = arith.cmpi slt, %sub3A_342, %sign3A_351 : vector<16xi32>
    %sign3A_353 = arith.extui %sign3A_352 : vector<16xi1> to vector<16xi32>
    %sign3A_354 = arith.subi %sign3A_349, %sign3A_353 : vector<16xi32>
    %sign3A_355 = arith.constant 0 : i32
    %sign3A_356 = arith.cmpi sgt, %jit3A_343, %sign3A_355 : i32
    %sign3A_357 = arith.extui %sign3A_356 : i1 to i32
    %sign3A_358 = arith.constant 0 : i32
    %sign3A_359 = arith.cmpi slt, %jit3A_343, %sign3A_358 : i32
    %sign3A_360 = arith.extui %sign3A_359 : i1 to i32
    %sign3A_361 = arith.subi %sign3A_357, %sign3A_360 : i32
    %ne3A_362 = vector.broadcast %sign3A_361 : i32 to vector<16xi32>
    %ne3A_363 = arith.cmpi ne, %sign3A_354, %ne3A_362 : vector<16xi32>
    %rem3A_364 = vector.broadcast %jit3A_343 : i32 to vector<16xi32>
    %rem3A_365 = arith.remsi %sub3A_342, %rem3A_364 : vector<16xi32>
    %ne3A_366 = arith.constant 0 : i32
    %ne3A_367 = vector.broadcast %ne3A_366 : i32 to vector<16xi32>
    %ne3A_368 = arith.cmpi ne, %rem3A_365, %ne3A_367 : vector<16xi32>
    %and3A_369 = arith.andi %ne3A_363, %ne3A_368 : vector<16xi1>
    %sub3A_370 = arith.constant 1 : i32
    %sub3A_371 = vector.broadcast %sub3A_370 : i32 to vector<16xi32>
    %sub3A_372 = arith.subi %div3A_345, %sub3A_371 : vector<16xi32>
    %select_n3A_373 = arith.select %and3A_369, %sub3A_372, %div3A_345 : vector<16xi1>, vector<16xi32>
    %mul3A_374 = arith.constant 3 : i32
    %mul3A_375 = vector.broadcast %mul3A_374 : i32 to vector<16xi32>
    %mul3A_376 = arith.muli %select_n3A_373, %mul3A_375 : vector<16xi32>
    %sub3A_377 = arith.subi %sub3A_342, %mul3A_376 : vector<16xi32>
    %mul3A_378 = arith.constant 128 : i32
    %mul3A_379 = vector.broadcast %mul3A_378 : i32 to vector<16xi32>
    %mul3A_380 = arith.muli %select_n3A_338, %mul3A_379 : vector<16xi32>
    %mul3A_381 = arith.constant 16 : i32
    %mul3A_382 = arith.muli %select_n3A, %mul3A_381 : i32
    %add3A_383 = vector.broadcast %mul3A_382 : i32 to vector<16xi32>
    %add3A_384 = arith.addi %mul3A_380, %add3A_383 : vector<16xi32>
    %add3A_385 = arith.addi %add3A_384, %select_n3A_373 : vector<16xi32>
    %mul3A_386 = arith.constant 4 : i32
    %mul3A_387 = vector.broadcast %mul3A_386 : i32 to vector<16xi32>
    %mul3A_388 = arith.muli %add3A_385, %mul3A_387 : vector<16xi32>
    %add3A_389 = arith.addi %mul3A_388, %sub3A_377 : vector<16xi32>
    %add3A_390 = arith.constant 1 : i32
    %add3A_391 = vector.broadcast %add3A_390 : i32 to vector<16xi32>
    %add3A_392 = arith.addi %add3A_389, %add3A_391 : vector<16xi32>
    %swap3A_393 = arith.constant 48 : index
    %swap3A_394 = tpu.vector_load %arg9[%swap3A_393] {strides = array<i32>} : memref<384xi32, #tpu.memory_space<vmem>>, vector<16xi32>,
    tpu.vector_store %arg9[%swap3A_393], %add3A_392 {strides = array<i32>} : memref<384xi32, #tpu.memory_space<vmem>>, vector<16xi32>,
    %add3A_395 = arith.constant 64 : i32
    %add3A_396 = vector.broadcast %add3A_395 : i32 to vector<16xi32>
    %add3A_397 = arith.addi %iota3A, %add3A_396 : vector<16xi32>
    %jit3A_398 = arith.constant 48 : i32
    %div3A_399 = vector.broadcast %jit3A_398 : i32 to vector<16xi32>
    %div3A_400 = arith.divsi %add3A_397, %div3A_399 : vector<16xi32>
    %sign3A_401 = arith.constant 0 : i32
    %sign3A_402 = vector.broadcast %sign3A_401 : i32 to vector<16xi32>
    %sign3A_403 = arith.cmpi sgt, %add3A_397, %sign3A_402 : vector<16xi32>
    %sign3A_404 = arith.extui %sign3A_403 : vector<16xi1> to vector<16xi32>
    %sign3A_405 = arith.constant 0 : i32
    %sign3A_406 = vector.broadcast %sign3A_405 : i32 to vector<16xi32>
    %sign3A_407 = arith.cmpi slt, %add3A_397, %sign3A_406 : vector<16xi32>
    %sign3A_408 = arith.extui %sign3A_407 : vector<16xi1> to vector<16xi32>
    %sign3A_409 = arith.subi %sign3A_404, %sign3A_408 : vector<16xi32>
    %sign3A_410 = arith.constant 0 : i32
    %sign3A_411 = arith.cmpi sgt, %jit3A_398, %sign3A_410 : i32
    %sign3A_412 = arith.extui %sign3A_411 : i1 to i32
    %sign3A_413 = arith.constant 0 : i32
    %sign3A_414 = arith.cmpi slt, %jit3A_398, %sign3A_413 : i32
    %sign3A_415 = arith.extui %sign3A_414 : i1 to i32
    %sign3A_416 = arith.subi %sign3A_412, %sign3A_415 : i32
    %ne3A_417 = vector.broadcast %sign3A_416 : i32 to vector<16xi32>
    %ne3A_418 = arith.cmpi ne, %sign3A_409, %ne3A_417 : vector<16xi32>
    %rem3A_419 = vector.broadcast %jit3A_398 : i32 to vector<16xi32>
    %rem3A_420 = arith.remsi %add3A_397, %rem3A_419 : vector<16xi32>
    %ne3A_421 = arith.constant 0 : i32
    %ne3A_422 = vector.broadcast %ne3A_421 : i32 to vector<16xi32>
    %ne3A_423 = arith.cmpi ne, %rem3A_420, %ne3A_422 : vector<16xi32>
    %and3A_424 = arith.andi %ne3A_418, %ne3A_423 : vector<16xi1>
    %sub3A_425 = arith.constant 1 : i32
    %sub3A_426 = vector.broadcast %sub3A_425 : i32 to vector<16xi32>
    %sub3A_427 = arith.subi %div3A_400, %sub3A_426 : vector<16xi32>
    %select_n3A_428 = arith.select %and3A_424, %sub3A_427, %div3A_400 : vector<16xi1>, vector<16xi32>
    %mul3A_429 = arith.constant 48 : i32
    %mul3A_430 = vector.broadcast %mul3A_429 : i32 to vector<16xi32>
    %mul3A_431 = arith.muli %select_n3A_428, %mul3A_430 : vector<16xi32>
    %sub3A_432 = arith.subi %add3A_397, %mul3A_431 : vector<16xi32>
    %jit3A_433 = arith.constant 3 : i32
    %div3A_434 = vector.broadcast %jit3A_433 : i32 to vector<16xi32>
    %div3A_435 = arith.divsi %sub3A_432, %div3A_434 : vector<16xi32>
    %sign3A_436 = arith.constant 0 : i32
    %sign3A_437 = vector.broadcast %sign3A_436 : i32 to vector<16xi32>
    %sign3A_438 = arith.cmpi sgt, %sub3A_432, %sign3A_437 : vector<16xi32>
    %sign3A_439 = arith.extui %sign3A_438 : vector<16xi1> to vector<16xi32>
    %sign3A_440 = arith.constant 0 : i32
    %sign3A_441 = vector.broadcast %sign3A_440 : i32 to vector<16xi32>
    %sign3A_442 = arith.cmpi slt, %sub3A_432, %sign3A_441 : vector<16xi32>
    %sign3A_443 = arith.extui %sign3A_442 : vector<16xi1> to vector<16xi32>
    %sign3A_444 = arith.subi %sign3A_439, %sign3A_443 : vector<16xi32>
    %sign3A_445 = arith.constant 0 : i32
    %sign3A_446 = arith.cmpi sgt, %jit3A_433, %sign3A_445 : i32
    %sign3A_447 = arith.extui %sign3A_446 : i1 to i32
    %sign3A_448 = arith.constant 0 : i32
    %sign3A_449 = arith.cmpi slt, %jit3A_433, %sign3A_448 : i32
    %sign3A_450 = arith.extui %sign3A_449 : i1 to i32
    %sign3A_451 = arith.subi %sign3A_447, %sign3A_450 : i32
    %ne3A_452 = vector.broadcast %sign3A_451 : i32 to vector<16xi32>
    %ne3A_453 = arith.cmpi ne, %sign3A_444, %ne3A_452 : vector<16xi32>
    %rem3A_454 = vector.broadcast %jit3A_433 : i32 to vector<16xi32>
    %rem3A_455 = arith.remsi %sub3A_432, %rem3A_454 : vector<16xi32>
    %ne3A_456 = arith.constant 0 : i32
    %ne3A_457 = vector.broadcast %ne3A_456 : i32 to vector<16xi32>
    %ne3A_458 = arith.cmpi ne, %rem3A_455, %ne3A_457 : vector<16xi32>
    %and3A_459 = arith.andi %ne3A_453, %ne3A_458 : vector<16xi1>
    %sub3A_460 = arith.constant 1 : i32
    %sub3A_461 = vector.broadcast %sub3A_460 : i32 to vector<16xi32>
    %sub3A_462 = arith.subi %div3A_435, %sub3A_461 : vector<16xi32>
    %select_n3A_463 = arith.select %and3A_459, %sub3A_462, %div3A_435 : vector<16xi1>, vector<16xi32>
    %mul3A_464 = arith.constant 3 : i32
    %mul3A_465 = vector.broadcast %mul3A_464 : i32 to vector<16xi32>
    %mul3A_466 = arith.muli %select_n3A_463, %mul3A_465 : vector<16xi32>
    %sub3A_467 = arith.subi %sub3A_432, %mul3A_466 : vector<16xi32>
    %mul3A_468 = arith.constant 128 : i32
    %mul3A_469 = vector.broadcast %mul3A_468 : i32 to vector<16xi32>
    %mul3A_470 = arith.muli %select_n3A_428, %mul3A_469 : vector<16xi32>
    %mul3A_471 = arith.constant 16 : i32
    %mul3A_472 = arith.muli %select_n3A, %mul3A_471 : i32
    %add3A_473 = vector.broadcast %mul3A_472 : i32 to vector<16xi32>
    %add3A_474 = arith.addi %mul3A_470, %add3A_473 : vector<16xi32>
    %add3A_475 = arith.addi %add3A_474, %select_n3A_463 : vector<16xi32>
    %mul3A_476 = arith.constant 4 : i32
    %mul3A_477 = vector.broadcast %mul3A_476 : i32 to vector<16xi32>
    %mul3A_478 = arith.muli %add3A_475, %mul3A_477 : vector<16xi32>
    %add3A_479 = arith.addi %mul3A_478, %sub3A_467 : vector<16xi32>
    %add3A_480 = arith.constant 1 : i32
    %add3A_481 = vector.broadcast %add3A_480 : i32 to vector<16xi32>
    %add3A_482 = arith.addi %add3A_479, %add3A_481 : vector<16xi32>
    %swap3A_483 = arith.constant 64 : index
    %swap3A_484 = tpu.vector_load %arg9[%swap3A_483] {strides = array<i32>} : memref<384xi32, #tpu.memory_space<vmem>>, vector<16xi32>,
    tpu.vector_store %arg9[%swap3A_483], %add3A_482 {strides = array<i32>} : memref<384xi32, #tpu.memory_space<vmem>>, vector<16xi32>,
    %add3A_485 = arith.constant 80 : i32
    %add3A_486 = vector.broadcast %add3A_485 : i32 to vector<16xi32>
    %add3A_487 = arith.addi %iota3A, %add3A_486 : vector<16xi32>
    %jit3A_488 = arith.constant 48 : i32
    %div3A_489 = vector.broadcast %jit3A_488 : i32 to vector<16xi32>
    %div3A_490 = arith.divsi %add3A_487, %div3A_489 : vector<16xi32>
    %sign3A_491 = arith.constant 0 : i32
    %sign3A_492 = vector.broadcast %sign3A_491 : i32 to vector<16xi32>
    %sign3A_493 = arith.cmpi sgt, %add3A_487, %sign3A_492 : vector<16xi32>
    %sign3A_494 = arith.extui %sign3A_493 : vector<16xi1> to vector<16xi32>
    %sign3A_495 = arith.constant 0 : i32
    %sign3A_496 = vector.broadcast %sign3A_495 : i32 to vector<16xi32>
    %sign3A_497 = arith.cmpi slt, %add3A_487, %sign3A_496 : vector<16xi32>
    %sign3A_498 = arith.extui %sign3A_497 : vector<16xi1> to vector<16xi32>
    %sign3A_499 = arith.subi %sign3A_494, %sign3A_498 : vector<16xi32>
    %sign3A_500 = arith.constant 0 : i32
    %sign3A_501 = arith.cmpi sgt, %jit3A_488, %sign3A_500 : i32
    %sign3A_502 = arith.extui %sign3A_501 : i1 to i32
    %sign3A_503 = arith.constant 0 : i32
    %sign3A_504 = arith.cmpi slt, %jit3A_488, %sign3A_503 : i32
    %sign3A_505 = arith.extui %sign3A_504 : i1 to i32
    %sign3A_506 = arith.subi %sign3A_502, %sign3A_505 : i32
    %ne3A_507 = vector.broadcast %sign3A_506 : i32 to vector<16xi32>
    %ne3A_508 = arith.cmpi ne, %sign3A_499, %ne3A_507 : vector<16xi32>
    %rem3A_509 = vector.broadcast %jit3A_488 : i32 to vector<16xi32>
    %rem3A_510 = arith.remsi %add3A_487, %rem3A_509 : vector<16xi32>
    %ne3A_511 = arith.constant 0 : i32
    %ne3A_512 = vector.broadcast %ne3A_511 : i32 to vector<16xi32>
    %ne3A_513 = arith.cmpi ne, %rem3A_510, %ne3A_512 : vector<16xi32>
    %and3A_514 = arith.andi %ne3A_508, %ne3A_513 : vector<16xi1>
    %sub3A_515 = arith.constant 1 : i32
    %sub3A_516 = vector.broadcast %sub3A_515 : i32 to vector<16xi32>
    %sub3A_517 = arith.subi %div3A_490, %sub3A_516 : vector<16xi32>
    %select_n3A_518 = arith.select %and3A_514, %sub3A_517, %div3A_490 : vector<16xi1>, vector<16xi32>
    %mul3A_519 = arith.constant 48 : i32
    %mul3A_520 = vector.broadcast %mul3A_519 : i32 to vector<16xi32>
    %mul3A_521 = arith.muli %select_n3A_518, %mul3A_520 : vector<16xi32>
    %sub3A_522 = arith.subi %add3A_487, %mul3A_521 : vector<16xi32>
    %jit3A_523 = arith.constant 3 : i32
    %div3A_524 = vector.broadcast %jit3A_523 : i32 to vector<16xi32>
    %div3A_525 = arith.divsi %sub3A_522, %div3A_524 : vector<16xi32>
    %sign3A_526 = arith.constant 0 : i32
    %sign3A_527 = vector.broadcast %sign3A_526 : i32 to vector<16xi32>
    %sign3A_528 = arith.cmpi sgt, %sub3A_522, %sign3A_527 : vector<16xi32>
    %sign3A_529 = arith.extui %sign3A_528 : vector<16xi1> to vector<16xi32>
    %sign3A_530 = arith.constant 0 : i32
    %sign3A_531 = vector.broadcast %sign3A_530 : i32 to vector<16xi32>
    %sign3A_532 = arith.cmpi slt, %sub3A_522, %sign3A_531 : vector<16xi32>
    %sign3A_533 = arith.extui %sign3A_532 : vector<16xi1> to vector<16xi32>
    %sign3A_534 = arith.subi %sign3A_529, %sign3A_533 : vector<16xi32>
    %sign3A_535 = arith.constant 0 : i32
    %sign3A_536 = arith.cmpi sgt, %jit3A_523, %sign3A_535 : i32
    %sign3A_537 = arith.extui %sign3A_536 : i1 to i32
    %sign3A_538 = arith.constant 0 : i32
    %sign3A_539 = arith.cmpi slt, %jit3A_523, %sign3A_538 : i32
    %sign3A_540 = arith.extui %sign3A_539 : i1 to i32
    %sign3A_541 = arith.subi %sign3A_537, %sign3A_540 : i32
    %ne3A_542 = vector.broadcast %sign3A_541 : i32 to vector<16xi32>
    %ne3A_543 = arith.cmpi ne, %sign3A_534, %ne3A_542 : vector<16xi32>
    %rem3A_544 = vector.broadcast %jit3A_523 : i32 to vector<16xi32>
    %rem3A_545 = arith.remsi %sub3A_522, %rem3A_544 : vector<16xi32>
    %ne3A_546 = arith.constant 0 : i32
    %ne3A_547 = vector.broadcast %ne3A_546 : i32 to vector<16xi32>
    %ne3A_548 = arith.cmpi ne, %rem3A_545, %ne3A_547 : vector<16xi32>
    %and3A_549 = arith.andi %ne3A_543, %ne3A_548 : vector<16xi1>
    %sub3A_550 = arith.constant 1 : i32
    %sub3A_551 = vector.broadcast %sub3A_550 : i32 to vector<16xi32>
    %sub3A_552 = arith.subi %div3A_525, %sub3A_551 : vector<16xi32>
    %select_n3A_553 = arith.select %and3A_549, %sub3A_552, %div3A_525 : vector<16xi1>, vector<16xi32>
    %mul3A_554 = arith.constant 3 : i32
    %mul3A_555 = vector.broadcast %mul3A_554 : i32 to vector<16xi32>
    %mul3A_556 = arith.muli %select_n3A_553, %mul3A_555 : vector<16xi32>
    %sub3A_557 = arith.subi %sub3A_522, %mul3A_556 : vector<16xi32>
    %mul3A_558 = arith.constant 128 : i32
    %mul3A_559 = vector.broadcast %mul3A_558 : i32 to vector<16xi32>
    %mul3A_560 = arith.muli %select_n3A_518, %mul3A_559 : vector<16xi32>
    %mul3A_561 = arith.constant 16 : i32
    %mul3A_562 = arith.muli %select_n3A, %mul3A_561 : i32
    %add3A_563 = vector.broadcast %mul3A_562 : i32 to vector<16xi32>
    %add3A_564 = arith.addi %mul3A_560, %add3A_563 : vector<16xi32>
    %add3A_565 = arith.addi %add3A_564, %select_n3A_553 : vector<16xi32>
    %mul3A_566 = arith.constant 4 : i32
    %mul3A_567 = vector.broadcast %mul3A_566 : i32 to vector<16xi32>
    %mul3A_568 = arith.muli %add3A_565, %mul3A_567 : vector<16xi32>
    %add3A_569 = arith.addi %mul3A_568, %sub3A_557 : vector<16xi32>
    %add3A_570 = arith.constant 1 : i32
    %add3A_571 = vector.broadcast %add3A_570 : i32 to vector<16xi32>
    %add3A_572 = arith.addi %add3A_569, %add3A_571 : vector<16xi32>
    %swap3A_573 = arith.constant 80 : index
    %swap3A_574 = tpu.vector_load %arg9[%swap3A_573] {strides = array<i32>} : memref<384xi32, #tpu.memory_space<vmem>>, vector<16xi32>,
    tpu.vector_store %arg9[%swap3A_573], %add3A_572 {strides = array<i32>} : memref<384xi32, #tpu.memory_space<vmem>>, vector<16xi32>,
    %add3A_575 = arith.constant 96 : i32
    %add3A_576 = vector.broadcast %add3A_575 : i32 to vector<16xi32>
    %add3A_577 = arith.addi %iota3A, %add3A_576 : vector<16xi32>
    %jit3A_578 = arith.constant 48 : i32
    %div3A_579 = vector.broadcast %jit3A_578 : i32 to vector<16xi32>
    %div3A_580 = arith.divsi %add3A_577, %div3A_579 : vector<16xi32>
    %sign3A_581 = arith.constant 0 : i32
    %sign3A_582 = vector.broadcast %sign3A_581 : i32 to vector<16xi32>
    %sign3A_583 = arith.cmpi sgt, %add3A_577, %sign3A_582 : vector<16xi32>
    %sign3A_584 = arith.extui %sign3A_583 : vector<16xi1> to vector<16xi32>
    %sign3A_585 = arith.constant 0 : i32
    %sign3A_586 = vector.broadcast %sign3A_585 : i32 to vector<16xi32>
    %sign3A_587 = arith.cmpi slt, %add3A_577, %sign3A_586 : vector<16xi32>
    %sign3A_588 = arith.extui %sign3A_587 : vector<16xi1> to vector<16xi32>
    %sign3A_589 = arith.subi %sign3A_584, %sign3A_588 : vector<16xi32>
    %sign3A_590 = arith.constant 0 : i32
    %sign3A_591 = arith.cmpi sgt, %jit3A_578, %sign3A_590 : i32
    %sign3A_592 = arith.extui %sign3A_591 : i1 to i32
    %sign3A_593 = arith.constant 0 : i32
    %sign3A_594 = arith.cmpi slt, %jit3A_578, %sign3A_593 : i32
    %sign3A_595 = arith.extui %sign3A_594 : i1 to i32
    %sign3A_596 = arith.subi %sign3A_592, %sign3A_595 : i32
    %ne3A_597 = vector.broadcast %sign3A_596 : i32 to vector<16xi32>
    %ne3A_598 = arith.cmpi ne, %sign3A_589, %ne3A_597 : vector<16xi32>
    %rem3A_599 = vector.broadcast %jit3A_578 : i32 to vector<16xi32>
    %rem3A_600 = arith.remsi %add3A_577, %rem3A_599 : vector<16xi32>
    %ne3A_601 = arith.constant 0 : i32
    %ne3A_602 = vector.broadcast %ne3A_601 : i32 to vector<16xi32>
    %ne3A_603 = arith.cmpi ne, %rem3A_600, %ne3A_602 : vector<16xi32>
    %and3A_604 = arith.andi %ne3A_598, %ne3A_603 : vector<16xi1>
    %sub3A_605 = arith.constant 1 : i32
    %sub3A_606 = vector.broadcast %sub3A_605 : i32 to vector<16xi32>
    %sub3A_607 = arith.subi %div3A_580, %sub3A_606 : vector<16xi32>
    %select_n3A_608 = arith.select %and3A_604, %sub3A_607, %div3A_580 : vector<16xi1>, vector<16xi32>
    %mul3A_609 = arith.constant 48 : i32
    %mul3A_610 = vector.broadcast %mul3A_609 : i32 to vector<16xi32>
    %mul3A_611 = arith.muli %select_n3A_608, %mul3A_610 : vector<16xi32>
    %sub3A_612 = arith.subi %add3A_577, %mul3A_611 : vector<16xi32>
    %jit3A_613 = arith.constant 3 : i32
    %div3A_614 = vector.broadcast %jit3A_613 : i32 to vector<16xi32>
    %div3A_615 = arith.divsi %sub3A_612, %div3A_614 : vector<16xi32>
    %sign3A_616 = arith.constant 0 : i32
    %sign3A_617 = vector.broadcast %sign3A_616 : i32 to vector<16xi32>
    %sign3A_618 = arith.cmpi sgt, %sub3A_612, %sign3A_617 : vector<16xi32>
    %sign3A_619 = arith.extui %sign3A_618 : vector<16xi1> to vector<16xi32>
    %sign3A_620 = arith.constant 0 : i32
    %sign3A_621 = vector.broadcast %sign3A_620 : i32 to vector<16xi32>
    %sign3A_622 = arith.cmpi slt, %sub3A_612, %sign3A_621 : vector<16xi32>
    %sign3A_623 = arith.extui %sign3A_622 : vector<16xi1> to vector<16xi32>
    %sign3A_624 = arith.subi %sign3A_619, %sign3A_623 : vector<16xi32>
    %sign3A_625 = arith.constant 0 : i32
    %sign3A_626 = arith.cmpi sgt, %jit3A_613, %sign3A_625 : i32
    %sign3A_627 = arith.extui %sign3A_626 : i1 to i32
    %sign3A_628 = arith.constant 0 : i32
    %sign3A_629 = arith.cmpi slt, %jit3A_613, %sign3A_628 : i32
    %sign3A_630 = arith.extui %sign3A_629 : i1 to i32
    %sign3A_631 = arith.subi %sign3A_627, %sign3A_630 : i32
    %ne3A_632 = vector.broadcast %sign3A_631 : i32 to vector<16xi32>
    %ne3A_633 = arith.cmpi ne, %sign3A_624, %ne3A_632 : vector<16xi32>
    %rem3A_634 = vector.broadcast %jit3A_613 : i32 to vector<16xi32>
    %rem3A_635 = arith.remsi %sub3A_612, %rem3A_634 : vector<16xi32>
    %ne3A_636 = arith.constant 0 : i32
    %ne3A_637 = vector.broadcast %ne3A_636 : i32 to vector<16xi32>
    %ne3A_638 = arith.cmpi ne, %rem3A_635, %ne3A_637 : vector<16xi32>
    %and3A_639 = arith.andi %ne3A_633, %ne3A_638 : vector<16xi1>
    %sub3A_640 = arith.constant 1 : i32
    %sub3A_641 = vector.broadcast %sub3A_640 : i32 to vector<16xi32>
    %sub3A_642 = arith.subi %div3A_615, %sub3A_641 : vector<16xi32>
    %select_n3A_643 = arith.select %and3A_639, %sub3A_642, %div3A_615 : vector<16xi1>, vector<16xi32>
    %mul3A_644 = arith.constant 3 : i32
    %mul3A_645 = vector.broadcast %mul3A_644 : i32 to vector<16xi32>
    %mul3A_646 = arith.muli %select_n3A_643, %mul3A_645 : vector<16xi32>
    %sub3A_647 = arith.subi %sub3A_612, %mul3A_646 : vector<16xi32>
    %mul3A_648 = arith.constant 128 : i32
    %mul3A_649 = vector.broadcast %mul3A_648 : i32 to vector<16xi32>
    %mul3A_650 = arith.muli %select_n3A_608, %mul3A_649 : vector<16xi32>
    %mul3A_651 = arith.constant 16 : i32
    %mul3A_652 = arith.muli %select_n3A, %mul3A_651 : i32
    %add3A_653 = vector.broadcast %mul3A_652 : i32 to vector<16xi32>
    %add3A_654 = arith.addi %mul3A_650, %add3A_653 : vector<16xi32>
    %add3A_655 = arith.addi %add3A_654, %select_n3A_643 : vector<16xi32>
    %mul3A_656 = arith.constant 4 : i32
    %mul3A_657 = vector.broadcast %mul3A_656 : i32 to vector<16xi32>
    %mul3A_658 = arith.muli %add3A_655, %mul3A_657 : vector<16xi32>
    %add3A_659 = arith.addi %mul3A_658, %sub3A_647 : vector<16xi32>
    %add3A_660 = arith.constant 1 : i32
    %add3A_661 = vector.broadcast %add3A_660 : i32 to vector<16xi32>
    %add3A_662 = arith.addi %add3A_659, %add3A_661 : vector<16xi32>
    %swap3A_663 = arith.constant 96 : index
    %swap3A_664 = tpu.vector_load %arg9[%swap3A_663] {strides = array<i32>} : memref<384xi32, #tpu.memory_space<vmem>>, vector<16xi32>,
    tpu.vector_store %arg9[%swap3A_663], %add3A_662 {strides = array<i32>} : memref<384xi32, #tpu.memory_space<vmem>>, vector<16xi32>,
    %add3A_665 = arith.constant 112 : i32
    %add3A_666 = vector.broadcast %add3A_665 : i32 to vector<16xi32>
    %add3A_667 = arith.addi %iota3A, %add3A_666 : vector<16xi32>
    %jit3A_668 = arith.constant 48 : i32
    %div3A_669 = vector.broadcast %jit3A_668 : i32 to vector<16xi32>
    %div3A_670 = arith.divsi %add3A_667, %div3A_669 : vector<16xi32>
    %sign3A_671 = arith.constant 0 : i32
    %sign3A_672 = vector.broadcast %sign3A_671 : i32 to vector<16xi32>
    %sign3A_673 = arith.cmpi sgt, %add3A_667, %sign3A_672 : vector<16xi32>
    %sign3A_674 = arith.extui %sign3A_673 : vector<16xi1> to vector<16xi32>
    %sign3A_675 = arith.constant 0 : i32
    %sign3A_676 = vector.broadcast %sign3A_675 : i32 to vector<16xi32>
    %sign3A_677 = arith.cmpi slt, %add3A_667, %sign3A_676 : vector<16xi32>
    %sign3A_678 = arith.extui %sign3A_677 : vector<16xi1> to vector<16xi32>
    %sign3A_679 = arith.subi %sign3A_674, %sign3A_678 : vector<16xi32>
    %sign3A_680 = arith.constant 0 : i32
    %sign3A_681 = arith.cmpi sgt, %jit3A_668, %sign3A_680 : i32
    %sign3A_682 = arith.extui %sign3A_681 : i1 to i32
    %sign3A_683 = arith.constant 0 : i32
    %sign3A_684 = arith.cmpi slt, %jit3A_668, %sign3A_683 : i32
    %sign3A_685 = arith.extui %sign3A_684 : i1 to i32
    %sign3A_686 = arith.subi %sign3A_682, %sign3A_685 : i32
    %ne3A_687 = vector.broadcast %sign3A_686 : i32 to vector<16xi32>
    %ne3A_688 = arith.cmpi ne, %sign3A_679, %ne3A_687 : vector<16xi32>
    %rem3A_689 = vector.broadcast %jit3A_668 : i32 to vector<16xi32>
    %rem3A_690 = arith.remsi %add3A_667, %rem3A_689 : vector<16xi32>
    %ne3A_691 = arith.constant 0 : i32
    %ne3A_692 = vector.broadcast %ne3A_691 : i32 to vector<16xi32>
    %ne3A_693 = arith.cmpi ne, %rem3A_690, %ne3A_692 : vector<16xi32>
    %and3A_694 = arith.andi %ne3A_688, %ne3A_693 : vector<16xi1>
    %sub3A_695 = arith.constant 1 : i32
    %sub3A_696 = vector.broadcast %sub3A_695 : i32 to vector<16xi32>
    %sub3A_697 = arith.subi %div3A_670, %sub3A_696 : vector<16xi32>
    %select_n3A_698 = arith.select %and3A_694, %sub3A_697, %div3A_670 : vector<16xi1>, vector<16xi32>
    %mul3A_699 = arith.constant 48 : i32
    %mul3A_700 = vector.broadcast %mul3A_699 : i32 to vector<16xi32>
    %mul3A_701 = arith.muli %select_n3A_698, %mul3A_700 : vector<16xi32>
    %sub3A_702 = arith.subi %add3A_667, %mul3A_701 : vector<16xi32>
    %jit3A_703 = arith.constant 3 : i32
    %div3A_704 = vector.broadcast %jit3A_703 : i32 to vector<16xi32>
    %div3A_705 = arith.divsi %sub3A_702, %div3A_704 : vector<16xi32>
    %sign3A_706 = arith.constant 0 : i32
    %sign3A_707 = vector.broadcast %sign3A_706 : i32 to vector<16xi32>
    %sign3A_708 = arith.cmpi sgt, %sub3A_702, %sign3A_707 : vector<16xi32>
    %sign3A_709 = arith.extui %sign3A_708 : vector<16xi1> to vector<16xi32>
    %sign3A_710 = arith.constant 0 : i32
    %sign3A_711 = vector.broadcast %sign3A_710 : i32 to vector<16xi32>
    %sign3A_712 = arith.cmpi slt, %sub3A_702, %sign3A_711 : vector<16xi32>
    %sign3A_713 = arith.extui %sign3A_712 : vector<16xi1> to vector<16xi32>
    %sign3A_714 = arith.subi %sign3A_709, %sign3A_713 : vector<16xi32>
    %sign3A_715 = arith.constant 0 : i32
    %sign3A_716 = arith.cmpi sgt, %jit3A_703, %sign3A_715 : i32
    %sign3A_717 = arith.extui %sign3A_716 : i1 to i32
    %sign3A_718 = arith.constant 0 : i32
    %sign3A_719 = arith.cmpi slt, %jit3A_703, %sign3A_718 : i32
    %sign3A_720 = arith.extui %sign3A_719 : i1 to i32
    %sign3A_721 = arith.subi %sign3A_717, %sign3A_720 : i32
    %ne3A_722 = vector.broadcast %sign3A_721 : i32 to vector<16xi32>
    %ne3A_723 = arith.cmpi ne, %sign3A_714, %ne3A_722 : vector<16xi32>
    %rem3A_724 = vector.broadcast %jit3A_703 : i32 to vector<16xi32>
    %rem3A_725 = arith.remsi %sub3A_702, %rem3A_724 : vector<16xi32>
    %ne3A_726 = arith.constant 0 : i32
    %ne3A_727 = vector.broadcast %ne3A_726 : i32 to vector<16xi32>
    %ne3A_728 = arith.cmpi ne, %rem3A_725, %ne3A_727 : vector<16xi32>
    %and3A_729 = arith.andi %ne3A_723, %ne3A_728 : vector<16xi1>
    %sub3A_730 = arith.constant 1 : i32
    %sub3A_731 = vector.broadcast %sub3A_730 : i32 to vector<16xi32>
    %sub3A_732 = arith.subi %div3A_705, %sub3A_731 : vector<16xi32>
    %select_n3A_733 = arith.select %and3A_729, %sub3A_732, %div3A_705 : vector<16xi1>, vector<16xi32>
    %mul3A_734 = arith.constant 3 : i32
    %mul3A_735 = vector.broadcast %mul3A_734 : i32 to vector<16xi32>
    %mul3A_736 = arith.muli %select_n3A_733, %mul3A_735 : vector<16xi32>
    %sub3A_737 = arith.subi %sub3A_702, %mul3A_736 : vector<16xi32>
    %mul3A_738 = arith.constant 128 : i32
    %mul3A_739 = vector.broadcast %mul3A_738 : i32 to vector<16xi32>
    %mul3A_740 = arith.muli %select_n3A_698, %mul3A_739 : vector<16xi32>
    %mul3A_741 = arith.constant 16 : i32
    %mul3A_742 = arith.muli %select_n3A, %mul3A_741 : i32
    %add3A_743 = vector.broadcast %mul3A_742 : i32 to vector<16xi32>
    %add3A_744 = arith.addi %mul3A_740, %add3A_743 : vector<16xi32>
    %add3A_745 = arith.addi %add3A_744, %select_n3A_733 : vector<16xi32>
    %mul3A_746 = arith.constant 4 : i32
    %mul3A_747 = vector.broadcast %mul3A_746 : i32 to vector<16xi32>
    %mul3A_748 = arith.muli %add3A_745, %mul3A_747 : vector<16xi32>
    %add3A_749 = arith.addi %mul3A_748, %sub3A_737 : vector<16xi32>
    %add3A_750 = arith.constant 1 : i32
    %add3A_751 = vector.broadcast %add3A_750 : i32 to vector<16xi32>
    %add3A_752 = arith.addi %add3A_749, %add3A_751 : vector<16xi32>
    %swap3A_753 = arith.constant 112 : index
    %swap3A_754 = tpu.vector_load %arg9[%swap3A_753] {strides = array<i32>} : memref<384xi32, #tpu.memory_space<vmem>>, vector<16xi32>,
    tpu.vector_store %arg9[%swap3A_753], %add3A_752 {strides = array<i32>} : memref<384xi32, #tpu.memory_space<vmem>>, vector<16xi32>,
    %add3A_755 = arith.constant 128 : i32
    %add3A_756 = vector.broadcast %add3A_755 : i32 to vector<16xi32>
    %add3A_757 = arith.addi %iota3A, %add3A_756 : vector<16xi32>
    %jit3A_758 = arith.constant 48 : i32
    %div3A_759 = vector.broadcast %jit3A_758 : i32 to vector<16xi32>
    %div3A_760 = arith.divsi %add3A_757, %div3A_759 : vector<16xi32>
    %sign3A_761 = arith.constant 0 : i32
    %sign3A_762 = vector.broadcast %sign3A_761 : i32 to vector<16xi32>
    %sign3A_763 = arith.cmpi sgt, %add3A_757, %sign3A_762 : vector<16xi32>
    %sign3A_764 = arith.extui %sign3A_763 : vector<16xi1> to vector<16xi32>
    %sign3A_765 = arith.constant 0 : i32
    %sign3A_766 = vector.broadcast %sign3A_765 : i32 to vector<16xi32>
    %sign3A_767 = arith.cmpi slt, %add3A_757, %sign3A_766 : vector<16xi32>
    %sign3A_768 = arith.extui %sign3A_767 : vector<16xi1> to vector<16xi32>
    %sign3A_769 = arith.subi %sign3A_764, %sign3A_768 : vector<16xi32>
    %sign3A_770 = arith.constant 0 : i32
    %sign3A_771 = arith.cmpi sgt, %jit3A_758, %sign3A_770 : i32
    %sign3A_772 = arith.extui %sign3A_771 : i1 to i32
    %sign3A_773 = arith.constant 0 : i32
    %sign3A_774 = arith.cmpi slt, %jit3A_758, %sign3A_773 : i32
    %sign3A_775 = arith.extui %sign3A_774 : i1 to i32
    %sign3A_776 = arith.subi %sign3A_772, %sign3A_775 : i32
    %ne3A_777 = vector.broadcast %sign3A_776 : i32 to vector<16xi32>
    %ne3A_778 = arith.cmpi ne, %sign3A_769, %ne3A_777 : vector<16xi32>
    %rem3A_779 = vector.broadcast %jit3A_758 : i32 to vector<16xi32>
    %rem3A_780 = arith.remsi %add3A_757, %rem3A_779 : vector<16xi32>
    %ne3A_781 = arith.constant 0 : i32
    %ne3A_782 = vector.broadcast %ne3A_781 : i32 to vector<16xi32>
    %ne3A_783 = arith.cmpi ne, %rem3A_780, %ne3A_782 : vector<16xi32>
    %and3A_784 = arith.andi %ne3A_778, %ne3A_783 : vector<16xi1>
    %sub3A_785 = arith.constant 1 : i32
    %sub3A_786 = vector.broadcast %sub3A_785 : i32 to vector<16xi32>
    %sub3A_787 = arith.subi %div3A_760, %sub3A_786 : vector<16xi32>
    %select_n3A_788 = arith.select %and3A_784, %sub3A_787, %div3A_760 : vector<16xi1>, vector<16xi32>
    %mul3A_789 = arith.constant 48 : i32
    %mul3A_790 = vector.broadcast %mul3A_789 : i32 to vector<16xi32>
    %mul3A_791 = arith.muli %select_n3A_788, %mul3A_790 : vector<16xi32>
    %sub3A_792 = arith.subi %add3A_757, %mul3A_791 : vector<16xi32>
    %jit3A_793 = arith.constant 3 : i32
    %div3A_794 = vector.broadcast %jit3A_793 : i32 to vector<16xi32>
    %div3A_795 = arith.divsi %sub3A_792, %div3A_794 : vector<16xi32>
    %sign3A_796 = arith.constant 0 : i32
    %sign3A_797 = vector.broadcast %sign3A_796 : i32 to vector<16xi32>
    %sign3A_798 = arith.cmpi sgt, %sub3A_792, %sign3A_797 : vector<16xi32>
    %sign3A_799 = arith.extui %sign3A_798 : vector<16xi1> to vector<16xi32>
    %sign3A_800 = arith.constant 0 : i32
    %sign3A_801 = vector.broadcast %sign3A_800 : i32 to vector<16xi32>
    %sign3A_802 = arith.cmpi slt, %sub3A_792, %sign3A_801 : vector<16xi32>
    %sign3A_803 = arith.extui %sign3A_802 : vector<16xi1> to vector<16xi32>
    %sign3A_804 = arith.subi %sign3A_799, %sign3A_803 : vector<16xi32>
    %sign3A_805 = arith.constant 0 : i32
    %sign3A_806 = arith.cmpi sgt, %jit3A_793, %sign3A_805 : i32
    %sign3A_807 = arith.extui %sign3A_806 : i1 to i32
    %sign3A_808 = arith.constant 0 : i32
    %sign3A_809 = arith.cmpi slt, %jit3A_793, %sign3A_808 : i32
    %sign3A_810 = arith.extui %sign3A_809 : i1 to i32
    %sign3A_811 = arith.subi %sign3A_807, %sign3A_810 : i32
    %ne3A_812 = vector.broadcast %sign3A_811 : i32 to vector<16xi32>
    %ne3A_813 = arith.cmpi ne, %sign3A_804, %ne3A_812 : vector<16xi32>
    %rem3A_814 = vector.broadcast %jit3A_793 : i32 to vector<16xi32>
    %rem3A_815 = arith.remsi %sub3A_792, %rem3A_814 : vector<16xi32>
    %ne3A_816 = arith.constant 0 : i32
    %ne3A_817 = vector.broadcast %ne3A_816 : i32 to vector<16xi32>
    %ne3A_818 = arith.cmpi ne, %rem3A_815, %ne3A_817 : vector<16xi32>
    %and3A_819 = arith.andi %ne3A_813, %ne3A_818 : vector<16xi1>
    %sub3A_820 = arith.constant 1 : i32
    %sub3A_821 = vector.broadcast %sub3A_820 : i32 to vector<16xi32>
    %sub3A_822 = arith.subi %div3A_795, %sub3A_821 : vector<16xi32>
    %select_n3A_823 = arith.select %and3A_819, %sub3A_822, %div3A_795 : vector<16xi1>, vector<16xi32>
    %mul3A_824 = arith.constant 3 : i32
    %mul3A_825 = vector.broadcast %mul3A_824 : i32 to vector<16xi32>
    %mul3A_826 = arith.muli %select_n3A_823, %mul3A_825 : vector<16xi32>
    %sub3A_827 = arith.subi %sub3A_792, %mul3A_826 : vector<16xi32>
    %mul3A_828 = arith.constant 128 : i32
    %mul3A_829 = vector.broadcast %mul3A_828 : i32 to vector<16xi32>
    %mul3A_830 = arith.muli %select_n3A_788, %mul3A_829 : vector<16xi32>
    %mul3A_831 = arith.constant 16 : i32
    %mul3A_832 = arith.muli %select_n3A, %mul3A_831 : i32
    %add3A_833 = vector.broadcast %mul3A_832 : i32 to vector<16xi32>
    %add3A_834 = arith.addi %mul3A_830, %add3A_833 : vector<16xi32>
    %add3A_835 = arith.addi %add3A_834, %select_n3A_823 : vector<16xi32>
    %mul3A_836 = arith.constant 4 : i32
    %mul3A_837 = vector.broadcast %mul3A_836 : i32 to vector<16xi32>
    %mul3A_838 = arith.muli %add3A_835, %mul3A_837 : vector<16xi32>
    %add3A_839 = arith.addi %mul3A_838, %sub3A_827 : vector<16xi32>
    %add3A_840 = arith.constant 1 : i32
    %add3A_841 = vector.broadcast %add3A_840 : i32 to vector<16xi32>
    %add3A_842 = arith.addi %add3A_839, %add3A_841 : vector<16xi32>
    %swap3A_843 = arith.constant 128 : index
    %swap3A_844 = tpu.vector_load %arg9[%swap3A_843] {strides = array<i32>} : memref<384xi32, #tpu.memory_space<vmem>>, vector<16xi32>,
    tpu.vector_store %arg9[%swap3A_843], %add3A_842 {strides = array<i32>} : memref<384xi32, #tpu.memory_space<vmem>>, vector<16xi32>,
    %add3A_845 = arith.constant 144 : i32
    %add3A_846 = vector.broadcast %add3A_845 : i32 to vector<16xi32>
    %add3A_847 = arith.addi %iota3A, %add3A_846 : vector<16xi32>
    %jit3A_848 = arith.constant 48 : i32
    %div3A_849 = vector.broadcast %jit3A_848 : i32 to vector<16xi32>
    %div3A_850 = arith.divsi %add3A_847, %div3A_849 : vector<16xi32>
    %sign3A_851 = arith.constant 0 : i32
    %sign3A_852 = vector.broadcast %sign3A_851 : i32 to vector<16xi32>
    %sign3A_853 = arith.cmpi sgt, %add3A_847, %sign3A_852 : vector<16xi32>
    %sign3A_854 = arith.extui %sign3A_853 : vector<16xi1> to vector<16xi32>
    %sign3A_855 = arith.constant 0 : i32
    %sign3A_856 = vector.broadcast %sign3A_855 : i32 to vector<16xi32>
    %sign3A_857 = arith.cmpi slt, %add3A_847, %sign3A_856 : vector<16xi32>
    %sign3A_858 = arith.extui %sign3A_857 : vector<16xi1> to vector<16xi32>
    %sign3A_859 = arith.subi %sign3A_854, %sign3A_858 : vector<16xi32>
    %sign3A_860 = arith.constant 0 : i32
    %sign3A_861 = arith.cmpi sgt, %jit3A_848, %sign3A_860 : i32
    %sign3A_862 = arith.extui %sign3A_861 : i1 to i32
    %sign3A_863 = arith.constant 0 : i32
    %sign3A_864 = arith.cmpi slt, %jit3A_848, %sign3A_863 : i32
    %sign3A_865 = arith.extui %sign3A_864 : i1 to i32
    %sign3A_866 = arith.subi %sign3A_862, %sign3A_865 : i32
    %ne3A_867 = vector.broadcast %sign3A_866 : i32 to vector<16xi32>
    %ne3A_868 = arith.cmpi ne, %sign3A_859, %ne3A_867 : vector<16xi32>
    %rem3A_869 = vector.broadcast %jit3A_848 : i32 to vector<16xi32>
    %rem3A_870 = arith.remsi %add3A_847, %rem3A_869 : vector<16xi32>
    %ne3A_871 = arith.constant 0 : i32
    %ne3A_872 = vector.broadcast %ne3A_871 : i32 to vector<16xi32>
    %ne3A_873 = arith.cmpi ne, %rem3A_870, %ne3A_872 : vector<16xi32>
    %and3A_874 = arith.andi %ne3A_868, %ne3A_873 : vector<16xi1>
    %sub3A_875 = arith.constant 1 : i32
    %sub3A_876 = vector.broadcast %sub3A_875 : i32 to vector<16xi32>
    %sub3A_877 = arith.subi %div3A_850, %sub3A_876 : vector<16xi32>
    %select_n3A_878 = arith.select %and3A_874, %sub3A_877, %div3A_850 : vector<16xi1>, vector<16xi32>
    %mul3A_879 = arith.constant 48 : i32
    %mul3A_880 = vector.broadcast %mul3A_879 : i32 to vector<16xi32>
    %mul3A_881 = arith.muli %select_n3A_878, %mul3A_880 : vector<16xi32>
    %sub3A_882 = arith.subi %add3A_847, %mul3A_881 : vector<16xi32>
    %jit3A_883 = arith.constant 3 : i32
    %div3A_884 = vector.broadcast %jit3A_883 : i32 to vector<16xi32>
    %div3A_885 = arith.divsi %sub3A_882, %div3A_884 : vector<16xi32>
    %sign3A_886 = arith.constant 0 : i32
    %sign3A_887 = vector.broadcast %sign3A_886 : i32 to vector<16xi32>
    %sign3A_888 = arith.cmpi sgt, %sub3A_882, %sign3A_887 : vector<16xi32>
    %sign3A_889 = arith.extui %sign3A_888 : vector<16xi1> to vector<16xi32>
    %sign3A_890 = arith.constant 0 : i32
    %sign3A_891 = vector.broadcast %sign3A_890 : i32 to vector<16xi32>
    %sign3A_892 = arith.cmpi slt, %sub3A_882, %sign3A_891 : vector<16xi32>
    %sign3A_893 = arith.extui %sign3A_892 : vector<16xi1> to vector<16xi32>
    %sign3A_894 = arith.subi %sign3A_889, %sign3A_893 : vector<16xi32>
    %sign3A_895 = arith.constant 0 : i32
    %sign3A_896 = arith.cmpi sgt, %jit3A_883, %sign3A_895 : i32
    %sign3A_897 = arith.extui %sign3A_896 : i1 to i32
    %sign3A_898 = arith.constant 0 : i32
    %sign3A_899 = arith.cmpi slt, %jit3A_883, %sign3A_898 : i32
    %sign3A_900 = arith.extui %sign3A_899 : i1 to i32
    %sign3A_901 = arith.subi %sign3A_897, %sign3A_900 : i32
    %ne3A_902 = vector.broadcast %sign3A_901 : i32 to vector<16xi32>
    %ne3A_903 = arith.cmpi ne, %sign3A_894, %ne3A_902 : vector<16xi32>
    %rem3A_904 = vector.broadcast %jit3A_883 : i32 to vector<16xi32>
    %rem3A_905 = arith.remsi %sub3A_882, %rem3A_904 : vector<16xi32>
    %ne3A_906 = arith.constant 0 : i32
    %ne3A_907 = vector.broadcast %ne3A_906 : i32 to vector<16xi32>
    %ne3A_908 = arith.cmpi ne, %rem3A_905, %ne3A_907 : vector<16xi32>
    %and3A_909 = arith.andi %ne3A_903, %ne3A_908 : vector<16xi1>
    %sub3A_910 = arith.constant 1 : i32
    %sub3A_911 = vector.broadcast %sub3A_910 : i32 to vector<16xi32>
    %sub3A_912 = arith.subi %div3A_885, %sub3A_911 : vector<16xi32>
    %select_n3A_913 = arith.select %and3A_909, %sub3A_912, %div3A_885 : vector<16xi1>, vector<16xi32>
    %mul3A_914 = arith.constant 3 : i32
    %mul3A_915 = vector.broadcast %mul3A_914 : i32 to vector<16xi32>
    %mul3A_916 = arith.muli %select_n3A_913, %mul3A_915 : vector<16xi32>
    %sub3A_917 = arith.subi %sub3A_882, %mul3A_916 : vector<16xi32>
    %mul3A_918 = arith.constant 128 : i32
    %mul3A_919 = vector.broadcast %mul3A_918 : i32 to vector<16xi32>
    %mul3A_920 = arith.muli %select_n3A_878, %mul3A_919 : vector<16xi32>
    %mul3A_921 = arith.constant 16 : i32
    %mul3A_922 = arith.muli %select_n3A, %mul3A_921 : i32
    %add3A_923 = vector.broadcast %mul3A_922 : i32 to vector<16xi32>
    %add3A_924 = arith.addi %mul3A_920, %add3A_923 : vector<16xi32>
    %add3A_925 = arith.addi %add3A_924, %select_n3A_913 : vector<16xi32>
    %mul3A_926 = arith.constant 4 : i32
    %mul3A_927 = vector.broadcast %mul3A_926 : i32 to vector<16xi32>
    %mul3A_928 = arith.muli %add3A_925, %mul3A_927 : vector<16xi32>
    %add3A_929 = arith.addi %mul3A_928, %sub3A_917 : vector<16xi32>
    %add3A_930 = arith.constant 1 : i32
    %add3A_931 = vector.broadcast %add3A_930 : i32 to vector<16xi32>
    %add3A_932 = arith.addi %add3A_929, %add3A_931 : vector<16xi32>
    %swap3A_933 = arith.constant 144 : index
    %swap3A_934 = tpu.vector_load %arg9[%swap3A_933] {strides = array<i32>} : memref<384xi32, #tpu.memory_space<vmem>>, vector<16xi32>,
    tpu.vector_store %arg9[%swap3A_933], %add3A_932 {strides = array<i32>} : memref<384xi32, #tpu.memory_space<vmem>>, vector<16xi32>,
    %add3A_935 = arith.constant 160 : i32
    %add3A_936 = vector.broadcast %add3A_935 : i32 to vector<16xi32>
    %add3A_937 = arith.addi %iota3A, %add3A_936 : vector<16xi32>
    %jit3A_938 = arith.constant 48 : i32
    %div3A_939 = vector.broadcast %jit3A_938 : i32 to vector<16xi32>
    %div3A_940 = arith.divsi %add3A_937, %div3A_939 : vector<16xi32>
    %sign3A_941 = arith.constant 0 : i32
    %sign3A_942 = vector.broadcast %sign3A_941 : i32 to vector<16xi32>
    %sign3A_943 = arith.cmpi sgt, %add3A_937, %sign3A_942 : vector<16xi32>
    %sign3A_944 = arith.extui %sign3A_943 : vector<16xi1> to vector<16xi32>
    %sign3A_945 = arith.constant 0 : i32
    %sign3A_946 = vector.broadcast %sign3A_945 : i32 to vector<16xi32>
    %sign3A_947 = arith.cmpi slt, %add3A_937, %sign3A_946 : vector<16xi32>
    %sign3A_948 = arith.extui %sign3A_947 : vector<16xi1> to vector<16xi32>
    %sign3A_949 = arith.subi %sign3A_944, %sign3A_948 : vector<16xi32>
    %sign3A_950 = arith.constant 0 : i32
    %sign3A_951 = arith.cmpi sgt, %jit3A_938, %sign3A_950 : i32
    %sign3A_952 = arith.extui %sign3A_951 : i1 to i32
    %sign3A_953 = arith.constant 0 : i32
    %sign3A_954 = arith.cmpi slt, %jit3A_938, %sign3A_953 : i32
    %sign3A_955 = arith.extui %sign3A_954 : i1 to i32
    %sign3A_956 = arith.subi %sign3A_952, %sign3A_955 : i32
    %ne3A_957 = vector.broadcast %sign3A_956 : i32 to vector<16xi32>
    %ne3A_958 = arith.cmpi ne, %sign3A_949, %ne3A_957 : vector<16xi32>
    %rem3A_959 = vector.broadcast %jit3A_938 : i32 to vector<16xi32>
    %rem3A_960 = arith.remsi %add3A_937, %rem3A_959 : vector<16xi32>
    %ne3A_961 = arith.constant 0 : i32
    %ne3A_962 = vector.broadcast %ne3A_961 : i32 to vector<16xi32>
    %ne3A_963 = arith.cmpi ne, %rem3A_960, %ne3A_962 : vector<16xi32>
    %and3A_964 = arith.andi %ne3A_958, %ne3A_963 : vector<16xi1>
    %sub3A_965 = arith.constant 1 : i32
    %sub3A_966 = vector.broadcast %sub3A_965 : i32 to vector<16xi32>
    %sub3A_967 = arith.subi %div3A_940, %sub3A_966 : vector<16xi32>
    %select_n3A_968 = arith.select %and3A_964, %sub3A_967, %div3A_940 : vector<16xi1>, vector<16xi32>
    %mul3A_969 = arith.constant 48 : i32
    %mul3A_970 = vector.broadcast %mul3A_969 : i32 to vector<16xi32>
    %mul3A_971 = arith.muli %select_n3A_968, %mul3A_970 : vector<16xi32>
    %sub3A_972 = arith.subi %add3A_937, %mul3A_971 : vector<16xi32>
    %jit3A_973 = arith.constant 3 : i32
    %div3A_974 = vector.broadcast %jit3A_973 : i32 to vector<16xi32>
    %div3A_975 = arith.divsi %sub3A_972, %div3A_974 : vector<16xi32>
    %sign3A_976 = arith.constant 0 : i32
    %sign3A_977 = vector.broadcast %sign3A_976 : i32 to vector<16xi32>
    %sign3A_978 = arith.cmpi sgt, %sub3A_972, %sign3A_977 : vector<16xi32>
    %sign3A_979 = arith.extui %sign3A_978 : vector<16xi1> to vector<16xi32>
    %sign3A_980 = arith.constant 0 : i32
    %sign3A_981 = vector.broadcast %sign3A_980 : i32 to vector<16xi32>
    %sign3A_982 = arith.cmpi slt, %sub3A_972, %sign3A_981 : vector<16xi32>
    %sign3A_983 = arith.extui %sign3A_982 : vector<16xi1> to vector<16xi32>
    %sign3A_984 = arith.subi %sign3A_979, %sign3A_983 : vector<16xi32>
    %sign3A_985 = arith.constant 0 : i32
    %sign3A_986 = arith.cmpi sgt, %jit3A_973, %sign3A_985 : i32
    %sign3A_987 = arith.extui %sign3A_986 : i1 to i32
    %sign3A_988 = arith.constant 0 : i32
    %sign3A_989 = arith.cmpi slt, %jit3A_973, %sign3A_988 : i32
    %sign3A_990 = arith.extui %sign3A_989 : i1 to i32
    %sign3A_991 = arith.subi %sign3A_987, %sign3A_990 : i32
    %ne3A_992 = vector.broadcast %sign3A_991 : i32 to vector<16xi32>
    %ne3A_993 = arith.cmpi ne, %sign3A_984, %ne3A_992 : vector<16xi32>
    %rem3A_994 = vector.broadcast %jit3A_973 : i32 to vector<16xi32>
    %rem3A_995 = arith.remsi %sub3A_972, %rem3A_994 : vector<16xi32>
    %ne3A_996 = arith.constant 0 : i32
    %ne3A_997 = vector.broadcast %ne3A_996 : i32 to vector<16xi32>
    %ne3A_998 = arith.cmpi ne, %rem3A_995, %ne3A_997 : vector<16xi32>
    %and3A_999 = arith.andi %ne3A_993, %ne3A_998 : vector<16xi1>
    %sub3A_1000 = arith.constant 1 : i32
    %sub3A_1001 = vector.broadcast %sub3A_1000 : i32 to vector<16xi32>
    %sub3A_1002 = arith.subi %div3A_975, %sub3A_1001 : vector<16xi32>
    %select_n3A_1003 = arith.select %and3A_999, %sub3A_1002, %div3A_975 : vector<16xi1>, vector<16xi32>
    %mul3A_1004 = arith.constant 3 : i32
    %mul3A_1005 = vector.broadcast %mul3A_1004 : i32 to vector<16xi32>
    %mul3A_1006 = arith.muli %select_n3A_1003, %mul3A_1005 : vector<16xi32>
    %sub3A_1007 = arith.subi %sub3A_972, %mul3A_1006 : vector<16xi32>
    %mul3A_1008 = arith.constant 128 : i32
    %mul3A_1009 = vector.broadcast %mul3A_1008 : i32 to vector<16xi32>
    %mul3A_1010 = arith.muli %select_n3A_968, %mul3A_1009 : vector<16xi32>
    %mul3A_1011 = arith.constant 16 : i32
    %mul3A_1012 = arith.muli %select_n3A, %mul3A_1011 : i32
    %add3A_1013 = vector.broadcast %mul3A_1012 : i32 to vector<16xi32>
    %add3A_1014 = arith.addi %mul3A_1010, %add3A_1013 : vector<16xi32>
    %add3A_1015 = arith.addi %add3A_1014, %select_n3A_1003 : vector<16xi32>
    %mul3A_1016 = arith.constant 4 : i32
    %mul3A_1017 = vector.broadcast %mul3A_1016 : i32 to vector<16xi32>
    %mul3A_1018 = arith.muli %add3A_1015, %mul3A_1017 : vector<16xi32>
    %add3A_1019 = arith.addi %mul3A_1018, %sub3A_1007 : vector<16xi32>
    %add3A_1020 = arith.constant 1 : i32
    %add3A_1021 = vector.broadcast %add3A_1020 : i32 to vector<16xi32>
    %add3A_1022 = arith.addi %add3A_1019, %add3A_1021 : vector<16xi32>
    %swap3A_1023 = arith.constant 160 : index
    %swap3A_1024 = tpu.vector_load %arg9[%swap3A_1023] {strides = array<i32>} : memref<384xi32, #tpu.memory_space<vmem>>, vector<16xi32>,
    tpu.vector_store %arg9[%swap3A_1023], %add3A_1022 {strides = array<i32>} : memref<384xi32, #tpu.memory_space<vmem>>, vector<16xi32>,
    %add3A_1025 = arith.constant 176 : i32
    %add3A_1026 = vector.broadcast %add3A_1025 : i32 to vector<16xi32>
    %add3A_1027 = arith.addi %iota3A, %add3A_1026 : vector<16xi32>
    %jit3A_1028 = arith.constant 48 : i32
    %div3A_1029 = vector.broadcast %jit3A_1028 : i32 to vector<16xi32>
    %div3A_1030 = arith.divsi %add3A_1027, %div3A_1029 : vector<16xi32>
    %sign3A_1031 = arith.constant 0 : i32
    %sign3A_1032 = vector.broadcast %sign3A_1031 : i32 to vector<16xi32>
    %sign3A_1033 = arith.cmpi sgt, %add3A_1027, %sign3A_1032 : vector<16xi32>
    %sign3A_1034 = arith.extui %sign3A_1033 : vector<16xi1> to vector<16xi32>
    %sign3A_1035 = arith.constant 0 : i32
    %sign3A_1036 = vector.broadcast %sign3A_1035 : i32 to vector<16xi32>
    %sign3A_1037 = arith.cmpi slt, %add3A_1027, %sign3A_1036 : vector<16xi32>
    %sign3A_1038 = arith.extui %sign3A_1037 : vector<16xi1> to vector<16xi32>
    %sign3A_1039 = arith.subi %sign3A_1034, %sign3A_1038 : vector<16xi32>
    %sign3A_1040 = arith.constant 0 : i32
    %sign3A_1041 = arith.cmpi sgt, %jit3A_1028, %sign3A_1040 : i32
    %sign3A_1042 = arith.extui %sign3A_1041 : i1 to i32
    %sign3A_1043 = arith.constant 0 : i32
    %sign3A_1044 = arith.cmpi slt, %jit3A_1028, %sign3A_1043 : i32
    %sign3A_1045 = arith.extui %sign3A_1044 : i1 to i32
    %sign3A_1046 = arith.subi %sign3A_1042, %sign3A_1045 : i32
    %ne3A_1047 = vector.broadcast %sign3A_1046 : i32 to vector<16xi32>
    %ne3A_1048 = arith.cmpi ne, %sign3A_1039, %ne3A_1047 : vector<16xi32>
    %rem3A_1049 = vector.broadcast %jit3A_1028 : i32 to vector<16xi32>
    %rem3A_1050 = arith.remsi %add3A_1027, %rem3A_1049 : vector<16xi32>
    %ne3A_1051 = arith.constant 0 : i32
    %ne3A_1052 = vector.broadcast %ne3A_1051 : i32 to vector<16xi32>
    %ne3A_1053 = arith.cmpi ne, %rem3A_1050, %ne3A_1052 : vector<16xi32>
    %and3A_1054 = arith.andi %ne3A_1048, %ne3A_1053 : vector<16xi1>
    %sub3A_1055 = arith.constant 1 : i32
    %sub3A_1056 = vector.broadcast %sub3A_1055 : i32 to vector<16xi32>
    %sub3A_1057 = arith.subi %div3A_1030, %sub3A_1056 : vector<16xi32>
    %select_n3A_1058 = arith.select %and3A_1054, %sub3A_1057, %div3A_1030 : vector<16xi1>, vector<16xi32>
    %mul3A_1059 = arith.constant 48 : i32
    %mul3A_1060 = vector.broadcast %mul3A_1059 : i32 to vector<16xi32>
    %mul3A_1061 = arith.muli %select_n3A_1058, %mul3A_1060 : vector<16xi32>
    %sub3A_1062 = arith.subi %add3A_1027, %mul3A_1061 : vector<16xi32>
    %jit3A_1063 = arith.constant 3 : i32
    %div3A_1064 = vector.broadcast %jit3A_1063 : i32 to vector<16xi32>
    %div3A_1065 = arith.divsi %sub3A_1062, %div3A_1064 : vector<16xi32>
    %sign3A_1066 = arith.constant 0 : i32
    %sign3A_1067 = vector.broadcast %sign3A_1066 : i32 to vector<16xi32>
    %sign3A_1068 = arith.cmpi sgt, %sub3A_1062, %sign3A_1067 : vector<16xi32>
    %sign3A_1069 = arith.extui %sign3A_1068 : vector<16xi1> to vector<16xi32>
    %sign3A_1070 = arith.constant 0 : i32
    %sign3A_1071 = vector.broadcast %sign3A_1070 : i32 to vector<16xi32>
    %sign3A_1072 = arith.cmpi slt, %sub3A_1062, %sign3A_1071 : vector<16xi32>
    %sign3A_1073 = arith.extui %sign3A_1072 : vector<16xi1> to vector<16xi32>
    %sign3A_1074 = arith.subi %sign3A_1069, %sign3A_1073 : vector<16xi32>
    %sign3A_1075 = arith.constant 0 : i32
    %sign3A_1076 = arith.cmpi sgt, %jit3A_1063, %sign3A_1075 : i32
    %sign3A_1077 = arith.extui %sign3A_1076 : i1 to i32
    %sign3A_1078 = arith.constant 0 : i32
    %sign3A_1079 = arith.cmpi slt, %jit3A_1063, %sign3A_1078 : i32
    %sign3A_1080 = arith.extui %sign3A_1079 : i1 to i32
    %sign3A_1081 = arith.subi %sign3A_1077, %sign3A_1080 : i32
    %ne3A_1082 = vector.broadcast %sign3A_1081 : i32 to vector<16xi32>
    %ne3A_1083 = arith.cmpi ne, %sign3A_1074, %ne3A_1082 : vector<16xi32>
    %rem3A_1084 = vector.broadcast %jit3A_1063 : i32 to vector<16xi32>
    %rem3A_1085 = arith.remsi %sub3A_1062, %rem3A_1084 : vector<16xi32>
    %ne3A_1086 = arith.constant 0 : i32
    %ne3A_1087 = vector.broadcast %ne3A_1086 : i32 to vector<16xi32>
    %ne3A_1088 = arith.cmpi ne, %rem3A_1085, %ne3A_1087 : vector<16xi32>
    %and3A_1089 = arith.andi %ne3A_1083, %ne3A_1088 : vector<16xi1>
    %sub3A_1090 = arith.constant 1 : i32
    %sub3A_1091 = vector.broadcast %sub3A_1090 : i32 to vector<16xi32>
    %sub3A_1092 = arith.subi %div3A_1065, %sub3A_1091 : vector<16xi32>
    %select_n3A_1093 = arith.select %and3A_1089, %sub3A_1092, %div3A_1065 : vector<16xi1>, vector<16xi32>
    %mul3A_1094 = arith.constant 3 : i32
    %mul3A_1095 = vector.broadcast %mul3A_1094 : i32 to vector<16xi32>
    %mul3A_1096 = arith.muli %select_n3A_1093, %mul3A_1095 : vector<16xi32>
    %sub3A_1097 = arith.subi %sub3A_1062, %mul3A_1096 : vector<16xi32>
    %mul3A_1098 = arith.constant 128 : i32
    %mul3A_1099 = vector.broadcast %mul3A_1098 : i32 to vector<16xi32>
    %mul3A_1100 = arith.muli %select_n3A_1058, %mul3A_1099 : vector<16xi32>
    %mul3A_1101 = arith.constant 16 : i32
    %mul3A_1102 = arith.muli %select_n3A, %mul3A_1101 : i32
    %add3A_1103 = vector.broadcast %mul3A_1102 : i32 to vector<16xi32>
    %add3A_1104 = arith.addi %mul3A_1100, %add3A_1103 : vector<16xi32>
    %add3A_1105 = arith.addi %add3A_1104, %select_n3A_1093 : vector<16xi32>
    %mul3A_1106 = arith.constant 4 : i32
    %mul3A_1107 = vector.broadcast %mul3A_1106 : i32 to vector<16xi32>
    %mul3A_1108 = arith.muli %add3A_1105, %mul3A_1107 : vector<16xi32>
    %add3A_1109 = arith.addi %mul3A_1108, %sub3A_1097 : vector<16xi32>
    %add3A_1110 = arith.constant 1 : i32
    %add3A_1111 = vector.broadcast %add3A_1110 : i32 to vector<16xi32>
    %add3A_1112 = arith.addi %add3A_1109, %add3A_1111 : vector<16xi32>
    %swap3A_1113 = arith.constant 176 : index
    %swap3A_1114 = tpu.vector_load %arg9[%swap3A_1113] {strides = array<i32>} : memref<384xi32, #tpu.memory_space<vmem>>, vector<16xi32>,
    tpu.vector_store %arg9[%swap3A_1113], %add3A_1112 {strides = array<i32>} : memref<384xi32, #tpu.memory_space<vmem>>, vector<16xi32>,
    %add3A_1115 = arith.constant 192 : i32
    %add3A_1116 = vector.broadcast %add3A_1115 : i32 to vector<16xi32>
    %add3A_1117 = arith.addi %iota3A, %add3A_1116 : vector<16xi32>
    %jit3A_1118 = arith.constant 48 : i32
    %div3A_1119 = vector.broadcast %jit3A_1118 : i32 to vector<16xi32>
    %div3A_1120 = arith.divsi %add3A_1117, %div3A_1119 : vector<16xi32>
    %sign3A_1121 = arith.constant 0 : i32
    %sign3A_1122 = vector.broadcast %sign3A_1121 : i32 to vector<16xi32>
    %sign3A_1123 = arith.cmpi sgt, %add3A_1117, %sign3A_1122 : vector<16xi32>
    %sign3A_1124 = arith.extui %sign3A_1123 : vector<16xi1> to vector<16xi32>
    %sign3A_1125 = arith.constant 0 : i32
    %sign3A_1126 = vector.broadcast %sign3A_1125 : i32 to vector<16xi32>
    %sign3A_1127 = arith.cmpi slt, %add3A_1117, %sign3A_1126 : vector<16xi32>
    %sign3A_1128 = arith.extui %sign3A_1127 : vector<16xi1> to vector<16xi32>
    %sign3A_1129 = arith.subi %sign3A_1124, %sign3A_1128 : vector<16xi32>
    %sign3A_1130 = arith.constant 0 : i32
    %sign3A_1131 = arith.cmpi sgt, %jit3A_1118, %sign3A_1130 : i32
    %sign3A_1132 = arith.extui %sign3A_1131 : i1 to i32
    %sign3A_1133 = arith.constant 0 : i32
    %sign3A_1134 = arith.cmpi slt, %jit3A_1118, %sign3A_1133 : i32
    %sign3A_1135 = arith.extui %sign3A_1134 : i1 to i32
    %sign3A_1136 = arith.subi %sign3A_1132, %sign3A_1135 : i32
    %ne3A_1137 = vector.broadcast %sign3A_1136 : i32 to vector<16xi32>
    %ne3A_1138 = arith.cmpi ne, %sign3A_1129, %ne3A_1137 : vector<16xi32>
    %rem3A_1139 = vector.broadcast %jit3A_1118 : i32 to vector<16xi32>
    %rem3A_1140 = arith.remsi %add3A_1117, %rem3A_1139 : vector<16xi32>
    %ne3A_1141 = arith.constant 0 : i32
    %ne3A_1142 = vector.broadcast %ne3A_1141 : i32 to vector<16xi32>
    %ne3A_1143 = arith.cmpi ne, %rem3A_1140, %ne3A_1142 : vector<16xi32>
    %and3A_1144 = arith.andi %ne3A_1138, %ne3A_1143 : vector<16xi1>
    %sub3A_1145 = arith.constant 1 : i32
    %sub3A_1146 = vector.broadcast %sub3A_1145 : i32 to vector<16xi32>
    %sub3A_1147 = arith.subi %div3A_1120, %sub3A_1146 : vector<16xi32>
    %select_n3A_1148 = arith.select %and3A_1144, %sub3A_1147, %div3A_1120 : vector<16xi1>, vector<16xi32>
    %mul3A_1149 = arith.constant 48 : i32
    %mul3A_1150 = vector.broadcast %mul3A_1149 : i32 to vector<16xi32>
    %mul3A_1151 = arith.muli %select_n3A_1148, %mul3A_1150 : vector<16xi32>
    %sub3A_1152 = arith.subi %add3A_1117, %mul3A_1151 : vector<16xi32>
    %jit3A_1153 = arith.constant 3 : i32
    %div3A_1154 = vector.broadcast %jit3A_1153 : i32 to vector<16xi32>
    %div3A_1155 = arith.divsi %sub3A_1152, %div3A_1154 : vector<16xi32>
    %sign3A_1156 = arith.constant 0 : i32
    %sign3A_1157 = vector.broadcast %sign3A_1156 : i32 to vector<16xi32>
    %sign3A_1158 = arith.cmpi sgt, %sub3A_1152, %sign3A_1157 : vector<16xi32>
    %sign3A_1159 = arith.extui %sign3A_1158 : vector<16xi1> to vector<16xi32>
    %sign3A_1160 = arith.constant 0 : i32
    %sign3A_1161 = vector.broadcast %sign3A_1160 : i32 to vector<16xi32>
    %sign3A_1162 = arith.cmpi slt, %sub3A_1152, %sign3A_1161 : vector<16xi32>
    %sign3A_1163 = arith.extui %sign3A_1162 : vector<16xi1> to vector<16xi32>
    %sign3A_1164 = arith.subi %sign3A_1159, %sign3A_1163 : vector<16xi32>
    %sign3A_1165 = arith.constant 0 : i32
    %sign3A_1166 = arith.cmpi sgt, %jit3A_1153, %sign3A_1165 : i32
    %sign3A_1167 = arith.extui %sign3A_1166 : i1 to i32
    %sign3A_1168 = arith.constant 0 : i32
    %sign3A_1169 = arith.cmpi slt, %jit3A_1153, %sign3A_1168 : i32
    %sign3A_1170 = arith.extui %sign3A_1169 : i1 to i32
    %sign3A_1171 = arith.subi %sign3A_1167, %sign3A_1170 : i32
    %ne3A_1172 = vector.broadcast %sign3A_1171 : i32 to vector<16xi32>
    %ne3A_1173 = arith.cmpi ne, %sign3A_1164, %ne3A_1172 : vector<16xi32>
    %rem3A_1174 = vector.broadcast %jit3A_1153 : i32 to vector<16xi32>
    %rem3A_1175 = arith.remsi %sub3A_1152, %rem3A_1174 : vector<16xi32>
    %ne3A_1176 = arith.constant 0 : i32
    %ne3A_1177 = vector.broadcast %ne3A_1176 : i32 to vector<16xi32>
    %ne3A_1178 = arith.cmpi ne, %rem3A_1175, %ne3A_1177 : vector<16xi32>
    %and3A_1179 = arith.andi %ne3A_1173, %ne3A_1178 : vector<16xi1>
    %sub3A_1180 = arith.constant 1 : i32
    %sub3A_1181 = vector.broadcast %sub3A_1180 : i32 to vector<16xi32>
    %sub3A_1182 = arith.subi %div3A_1155, %sub3A_1181 : vector<16xi32>
    %select_n3A_1183 = arith.select %and3A_1179, %sub3A_1182, %div3A_1155 : vector<16xi1>, vector<16xi32>
    %mul3A_1184 = arith.constant 3 : i32
    %mul3A_1185 = vector.broadcast %mul3A_1184 : i32 to vector<16xi32>
    %mul3A_1186 = arith.muli %select_n3A_1183, %mul3A_1185 : vector<16xi32>
    %sub3A_1187 = arith.subi %sub3A_1152, %mul3A_1186 : vector<16xi32>
    %mul3A_1188 = arith.constant 128 : i32
    %mul3A_1189 = vector.broadcast %mul3A_1188 : i32 to vector<16xi32>
    %mul3A_1190 = arith.muli %select_n3A_1148, %mul3A_1189 : vector<16xi32>
    %mul3A_1191 = arith.constant 16 : i32
    %mul3A_1192 = arith.muli %select_n3A, %mul3A_1191 : i32
    %add3A_1193 = vector.broadcast %mul3A_1192 : i32 to vector<16xi32>
    %add3A_1194 = arith.addi %mul3A_1190, %add3A_1193 : vector<16xi32>
    %add3A_1195 = arith.addi %add3A_1194, %select_n3A_1183 : vector<16xi32>
    %mul3A_1196 = arith.constant 4 : i32
    %mul3A_1197 = vector.broadcast %mul3A_1196 : i32 to vector<16xi32>
    %mul3A_1198 = arith.muli %add3A_1195, %mul3A_1197 : vector<16xi32>
    %add3A_1199 = arith.addi %mul3A_1198, %sub3A_1187 : vector<16xi32>
    %add3A_1200 = arith.constant 1 : i32
    %add3A_1201 = vector.broadcast %add3A_1200 : i32 to vector<16xi32>
    %add3A_1202 = arith.addi %add3A_1199, %add3A_1201 : vector<16xi32>
    %swap3A_1203 = arith.constant 192 : index
    %swap3A_1204 = tpu.vector_load %arg9[%swap3A_1203] {strides = array<i32>} : memref<384xi32, #tpu.memory_space<vmem>>, vector<16xi32>,
    tpu.vector_store %arg9[%swap3A_1203], %add3A_1202 {strides = array<i32>} : memref<384xi32, #tpu.memory_space<vmem>>, vector<16xi32>,
    %add3A_1205 = arith.constant 208 : i32
    %add3A_1206 = vector.broadcast %add3A_1205 : i32 to vector<16xi32>
    %add3A_1207 = arith.addi %iota3A, %add3A_1206 : vector<16xi32>
    %jit3A_1208 = arith.constant 48 : i32
    %div3A_1209 = vector.broadcast %jit3A_1208 : i32 to vector<16xi32>
    %div3A_1210 = arith.divsi %add3A_1207, %div3A_1209 : vector<16xi32>
    %sign3A_1211 = arith.constant 0 : i32
    %sign3A_1212 = vector.broadcast %sign3A_1211 : i32 to vector<16xi32>
    %sign3A_1213 = arith.cmpi sgt, %add3A_1207, %sign3A_1212 : vector<16xi32>
    %sign3A_1214 = arith.extui %sign3A_1213 : vector<16xi1> to vector<16xi32>
    %sign3A_1215 = arith.constant 0 : i32
    %sign3A_1216 = vector.broadcast %sign3A_1215 : i32 to vector<16xi32>
    %sign3A_1217 = arith.cmpi slt, %add3A_1207, %sign3A_1216 : vector<16xi32>
    %sign3A_1218 = arith.extui %sign3A_1217 : vector<16xi1> to vector<16xi32>
    %sign3A_1219 = arith.subi %sign3A_1214, %sign3A_1218 : vector<16xi32>
    %sign3A_1220 = arith.constant 0 : i32
    %sign3A_1221 = arith.cmpi sgt, %jit3A_1208, %sign3A_1220 : i32
    %sign3A_1222 = arith.extui %sign3A_1221 : i1 to i32
    %sign3A_1223 = arith.constant 0 : i32
    %sign3A_1224 = arith.cmpi slt, %jit3A_1208, %sign3A_1223 : i32
    %sign3A_1225 = arith.extui %sign3A_1224 : i1 to i32
    %sign3A_1226 = arith.subi %sign3A_1222, %sign3A_1225 : i32
    %ne3A_1227 = vector.broadcast %sign3A_1226 : i32 to vector<16xi32>
    %ne3A_1228 = arith.cmpi ne, %sign3A_1219, %ne3A_1227 : vector<16xi32>
    %rem3A_1229 = vector.broadcast %jit3A_1208 : i32 to vector<16xi32>
    %rem3A_1230 = arith.remsi %add3A_1207, %rem3A_1229 : vector<16xi32>
    %ne3A_1231 = arith.constant 0 : i32
    %ne3A_1232 = vector.broadcast %ne3A_1231 : i32 to vector<16xi32>
    %ne3A_1233 = arith.cmpi ne, %rem3A_1230, %ne3A_1232 : vector<16xi32>
    %and3A_1234 = arith.andi %ne3A_1228, %ne3A_1233 : vector<16xi1>
    %sub3A_1235 = arith.constant 1 : i32
    %sub3A_1236 = vector.broadcast %sub3A_1235 : i32 to vector<16xi32>
    %sub3A_1237 = arith.subi %div3A_1210, %sub3A_1236 : vector<16xi32>
    %select_n3A_1238 = arith.select %and3A_1234, %sub3A_1237, %div3A_1210 : vector<16xi1>, vector<16xi32>
    %mul3A_1239 = arith.constant 48 : i32
    %mul3A_1240 = vector.broadcast %mul3A_1239 : i32 to vector<16xi32>
    %mul3A_1241 = arith.muli %select_n3A_1238, %mul3A_1240 : vector<16xi32>
    %sub3A_1242 = arith.subi %add3A_1207, %mul3A_1241 : vector<16xi32>
    %jit3A_1243 = arith.constant 3 : i32
    %div3A_1244 = vector.broadcast %jit3A_1243 : i32 to vector<16xi32>
    %div3A_1245 = arith.divsi %sub3A_1242, %div3A_1244 : vector<16xi32>
    %sign3A_1246 = arith.constant 0 : i32
    %sign3A_1247 = vector.broadcast %sign3A_1246 : i32 to vector<16xi32>
    %sign3A_1248 = arith.cmpi sgt, %sub3A_1242, %sign3A_1247 : vector<16xi32>
    %sign3A_1249 = arith.extui %sign3A_1248 : vector<16xi1> to vector<16xi32>
    %sign3A_1250 = arith.constant 0 : i32
    %sign3A_1251 = vector.broadcast %sign3A_1250 : i32 to vector<16xi32>
    %sign3A_1252 = arith.cmpi slt, %sub3A_1242, %sign3A_1251 : vector<16xi32>
    %sign3A_1253 = arith.extui %sign3A_1252 : vector<16xi1> to vector<16xi32>
    %sign3A_1254 = arith.subi %sign3A_1249, %sign3A_1253 : vector<16xi32>
    %sign3A_1255 = arith.constant 0 : i32
    %sign3A_1256 = arith.cmpi sgt, %jit3A_1243, %sign3A_1255 : i32
    %sign3A_1257 = arith.extui %sign3A_1256 : i1 to i32
    %sign3A_1258 = arith.constant 0 : i32
    %sign3A_1259 = arith.cmpi slt, %jit3A_1243, %sign3A_1258 : i32
    %sign3A_1260 = arith.extui %sign3A_1259 : i1 to i32
    %sign3A_1261 = arith.subi %sign3A_1257, %sign3A_1260 : i32
    %ne3A_1262 = vector.broadcast %sign3A_1261 : i32 to vector<16xi32>
    %ne3A_1263 = arith.cmpi ne, %sign3A_1254, %ne3A_1262 : vector<16xi32>
    %rem3A_1264 = vector.broadcast %jit3A_1243 : i32 to vector<16xi32>
    %rem3A_1265 = arith.remsi %sub3A_1242, %rem3A_1264 : vector<16xi32>
    %ne3A_1266 = arith.constant 0 : i32
    %ne3A_1267 = vector.broadcast %ne3A_1266 : i32 to vector<16xi32>
    %ne3A_1268 = arith.cmpi ne, %rem3A_1265, %ne3A_1267 : vector<16xi32>
    %and3A_1269 = arith.andi %ne3A_1263, %ne3A_1268 : vector<16xi1>
    %sub3A_1270 = arith.constant 1 : i32
    %sub3A_1271 = vector.broadcast %sub3A_1270 : i32 to vector<16xi32>
    %sub3A_1272 = arith.subi %div3A_1245, %sub3A_1271 : vector<16xi32>
    %select_n3A_1273 = arith.select %and3A_1269, %sub3A_1272, %div3A_1245 : vector<16xi1>, vector<16xi32>
    %mul3A_1274 = arith.constant 3 : i32
    %mul3A_1275 = vector.broadcast %mul3A_1274 : i32 to vector<16xi32>
    %mul3A_1276 = arith.muli %select_n3A_1273, %mul3A_1275 : vector<16xi32>
    %sub3A_1277 = arith.subi %sub3A_1242, %mul3A_1276 : vector<16xi32>
    %mul3A_1278 = arith.constant 128 : i32
    %mul3A_1279 = vector.broadcast %mul3A_1278 : i32 to vector<16xi32>
    %mul3A_1280 = arith.muli %select_n3A_1238, %mul3A_1279 : vector<16xi32>
    %mul3A_1281 = arith.constant 16 : i32
    %mul3A_1282 = arith.muli %select_n3A, %mul3A_1281 : i32
    %add3A_1283 = vector.broadcast %mul3A_1282 : i32 to vector<16xi32>
    %add3A_1284 = arith.addi %mul3A_1280, %add3A_1283 : vector<16xi32>
    %add3A_1285 = arith.addi %add3A_1284, %select_n3A_1273 : vector<16xi32>
    %mul3A_1286 = arith.constant 4 : i32
    %mul3A_1287 = vector.broadcast %mul3A_1286 : i32 to vector<16xi32>
    %mul3A_1288 = arith.muli %add3A_1285, %mul3A_1287 : vector<16xi32>
    %add3A_1289 = arith.addi %mul3A_1288, %sub3A_1277 : vector<16xi32>
    %add3A_1290 = arith.constant 1 : i32
    %add3A_1291 = vector.broadcast %add3A_1290 : i32 to vector<16xi32>
    %add3A_1292 = arith.addi %add3A_1289, %add3A_1291 : vector<16xi32>
    %swap3A_1293 = arith.constant 208 : index
    %swap3A_1294 = tpu.vector_load %arg9[%swap3A_1293] {strides = array<i32>} : memref<384xi32, #tpu.memory_space<vmem>>, vector<16xi32>,
    tpu.vector_store %arg9[%swap3A_1293], %add3A_1292 {strides = array<i32>} : memref<384xi32, #tpu.memory_space<vmem>>, vector<16xi32>,
    %add3A_1295 = arith.constant 224 : i32
    %add3A_1296 = vector.broadcast %add3A_1295 : i32 to vector<16xi32>
    %add3A_1297 = arith.addi %iota3A, %add3A_1296 : vector<16xi32>
    %jit3A_1298 = arith.constant 48 : i32
    %div3A_1299 = vector.broadcast %jit3A_1298 : i32 to vector<16xi32>
    %div3A_1300 = arith.divsi %add3A_1297, %div3A_1299 : vector<16xi32>
    %sign3A_1301 = arith.constant 0 : i32
    %sign3A_1302 = vector.broadcast %sign3A_1301 : i32 to vector<16xi32>
    %sign3A_1303 = arith.cmpi sgt, %add3A_1297, %sign3A_1302 : vector<16xi32>
    %sign3A_1304 = arith.extui %sign3A_1303 : vector<16xi1> to vector<16xi32>
    %sign3A_1305 = arith.constant 0 : i32
    %sign3A_1306 = vector.broadcast %sign3A_1305 : i32 to vector<16xi32>
    %sign3A_1307 = arith.cmpi slt, %add3A_1297, %sign3A_1306 : vector<16xi32>
    %sign3A_1308 = arith.extui %sign3A_1307 : vector<16xi1> to vector<16xi32>
    %sign3A_1309 = arith.subi %sign3A_1304, %sign3A_1308 : vector<16xi32>
    %sign3A_1310 = arith.constant 0 : i32
    %sign3A_1311 = arith.cmpi sgt, %jit3A_1298, %sign3A_1310 : i32
    %sign3A_1312 = arith.extui %sign3A_1311 : i1 to i32
    %sign3A_1313 = arith.constant 0 : i32
    %sign3A_1314 = arith.cmpi slt, %jit3A_1298, %sign3A_1313 : i32
    %sign3A_1315 = arith.extui %sign3A_1314 : i1 to i32
    %sign3A_1316 = arith.subi %sign3A_1312, %sign3A_1315 : i32
    %ne3A_1317 = vector.broadcast %sign3A_1316 : i32 to vector<16xi32>
    %ne3A_1318 = arith.cmpi ne, %sign3A_1309, %ne3A_1317 : vector<16xi32>
    %rem3A_1319 = vector.broadcast %jit3A_1298 : i32 to vector<16xi32>
    %rem3A_1320 = arith.remsi %add3A_1297, %rem3A_1319 : vector<16xi32>
    %ne3A_1321 = arith.constant 0 : i32
    %ne3A_1322 = vector.broadcast %ne3A_1321 : i32 to vector<16xi32>
    %ne3A_1323 = arith.cmpi ne, %rem3A_1320, %ne3A_1322 : vector<16xi32>
    %and3A_1324 = arith.andi %ne3A_1318, %ne3A_1323 : vector<16xi1>
    %sub3A_1325 = arith.constant 1 : i32
    %sub3A_1326 = vector.broadcast %sub3A_1325 : i32 to vector<16xi32>
    %sub3A_1327 = arith.subi %div3A_1300, %sub3A_1326 : vector<16xi32>
    %select_n3A_1328 = arith.select %and3A_1324, %sub3A_1327, %div3A_1300 : vector<16xi1>, vector<16xi32>
    %mul3A_1329 = arith.constant 48 : i32
    %mul3A_1330 = vector.broadcast %mul3A_1329 : i32 to vector<16xi32>
    %mul3A_1331 = arith.muli %select_n3A_1328, %mul3A_1330 : vector<16xi32>
    %sub3A_1332 = arith.subi %add3A_1297, %mul3A_1331 : vector<16xi32>
    %jit3A_1333 = arith.constant 3 : i32
    %div3A_1334 = vector.broadcast %jit3A_1333 : i32 to vector<16xi32>
    %div3A_1335 = arith.divsi %sub3A_1332, %div3A_1334 : vector<16xi32>
    %sign3A_1336 = arith.constant 0 : i32
    %sign3A_1337 = vector.broadcast %sign3A_1336 : i32 to vector<16xi32>
    %sign3A_1338 = arith.cmpi sgt, %sub3A_1332, %sign3A_1337 : vector<16xi32>
    %sign3A_1339 = arith.extui %sign3A_1338 : vector<16xi1> to vector<16xi32>
    %sign3A_1340 = arith.constant 0 : i32
    %sign3A_1341 = vector.broadcast %sign3A_1340 : i32 to vector<16xi32>
    %sign3A_1342 = arith.cmpi slt, %sub3A_1332, %sign3A_1341 : vector<16xi32>
    %sign3A_1343 = arith.extui %sign3A_1342 : vector<16xi1> to vector<16xi32>
    %sign3A_1344 = arith.subi %sign3A_1339, %sign3A_1343 : vector<16xi32>
    %sign3A_1345 = arith.constant 0 : i32
    %sign3A_1346 = arith.cmpi sgt, %jit3A_1333, %sign3A_1345 : i32
    %sign3A_1347 = arith.extui %sign3A_1346 : i1 to i32
    %sign3A_1348 = arith.constant 0 : i32
    %sign3A_1349 = arith.cmpi slt, %jit3A_1333, %sign3A_1348 : i32
    %sign3A_1350 = arith.extui %sign3A_1349 : i1 to i32
    %sign3A_1351 = arith.subi %sign3A_1347, %sign3A_1350 : i32
    %ne3A_1352 = vector.broadcast %sign3A_1351 : i32 to vector<16xi32>
    %ne3A_1353 = arith.cmpi ne, %sign3A_1344, %ne3A_1352 : vector<16xi32>
    %rem3A_1354 = vector.broadcast %jit3A_1333 : i32 to vector<16xi32>
    %rem3A_1355 = arith.remsi %sub3A_1332, %rem3A_1354 : vector<16xi32>
    %ne3A_1356 = arith.constant 0 : i32
    %ne3A_1357 = vector.broadcast %ne3A_1356 : i32 to vector<16xi32>
    %ne3A_1358 = arith.cmpi ne, %rem3A_1355, %ne3A_1357 : vector<16xi32>
    %and3A_1359 = arith.andi %ne3A_1353, %ne3A_1358 : vector<16xi1>
    %sub3A_1360 = arith.constant 1 : i32
    %sub3A_1361 = vector.broadcast %sub3A_1360 : i32 to vector<16xi32>
    %sub3A_1362 = arith.subi %div3A_1335, %sub3A_1361 : vector<16xi32>
    %select_n3A_1363 = arith.select %and3A_1359, %sub3A_1362, %div3A_1335 : vector<16xi1>, vector<16xi32>
    %mul3A_1364 = arith.constant 3 : i32
    %mul3A_1365 = vector.broadcast %mul3A_1364 : i32 to vector<16xi32>
    %mul3A_1366 = arith.muli %select_n3A_1363, %mul3A_1365 : vector<16xi32>
    %sub3A_1367 = arith.subi %sub3A_1332, %mul3A_1366 : vector<16xi32>
    %mul3A_1368 = arith.constant 128 : i32
    %mul3A_1369 = vector.broadcast %mul3A_1368 : i32 to vector<16xi32>
    %mul3A_1370 = arith.muli %select_n3A_1328, %mul3A_1369 : vector<16xi32>
    %mul3A_1371 = arith.constant 16 : i32
    %mul3A_1372 = arith.muli %select_n3A, %mul3A_1371 : i32
    %add3A_1373 = vector.broadcast %mul3A_1372 : i32 to vector<16xi32>
    %add3A_1374 = arith.addi %mul3A_1370, %add3A_1373 : vector<16xi32>
    %add3A_1375 = arith.addi %add3A_1374, %select_n3A_1363 : vector<16xi32>
    %mul3A_1376 = arith.constant 4 : i32
    %mul3A_1377 = vector.broadcast %mul3A_1376 : i32 to vector<16xi32>
    %mul3A_1378 = arith.muli %add3A_1375, %mul3A_1377 : vector<16xi32>
    %add3A_1379 = arith.addi %mul3A_1378, %sub3A_1367 : vector<16xi32>
    %add3A_1380 = arith.constant 1 : i32
    %add3A_1381 = vector.broadcast %add3A_1380 : i32 to vector<16xi32>
    %add3A_1382 = arith.addi %add3A_1379, %add3A_1381 : vector<16xi32>
    %swap3A_1383 = arith.constant 224 : index
    %swap3A_1384 = tpu.vector_load %arg9[%swap3A_1383] {strides = array<i32>} : memref<384xi32, #tpu.memory_space<vmem>>, vector<16xi32>,
    tpu.vector_store %arg9[%swap3A_1383], %add3A_1382 {strides = array<i32>} : memref<384xi32, #tpu.memory_space<vmem>>, vector<16xi32>,
    %add3A_1385 = arith.constant 240 : i32
    %add3A_1386 = vector.broadcast %add3A_1385 : i32 to vector<16xi32>
    %add3A_1387 = arith.addi %iota3A, %add3A_1386 : vector<16xi32>
    %jit3A_1388 = arith.constant 48 : i32
    %div3A_1389 = vector.broadcast %jit3A_1388 : i32 to vector<16xi32>
    %div3A_1390 = arith.divsi %add3A_1387, %div3A_1389 : vector<16xi32>
    %sign3A_1391 = arith.constant 0 : i32
    %sign3A_1392 = vector.broadcast %sign3A_1391 : i32 to vector<16xi32>
    %sign3A_1393 = arith.cmpi sgt, %add3A_1387, %sign3A_1392 : vector<16xi32>
    %sign3A_1394 = arith.extui %sign3A_1393 : vector<16xi1> to vector<16xi32>
    %sign3A_1395 = arith.constant 0 : i32
    %sign3A_1396 = vector.broadcast %sign3A_1395 : i32 to vector<16xi32>
    %sign3A_1397 = arith.cmpi slt, %add3A_1387, %sign3A_1396 : vector<16xi32>
    %sign3A_1398 = arith.extui %sign3A_1397 : vector<16xi1> to vector<16xi32>
    %sign3A_1399 = arith.subi %sign3A_1394, %sign3A_1398 : vector<16xi32>
    %sign3A_1400 = arith.constant 0 : i32
    %sign3A_1401 = arith.cmpi sgt, %jit3A_1388, %sign3A_1400 : i32
    %sign3A_1402 = arith.extui %sign3A_1401 : i1 to i32
    %sign3A_1403 = arith.constant 0 : i32
    %sign3A_1404 = arith.cmpi slt, %jit3A_1388, %sign3A_1403 : i32
    %sign3A_1405 = arith.extui %sign3A_1404 : i1 to i32
    %sign3A_1406 = arith.subi %sign3A_1402, %sign3A_1405 : i32
    %ne3A_1407 = vector.broadcast %sign3A_1406 : i32 to vector<16xi32>
    %ne3A_1408 = arith.cmpi ne, %sign3A_1399, %ne3A_1407 : vector<16xi32>
    %rem3A_1409 = vector.broadcast %jit3A_1388 : i32 to vector<16xi32>
    %rem3A_1410 = arith.remsi %add3A_1387, %rem3A_1409 : vector<16xi32>
    %ne3A_1411 = arith.constant 0 : i32
    %ne3A_1412 = vector.broadcast %ne3A_1411 : i32 to vector<16xi32>
    %ne3A_1413 = arith.cmpi ne, %rem3A_1410, %ne3A_1412 : vector<16xi32>
    %and3A_1414 = arith.andi %ne3A_1408, %ne3A_1413 : vector<16xi1>
    %sub3A_1415 = arith.constant 1 : i32
    %sub3A_1416 = vector.broadcast %sub3A_1415 : i32 to vector<16xi32>
    %sub3A_1417 = arith.subi %div3A_1390, %sub3A_1416 : vector<16xi32>
    %select_n3A_1418 = arith.select %and3A_1414, %sub3A_1417, %div3A_1390 : vector<16xi1>, vector<16xi32>
    %mul3A_1419 = arith.constant 48 : i32
    %mul3A_1420 = vector.broadcast %mul3A_1419 : i32 to vector<16xi32>
    %mul3A_1421 = arith.muli %select_n3A_1418, %mul3A_1420 : vector<16xi32>
    %sub3A_1422 = arith.subi %add3A_1387, %mul3A_1421 : vector<16xi32>
    %jit3A_1423 = arith.constant 3 : i32
    %div3A_1424 = vector.broadcast %jit3A_1423 : i32 to vector<16xi32>
    %div3A_1425 = arith.divsi %sub3A_1422, %div3A_1424 : vector<16xi32>
    %sign3A_1426 = arith.constant 0 : i32
    %sign3A_1427 = vector.broadcast %sign3A_1426 : i32 to vector<16xi32>
    %sign3A_1428 = arith.cmpi sgt, %sub3A_1422, %sign3A_1427 : vector<16xi32>
    %sign3A_1429 = arith.extui %sign3A_1428 : vector<16xi1> to vector<16xi32>
    %sign3A_1430 = arith.constant 0 : i32
    %sign3A_1431 = vector.broadcast %sign3A_1430 : i32 to vector<16xi32>
    %sign3A_1432 = arith.cmpi slt, %sub3A_1422, %sign3A_1431 : vector<16xi32>
    %sign3A_1433 = arith.extui %sign3A_1432 : vector<16xi1> to vector<16xi32>
    %sign3A_1434 = arith.subi %sign3A_1429, %sign3A_1433 : vector<16xi32>
    %sign3A_1435 = arith.constant 0 : i32
    %sign3A_1436 = arith.cmpi sgt, %jit3A_1423, %sign3A_1435 : i32
    %sign3A_1437 = arith.extui %sign3A_1436 : i1 to i32
    %sign3A_1438 = arith.constant 0 : i32
    %sign3A_1439 = arith.cmpi slt, %jit3A_1423, %sign3A_1438 : i32
    %sign3A_1440 = arith.extui %sign3A_1439 : i1 to i32
    %sign3A_1441 = arith.subi %sign3A_1437, %sign3A_1440 : i32
    %ne3A_1442 = vector.broadcast %sign3A_1441 : i32 to vector<16xi32>
    %ne3A_1443 = arith.cmpi ne, %sign3A_1434, %ne3A_1442 : vector<16xi32>
    %rem3A_1444 = vector.broadcast %jit3A_1423 : i32 to vector<16xi32>
    %rem3A_1445 = arith.remsi %sub3A_1422, %rem3A_1444 : vector<16xi32>
    %ne3A_1446 = arith.constant 0 : i32
    %ne3A_1447 = vector.broadcast %ne3A_1446 : i32 to vector<16xi32>
    %ne3A_1448 = arith.cmpi ne, %rem3A_1445, %ne3A_1447 : vector<16xi32>
    %and3A_1449 = arith.andi %ne3A_1443, %ne3A_1448 : vector<16xi1>
    %sub3A_1450 = arith.constant 1 : i32
    %sub3A_1451 = vector.broadcast %sub3A_1450 : i32 to vector<16xi32>
    %sub3A_1452 = arith.subi %div3A_1425, %sub3A_1451 : vector<16xi32>
    %select_n3A_1453 = arith.select %and3A_1449, %sub3A_1452, %div3A_1425 : vector<16xi1>, vector<16xi32>
    %mul3A_1454 = arith.constant 3 : i32
    %mul3A_1455 = vector.broadcast %mul3A_1454 : i32 to vector<16xi32>
    %mul3A_1456 = arith.muli %select_n3A_1453, %mul3A_1455 : vector<16xi32>
    %sub3A_1457 = arith.subi %sub3A_1422, %mul3A_1456 : vector<16xi32>
    %mul3A_1458 = arith.constant 128 : i32
    %mul3A_1459 = vector.broadcast %mul3A_1458 : i32 to vector<16xi32>
    %mul3A_1460 = arith.muli %select_n3A_1418, %mul3A_1459 : vector<16xi32>
    %mul3A_1461 = arith.constant 16 : i32
    %mul3A_1462 = arith.muli %select_n3A, %mul3A_1461 : i32
    %add3A_1463 = vector.broadcast %mul3A_1462 : i32 to vector<16xi32>
    %add3A_1464 = arith.addi %mul3A_1460, %add3A_1463 : vector<16xi32>
    %add3A_1465 = arith.addi %add3A_1464, %select_n3A_1453 : vector<16xi32>
    %mul3A_1466 = arith.constant 4 : i32
    %mul3A_1467 = vector.broadcast %mul3A_1466 : i32 to vector<16xi32>
    %mul3A_1468 = arith.muli %add3A_1465, %mul3A_1467 : vector<16xi32>
    %add3A_1469 = arith.addi %mul3A_1468, %sub3A_1457 : vector<16xi32>
    %add3A_1470 = arith.constant 1 : i32
    %add3A_1471 = vector.broadcast %add3A_1470 : i32 to vector<16xi32>
    %add3A_1472 = arith.addi %add3A_1469, %add3A_1471 : vector<16xi32>
    %swap3A_1473 = arith.constant 240 : index
    %swap3A_1474 = tpu.vector_load %arg9[%swap3A_1473] {strides = array<i32>} : memref<384xi32, #tpu.memory_space<vmem>>, vector<16xi32>,
    tpu.vector_store %arg9[%swap3A_1473], %add3A_1472 {strides = array<i32>} : memref<384xi32, #tpu.memory_space<vmem>>, vector<16xi32>,
    %add3A_1475 = arith.constant 256 : i32
    %add3A_1476 = vector.broadcast %add3A_1475 : i32 to vector<16xi32>
    %add3A_1477 = arith.addi %iota3A, %add3A_1476 : vector<16xi32>
    %jit3A_1478 = arith.constant 48 : i32
    %div3A_1479 = vector.broadcast %jit3A_1478 : i32 to vector<16xi32>
    %div3A_1480 = arith.divsi %add3A_1477, %div3A_1479 : vector<16xi32>
    %sign3A_1481 = arith.constant 0 : i32
    %sign3A_1482 = vector.broadcast %sign3A_1481 : i32 to vector<16xi32>
    %sign3A_1483 = arith.cmpi sgt, %add3A_1477, %sign3A_1482 : vector<16xi32>
    %sign3A_1484 = arith.extui %sign3A_1483 : vector<16xi1> to vector<16xi32>
    %sign3A_1485 = arith.constant 0 : i32
    %sign3A_1486 = vector.broadcast %sign3A_1485 : i32 to vector<16xi32>
    %sign3A_1487 = arith.cmpi slt, %add3A_1477, %sign3A_1486 : vector<16xi32>
    %sign3A_1488 = arith.extui %sign3A_1487 : vector<16xi1> to vector<16xi32>
    %sign3A_1489 = arith.subi %sign3A_1484, %sign3A_1488 : vector<16xi32>
    %sign3A_1490 = arith.constant 0 : i32
    %sign3A_1491 = arith.cmpi sgt, %jit3A_1478, %sign3A_1490 : i32
    %sign3A_1492 = arith.extui %sign3A_1491 : i1 to i32
    %sign3A_1493 = arith.constant 0 : i32
    %sign3A_1494 = arith.cmpi slt, %jit3A_1478, %sign3A_1493 : i32
    %sign3A_1495 = arith.extui %sign3A_1494 : i1 to i32
    %sign3A_1496 = arith.subi %sign3A_1492, %sign3A_1495 : i32
    %ne3A_1497 = vector.broadcast %sign3A_1496 : i32 to vector<16xi32>
    %ne3A_1498 = arith.cmpi ne, %sign3A_1489, %ne3A_1497 : vector<16xi32>
    %rem3A_1499 = vector.broadcast %jit3A_1478 : i32 to vector<16xi32>
    %rem3A_1500 = arith.remsi %add3A_1477, %rem3A_1499 : vector<16xi32>
    %ne3A_1501 = arith.constant 0 : i32
    %ne3A_1502 = vector.broadcast %ne3A_1501 : i32 to vector<16xi32>
    %ne3A_1503 = arith.cmpi ne, %rem3A_1500, %ne3A_1502 : vector<16xi32>
    %and3A_1504 = arith.andi %ne3A_1498, %ne3A_1503 : vector<16xi1>
    %sub3A_1505 = arith.constant 1 : i32
    %sub3A_1506 = vector.broadcast %sub3A_1505 : i32 to vector<16xi32>
    %sub3A_1507 = arith.subi %div3A_1480, %sub3A_1506 : vector<16xi32>
    %select_n3A_1508 = arith.select %and3A_1504, %sub3A_1507, %div3A_1480 : vector<16xi1>, vector<16xi32>
    %mul3A_1509 = arith.constant 48 : i32
    %mul3A_1510 = vector.broadcast %mul3A_1509 : i32 to vector<16xi32>
    %mul3A_1511 = arith.muli %select_n3A_1508, %mul3A_1510 : vector<16xi32>
    %sub3A_1512 = arith.subi %add3A_1477, %mul3A_1511 : vector<16xi32>
    %jit3A_1513 = arith.constant 3 : i32
    %div3A_1514 = vector.broadcast %jit3A_1513 : i32 to vector<16xi32>
    %div3A_1515 = arith.divsi %sub3A_1512, %div3A_1514 : vector<16xi32>
    %sign3A_1516 = arith.constant 0 : i32
    %sign3A_1517 = vector.broadcast %sign3A_1516 : i32 to vector<16xi32>
    %sign3A_1518 = arith.cmpi sgt, %sub3A_1512, %sign3A_1517 : vector<16xi32>
    %sign3A_1519 = arith.extui %sign3A_1518 : vector<16xi1> to vector<16xi32>
    %sign3A_1520 = arith.constant 0 : i32
    %sign3A_1521 = vector.broadcast %sign3A_1520 : i32 to vector<16xi32>
    %sign3A_1522 = arith.cmpi slt, %sub3A_1512, %sign3A_1521 : vector<16xi32>
    %sign3A_1523 = arith.extui %sign3A_1522 : vector<16xi1> to vector<16xi32>
    %sign3A_1524 = arith.subi %sign3A_1519, %sign3A_1523 : vector<16xi32>
    %sign3A_1525 = arith.constant 0 : i32
    %sign3A_1526 = arith.cmpi sgt, %jit3A_1513, %sign3A_1525 : i32
    %sign3A_1527 = arith.extui %sign3A_1526 : i1 to i32
    %sign3A_1528 = arith.constant 0 : i32
    %sign3A_1529 = arith.cmpi slt, %jit3A_1513, %sign3A_1528 : i32
    %sign3A_1530 = arith.extui %sign3A_1529 : i1 to i32
    %sign3A_1531 = arith.subi %sign3A_1527, %sign3A_1530 : i32
    %ne3A_1532 = vector.broadcast %sign3A_1531 : i32 to vector<16xi32>
    %ne3A_1533 = arith.cmpi ne, %sign3A_1524, %ne3A_1532 : vector<16xi32>
    %rem3A_1534 = vector.broadcast %jit3A_1513 : i32 to vector<16xi32>
    %rem3A_1535 = arith.remsi %sub3A_1512, %rem3A_1534 : vector<16xi32>
    %ne3A_1536 = arith.constant 0 : i32
    %ne3A_1537 = vector.broadcast %ne3A_1536 : i32 to vector<16xi32>
    %ne3A_1538 = arith.cmpi ne, %rem3A_1535, %ne3A_1537 : vector<16xi32>
    %and3A_1539 = arith.andi %ne3A_1533, %ne3A_1538 : vector<16xi1>
    %sub3A_1540 = arith.constant 1 : i32
    %sub3A_1541 = vector.broadcast %sub3A_1540 : i32 to vector<16xi32>
    %sub3A_1542 = arith.subi %div3A_1515, %sub3A_1541 : vector<16xi32>
    %select_n3A_1543 = arith.select %and3A_1539, %sub3A_1542, %div3A_1515 : vector<16xi1>, vector<16xi32>
    %mul3A_1544 = arith.constant 3 : i32
    %mul3A_1545 = vector.broadcast %mul3A_1544 : i32 to vector<16xi32>
    %mul3A_1546 = arith.muli %select_n3A_1543, %mul3A_1545 : vector<16xi32>
    %sub3A_1547 = arith.subi %sub3A_1512, %mul3A_1546 : vector<16xi32>
    %mul3A_1548 = arith.constant 128 : i32
    %mul3A_1549 = vector.broadcast %mul3A_1548 : i32 to vector<16xi32>
    %mul3A_1550 = arith.muli %select_n3A_1508, %mul3A_1549 : vector<16xi32>
    %mul3A_1551 = arith.constant 16 : i32
    %mul3A_1552 = arith.muli %select_n3A, %mul3A_1551 : i32
    %add3A_1553 = vector.broadcast %mul3A_1552 : i32 to vector<16xi32>
    %add3A_1554 = arith.addi %mul3A_1550, %add3A_1553 : vector<16xi32>
    %add3A_1555 = arith.addi %add3A_1554, %select_n3A_1543 : vector<16xi32>
    %mul3A_1556 = arith.constant 4 : i32
    %mul3A_1557 = vector.broadcast %mul3A_1556 : i32 to vector<16xi32>
    %mul3A_1558 = arith.muli %add3A_1555, %mul3A_1557 : vector<16xi32>
    %add3A_1559 = arith.addi %mul3A_1558, %sub3A_1547 : vector<16xi32>
    %add3A_1560 = arith.constant 1 : i32
    %add3A_1561 = vector.broadcast %add3A_1560 : i32 to vector<16xi32>
    %add3A_1562 = arith.addi %add3A_1559, %add3A_1561 : vector<16xi32>
    %swap3A_1563 = arith.constant 256 : index
    %swap3A_1564 = tpu.vector_load %arg9[%swap3A_1563] {strides = array<i32>} : memref<384xi32, #tpu.memory_space<vmem>>, vector<16xi32>,
    tpu.vector_store %arg9[%swap3A_1563], %add3A_1562 {strides = array<i32>} : memref<384xi32, #tpu.memory_space<vmem>>, vector<16xi32>,
    %add3A_1565 = arith.constant 272 : i32
    %add3A_1566 = vector.broadcast %add3A_1565 : i32 to vector<16xi32>
    %add3A_1567 = arith.addi %iota3A, %add3A_1566 : vector<16xi32>
    %jit3A_1568 = arith.constant 48 : i32
    %div3A_1569 = vector.broadcast %jit3A_1568 : i32 to vector<16xi32>
    %div3A_1570 = arith.divsi %add3A_1567, %div3A_1569 : vector<16xi32>
    %sign3A_1571 = arith.constant 0 : i32
    %sign3A_1572 = vector.broadcast %sign3A_1571 : i32 to vector<16xi32>
    %sign3A_1573 = arith.cmpi sgt, %add3A_1567, %sign3A_1572 : vector<16xi32>
    %sign3A_1574 = arith.extui %sign3A_1573 : vector<16xi1> to vector<16xi32>
    %sign3A_1575 = arith.constant 0 : i32
    %sign3A_1576 = vector.broadcast %sign3A_1575 : i32 to vector<16xi32>
    %sign3A_1577 = arith.cmpi slt, %add3A_1567, %sign3A_1576 : vector<16xi32>
    %sign3A_1578 = arith.extui %sign3A_1577 : vector<16xi1> to vector<16xi32>
    %sign3A_1579 = arith.subi %sign3A_1574, %sign3A_1578 : vector<16xi32>
    %sign3A_1580 = arith.constant 0 : i32
    %sign3A_1581 = arith.cmpi sgt, %jit3A_1568, %sign3A_1580 : i32
    %sign3A_1582 = arith.extui %sign3A_1581 : i1 to i32
    %sign3A_1583 = arith.constant 0 : i32
    %sign3A_1584 = arith.cmpi slt, %jit3A_1568, %sign3A_1583 : i32
    %sign3A_1585 = arith.extui %sign3A_1584 : i1 to i32
    %sign3A_1586 = arith.subi %sign3A_1582, %sign3A_1585 : i32
    %ne3A_1587 = vector.broadcast %sign3A_1586 : i32 to vector<16xi32>
    %ne3A_1588 = arith.cmpi ne, %sign3A_1579, %ne3A_1587 : vector<16xi32>
    %rem3A_1589 = vector.broadcast %jit3A_1568 : i32 to vector<16xi32>
    %rem3A_1590 = arith.remsi %add3A_1567, %rem3A_1589 : vector<16xi32>
    %ne3A_1591 = arith.constant 0 : i32
    %ne3A_1592 = vector.broadcast %ne3A_1591 : i32 to vector<16xi32>
    %ne3A_1593 = arith.cmpi ne, %rem3A_1590, %ne3A_1592 : vector<16xi32>
    %and3A_1594 = arith.andi %ne3A_1588, %ne3A_1593 : vector<16xi1>
    %sub3A_1595 = arith.constant 1 : i32
    %sub3A_1596 = vector.broadcast %sub3A_1595 : i32 to vector<16xi32>
    %sub3A_1597 = arith.subi %div3A_1570, %sub3A_1596 : vector<16xi32>
    %select_n3A_1598 = arith.select %and3A_1594, %sub3A_1597, %div3A_1570 : vector<16xi1>, vector<16xi32>
    %mul3A_1599 = arith.constant 48 : i32
    %mul3A_1600 = vector.broadcast %mul3A_1599 : i32 to vector<16xi32>
    %mul3A_1601 = arith.muli %select_n3A_1598, %mul3A_1600 : vector<16xi32>
    %sub3A_1602 = arith.subi %add3A_1567, %mul3A_1601 : vector<16xi32>
    %jit3A_1603 = arith.constant 3 : i32
    %div3A_1604 = vector.broadcast %jit3A_1603 : i32 to vector<16xi32>
    %div3A_1605 = arith.divsi %sub3A_1602, %div3A_1604 : vector<16xi32>
    %sign3A_1606 = arith.constant 0 : i32
    %sign3A_1607 = vector.broadcast %sign3A_1606 : i32 to vector<16xi32>
    %sign3A_1608 = arith.cmpi sgt, %sub3A_1602, %sign3A_1607 : vector<16xi32>
    %sign3A_1609 = arith.extui %sign3A_1608 : vector<16xi1> to vector<16xi32>
    %sign3A_1610 = arith.constant 0 : i32
    %sign3A_1611 = vector.broadcast %sign3A_1610 : i32 to vector<16xi32>
    %sign3A_1612 = arith.cmpi slt, %sub3A_1602, %sign3A_1611 : vector<16xi32>
    %sign3A_1613 = arith.extui %sign3A_1612 : vector<16xi1> to vector<16xi32>
    %sign3A_1614 = arith.subi %sign3A_1609, %sign3A_1613 : vector<16xi32>
    %sign3A_1615 = arith.constant 0 : i32
    %sign3A_1616 = arith.cmpi sgt, %jit3A_1603, %sign3A_1615 : i32
    %sign3A_1617 = arith.extui %sign3A_1616 : i1 to i32
    %sign3A_1618 = arith.constant 0 : i32
    %sign3A_1619 = arith.cmpi slt, %jit3A_1603, %sign3A_1618 : i32
    %sign3A_1620 = arith.extui %sign3A_1619 : i1 to i32
    %sign3A_1621 = arith.subi %sign3A_1617, %sign3A_1620 : i32
    %ne3A_1622 = vector.broadcast %sign3A_1621 : i32 to vector<16xi32>
    %ne3A_1623 = arith.cmpi ne, %sign3A_1614, %ne3A_1622 : vector<16xi32>
    %rem3A_1624 = vector.broadcast %jit3A_1603 : i32 to vector<16xi32>
    %rem3A_1625 = arith.remsi %sub3A_1602, %rem3A_1624 : vector<16xi32>
    %ne3A_1626 = arith.constant 0 : i32
    %ne3A_1627 = vector.broadcast %ne3A_1626 : i32 to vector<16xi32>
    %ne3A_1628 = arith.cmpi ne, %rem3A_1625, %ne3A_1627 : vector<16xi32>
    %and3A_1629 = arith.andi %ne3A_1623, %ne3A_1628 : vector<16xi1>
    %sub3A_1630 = arith.constant 1 : i32
    %sub3A_1631 = vector.broadcast %sub3A_1630 : i32 to vector<16xi32>
    %sub3A_1632 = arith.subi %div3A_1605, %sub3A_1631 : vector<16xi32>
    %select_n3A_1633 = arith.select %and3A_1629, %sub3A_1632, %div3A_1605 : vector<16xi1>, vector<16xi32>
    %mul3A_1634 = arith.constant 3 : i32
    %mul3A_1635 = vector.broadcast %mul3A_1634 : i32 to vector<16xi32>
    %mul3A_1636 = arith.muli %select_n3A_1633, %mul3A_1635 : vector<16xi32>
    %sub3A_1637 = arith.subi %sub3A_1602, %mul3A_1636 : vector<16xi32>
    %mul3A_1638 = arith.constant 128 : i32
    %mul3A_1639 = vector.broadcast %mul3A_1638 : i32 to vector<16xi32>
    %mul3A_1640 = arith.muli %select_n3A_1598, %mul3A_1639 : vector<16xi32>
    %mul3A_1641 = arith.constant 16 : i32
    %mul3A_1642 = arith.muli %select_n3A, %mul3A_1641 : i32
    %add3A_1643 = vector.broadcast %mul3A_1642 : i32 to vector<16xi32>
    %add3A_1644 = arith.addi %mul3A_1640, %add3A_1643 : vector<16xi32>
    %add3A_1645 = arith.addi %add3A_1644, %select_n3A_1633 : vector<16xi32>
    %mul3A_1646 = arith.constant 4 : i32
    %mul3A_1647 = vector.broadcast %mul3A_1646 : i32 to vector<16xi32>
    %mul3A_1648 = arith.muli %add3A_1645, %mul3A_1647 : vector<16xi32>
    %add3A_1649 = arith.addi %mul3A_1648, %sub3A_1637 : vector<16xi32>
    %add3A_1650 = arith.constant 1 : i32
    %add3A_1651 = vector.broadcast %add3A_1650 : i32 to vector<16xi32>
    %add3A_1652 = arith.addi %add3A_1649, %add3A_1651 : vector<16xi32>
    %swap3A_1653 = arith.constant 272 : index
    %swap3A_1654 = tpu.vector_load %arg9[%swap3A_1653] {strides = array<i32>} : memref<384xi32, #tpu.memory_space<vmem>>, vector<16xi32>,
    tpu.vector_store %arg9[%swap3A_1653], %add3A_1652 {strides = array<i32>} : memref<384xi32, #tpu.memory_space<vmem>>, vector<16xi32>,
    %add3A_1655 = arith.constant 288 : i32
    %add3A_1656 = vector.broadcast %add3A_1655 : i32 to vector<16xi32>
    %add3A_1657 = arith.addi %iota3A, %add3A_1656 : vector<16xi32>
    %jit3A_1658 = arith.constant 48 : i32
    %div3A_1659 = vector.broadcast %jit3A_1658 : i32 to vector<16xi32>
    %div3A_1660 = arith.divsi %add3A_1657, %div3A_1659 : vector<16xi32>
    %sign3A_1661 = arith.constant 0 : i32
    %sign3A_1662 = vector.broadcast %sign3A_1661 : i32 to vector<16xi32>
    %sign3A_1663 = arith.cmpi sgt, %add3A_1657, %sign3A_1662 : vector<16xi32>
    %sign3A_1664 = arith.extui %sign3A_1663 : vector<16xi1> to vector<16xi32>
    %sign3A_1665 = arith.constant 0 : i32
    %sign3A_1666 = vector.broadcast %sign3A_1665 : i32 to vector<16xi32>
    %sign3A_1667 = arith.cmpi slt, %add3A_1657, %sign3A_1666 : vector<16xi32>
    %sign3A_1668 = arith.extui %sign3A_1667 : vector<16xi1> to vector<16xi32>
    %sign3A_1669 = arith.subi %sign3A_1664, %sign3A_1668 : vector<16xi32>
    %sign3A_1670 = arith.constant 0 : i32
    %sign3A_1671 = arith.cmpi sgt, %jit3A_1658, %sign3A_1670 : i32
    %sign3A_1672 = arith.extui %sign3A_1671 : i1 to i32
    %sign3A_1673 = arith.constant 0 : i32
    %sign3A_1674 = arith.cmpi slt, %jit3A_1658, %sign3A_1673 : i32
    %sign3A_1675 = arith.extui %sign3A_1674 : i1 to i32
    %sign3A_1676 = arith.subi %sign3A_1672, %sign3A_1675 : i32
    %ne3A_1677 = vector.broadcast %sign3A_1676 : i32 to vector<16xi32>
    %ne3A_1678 = arith.cmpi ne, %sign3A_1669, %ne3A_1677 : vector<16xi32>
    %rem3A_1679 = vector.broadcast %jit3A_1658 : i32 to vector<16xi32>
    %rem3A_1680 = arith.remsi %add3A_1657, %rem3A_1679 : vector<16xi32>
    %ne3A_1681 = arith.constant 0 : i32
    %ne3A_1682 = vector.broadcast %ne3A_1681 : i32 to vector<16xi32>
    %ne3A_1683 = arith.cmpi ne, %rem3A_1680, %ne3A_1682 : vector<16xi32>
    %and3A_1684 = arith.andi %ne3A_1678, %ne3A_1683 : vector<16xi1>
    %sub3A_1685 = arith.constant 1 : i32
    %sub3A_1686 = vector.broadcast %sub3A_1685 : i32 to vector<16xi32>
    %sub3A_1687 = arith.subi %div3A_1660, %sub3A_1686 : vector<16xi32>
    %select_n3A_1688 = arith.select %and3A_1684, %sub3A_1687, %div3A_1660 : vector<16xi1>, vector<16xi32>
    %mul3A_1689 = arith.constant 48 : i32
    %mul3A_1690 = vector.broadcast %mul3A_1689 : i32 to vector<16xi32>
    %mul3A_1691 = arith.muli %select_n3A_1688, %mul3A_1690 : vector<16xi32>
    %sub3A_1692 = arith.subi %add3A_1657, %mul3A_1691 : vector<16xi32>
    %jit3A_1693 = arith.constant 3 : i32
    %div3A_1694 = vector.broadcast %jit3A_1693 : i32 to vector<16xi32>
    %div3A_1695 = arith.divsi %sub3A_1692, %div3A_1694 : vector<16xi32>
    %sign3A_1696 = arith.constant 0 : i32
    %sign3A_1697 = vector.broadcast %sign3A_1696 : i32 to vector<16xi32>
    %sign3A_1698 = arith.cmpi sgt, %sub3A_1692, %sign3A_1697 : vector<16xi32>
    %sign3A_1699 = arith.extui %sign3A_1698 : vector<16xi1> to vector<16xi32>
    %sign3A_1700 = arith.constant 0 : i32
    %sign3A_1701 = vector.broadcast %sign3A_1700 : i32 to vector<16xi32>
    %sign3A_1702 = arith.cmpi slt, %sub3A_1692, %sign3A_1701 : vector<16xi32>
    %sign3A_1703 = arith.extui %sign3A_1702 : vector<16xi1> to vector<16xi32>
    %sign3A_1704 = arith.subi %sign3A_1699, %sign3A_1703 : vector<16xi32>
    %sign3A_1705 = arith.constant 0 : i32
    %sign3A_1706 = arith.cmpi sgt, %jit3A_1693, %sign3A_1705 : i32
    %sign3A_1707 = arith.extui %sign3A_1706 : i1 to i32
    %sign3A_1708 = arith.constant 0 : i32
    %sign3A_1709 = arith.cmpi slt, %jit3A_1693, %sign3A_1708 : i32
    %sign3A_1710 = arith.extui %sign3A_1709 : i1 to i32
    %sign3A_1711 = arith.subi %sign3A_1707, %sign3A_1710 : i32
    %ne3A_1712 = vector.broadcast %sign3A_1711 : i32 to vector<16xi32>
    %ne3A_1713 = arith.cmpi ne, %sign3A_1704, %ne3A_1712 : vector<16xi32>
    %rem3A_1714 = vector.broadcast %jit3A_1693 : i32 to vector<16xi32>
    %rem3A_1715 = arith.remsi %sub3A_1692, %rem3A_1714 : vector<16xi32>
    %ne3A_1716 = arith.constant 0 : i32
    %ne3A_1717 = vector.broadcast %ne3A_1716 : i32 to vector<16xi32>
    %ne3A_1718 = arith.cmpi ne, %rem3A_1715, %ne3A_1717 : vector<16xi32>
    %and3A_1719 = arith.andi %ne3A_1713, %ne3A_1718 : vector<16xi1>
    %sub3A_1720 = arith.constant 1 : i32
    %sub3A_1721 = vector.broadcast %sub3A_1720 : i32 to vector<16xi32>
    %sub3A_1722 = arith.subi %div3A_1695, %sub3A_1721 : vector<16xi32>
    %select_n3A_1723 = arith.select %and3A_1719, %sub3A_1722, %div3A_1695 : vector<16xi1>, vector<16xi32>
    %mul3A_1724 = arith.constant 3 : i32
    %mul3A_1725 = vector.broadcast %mul3A_1724 : i32 to vector<16xi32>
    %mul3A_1726 = arith.muli %select_n3A_1723, %mul3A_1725 : vector<16xi32>
    %sub3A_1727 = arith.subi %sub3A_1692, %mul3A_1726 : vector<16xi32>
    %mul3A_1728 = arith.constant 128 : i32
    %mul3A_1729 = vector.broadcast %mul3A_1728 : i32 to vector<16xi32>
    %mul3A_1730 = arith.muli %select_n3A_1688, %mul3A_1729 : vector<16xi32>
    %mul3A_1731 = arith.constant 16 : i32
    %mul3A_1732 = arith.muli %select_n3A, %mul3A_1731 : i32
    %add3A_1733 = vector.broadcast %mul3A_1732 : i32 to vector<16xi32>
    %add3A_1734 = arith.addi %mul3A_1730, %add3A_1733 : vector<16xi32>
    %add3A_1735 = arith.addi %add3A_1734, %select_n3A_1723 : vector<16xi32>
    %mul3A_1736 = arith.constant 4 : i32
    %mul3A_1737 = vector.broadcast %mul3A_1736 : i32 to vector<16xi32>
    %mul3A_1738 = arith.muli %add3A_1735, %mul3A_1737 : vector<16xi32>
    %add3A_1739 = arith.addi %mul3A_1738, %sub3A_1727 : vector<16xi32>
    %add3A_1740 = arith.constant 1 : i32
    %add3A_1741 = vector.broadcast %add3A_1740 : i32 to vector<16xi32>
    %add3A_1742 = arith.addi %add3A_1739, %add3A_1741 : vector<16xi32>
    %swap3A_1743 = arith.constant 288 : index
    %swap3A_1744 = tpu.vector_load %arg9[%swap3A_1743] {strides = array<i32>} : memref<384xi32, #tpu.memory_space<vmem>>, vector<16xi32>,
    tpu.vector_store %arg9[%swap3A_1743], %add3A_1742 {strides = array<i32>} : memref<384xi32, #tpu.memory_space<vmem>>, vector<16xi32>,
    %add3A_1745 = arith.constant 304 : i32
    %add3A_1746 = vector.broadcast %add3A_1745 : i32 to vector<16xi32>
    %add3A_1747 = arith.addi %iota3A, %add3A_1746 : vector<16xi32>
    %jit3A_1748 = arith.constant 48 : i32
    %div3A_1749 = vector.broadcast %jit3A_1748 : i32 to vector<16xi32>
    %div3A_1750 = arith.divsi %add3A_1747, %div3A_1749 : vector<16xi32>
    %sign3A_1751 = arith.constant 0 : i32
    %sign3A_1752 = vector.broadcast %sign3A_1751 : i32 to vector<16xi32>
    %sign3A_1753 = arith.cmpi sgt, %add3A_1747, %sign3A_1752 : vector<16xi32>
    %sign3A_1754 = arith.extui %sign3A_1753 : vector<16xi1> to vector<16xi32>
    %sign3A_1755 = arith.constant 0 : i32
    %sign3A_1756 = vector.broadcast %sign3A_1755 : i32 to vector<16xi32>
    %sign3A_1757 = arith.cmpi slt, %add3A_1747, %sign3A_1756 : vector<16xi32>
    %sign3A_1758 = arith.extui %sign3A_1757 : vector<16xi1> to vector<16xi32>
    %sign3A_1759 = arith.subi %sign3A_1754, %sign3A_1758 : vector<16xi32>
    %sign3A_1760 = arith.constant 0 : i32
    %sign3A_1761 = arith.cmpi sgt, %jit3A_1748, %sign3A_1760 : i32
    %sign3A_1762 = arith.extui %sign3A_1761 : i1 to i32
    %sign3A_1763 = arith.constant 0 : i32
    %sign3A_1764 = arith.cmpi slt, %jit3A_1748, %sign3A_1763 : i32
    %sign3A_1765 = arith.extui %sign3A_1764 : i1 to i32
    %sign3A_1766 = arith.subi %sign3A_1762, %sign3A_1765 : i32
    %ne3A_1767 = vector.broadcast %sign3A_1766 : i32 to vector<16xi32>
    %ne3A_1768 = arith.cmpi ne, %sign3A_1759, %ne3A_1767 : vector<16xi32>
    %rem3A_1769 = vector.broadcast %jit3A_1748 : i32 to vector<16xi32>
    %rem3A_1770 = arith.remsi %add3A_1747, %rem3A_1769 : vector<16xi32>
    %ne3A_1771 = arith.constant 0 : i32
    %ne3A_1772 = vector.broadcast %ne3A_1771 : i32 to vector<16xi32>
    %ne3A_1773 = arith.cmpi ne, %rem3A_1770, %ne3A_1772 : vector<16xi32>
    %and3A_1774 = arith.andi %ne3A_1768, %ne3A_1773 : vector<16xi1>
    %sub3A_1775 = arith.constant 1 : i32
    %sub3A_1776 = vector.broadcast %sub3A_1775 : i32 to vector<16xi32>
    %sub3A_1777 = arith.subi %div3A_1750, %sub3A_1776 : vector<16xi32>
    %select_n3A_1778 = arith.select %and3A_1774, %sub3A_1777, %div3A_1750 : vector<16xi1>, vector<16xi32>
    %mul3A_1779 = arith.constant 48 : i32
    %mul3A_1780 = vector.broadcast %mul3A_1779 : i32 to vector<16xi32>
    %mul3A_1781 = arith.muli %select_n3A_1778, %mul3A_1780 : vector<16xi32>
    %sub3A_1782 = arith.subi %add3A_1747, %mul3A_1781 : vector<16xi32>
    %jit3A_1783 = arith.constant 3 : i32
    %div3A_1784 = vector.broadcast %jit3A_1783 : i32 to vector<16xi32>
    %div3A_1785 = arith.divsi %sub3A_1782, %div3A_1784 : vector<16xi32>
    %sign3A_1786 = arith.constant 0 : i32
    %sign3A_1787 = vector.broadcast %sign3A_1786 : i32 to vector<16xi32>
    %sign3A_1788 = arith.cmpi sgt, %sub3A_1782, %sign3A_1787 : vector<16xi32>
    %sign3A_1789 = arith.extui %sign3A_1788 : vector<16xi1> to vector<16xi32>
    %sign3A_1790 = arith.constant 0 : i32
    %sign3A_1791 = vector.broadcast %sign3A_1790 : i32 to vector<16xi32>
    %sign3A_1792 = arith.cmpi slt, %sub3A_1782, %sign3A_1791 : vector<16xi32>
    %sign3A_1793 = arith.extui %sign3A_1792 : vector<16xi1> to vector<16xi32>
    %sign3A_1794 = arith.subi %sign3A_1789, %sign3A_1793 : vector<16xi32>
    %sign3A_1795 = arith.constant 0 : i32
    %sign3A_1796 = arith.cmpi sgt, %jit3A_1783, %sign3A_1795 : i32
    %sign3A_1797 = arith.extui %sign3A_1796 : i1 to i32
    %sign3A_1798 = arith.constant 0 : i32
    %sign3A_1799 = arith.cmpi slt, %jit3A_1783, %sign3A_1798 : i32
    %sign3A_1800 = arith.extui %sign3A_1799 : i1 to i32
    %sign3A_1801 = arith.subi %sign3A_1797, %sign3A_1800 : i32
    %ne3A_1802 = vector.broadcast %sign3A_1801 : i32 to vector<16xi32>
    %ne3A_1803 = arith.cmpi ne, %sign3A_1794, %ne3A_1802 : vector<16xi32>
    %rem3A_1804 = vector.broadcast %jit3A_1783 : i32 to vector<16xi32>
    %rem3A_1805 = arith.remsi %sub3A_1782, %rem3A_1804 : vector<16xi32>
    %ne3A_1806 = arith.constant 0 : i32
    %ne3A_1807 = vector.broadcast %ne3A_1806 : i32 to vector<16xi32>
    %ne3A_1808 = arith.cmpi ne, %rem3A_1805, %ne3A_1807 : vector<16xi32>
    %and3A_1809 = arith.andi %ne3A_1803, %ne3A_1808 : vector<16xi1>
    %sub3A_1810 = arith.constant 1 : i32
    %sub3A_1811 = vector.broadcast %sub3A_1810 : i32 to vector<16xi32>
    %sub3A_1812 = arith.subi %div3A_1785, %sub3A_1811 : vector<16xi32>
    %select_n3A_1813 = arith.select %and3A_1809, %sub3A_1812, %div3A_1785 : vector<16xi1>, vector<16xi32>
    %mul3A_1814 = arith.constant 3 : i32
    %mul3A_1815 = vector.broadcast %mul3A_1814 : i32 to vector<16xi32>
    %mul3A_1816 = arith.muli %select_n3A_1813, %mul3A_1815 : vector<16xi32>
    %sub3A_1817 = arith.subi %sub3A_1782, %mul3A_1816 : vector<16xi32>
    %mul3A_1818 = arith.constant 128 : i32
    %mul3A_1819 = vector.broadcast %mul3A_1818 : i32 to vector<16xi32>
    %mul3A_1820 = arith.muli %select_n3A_1778, %mul3A_1819 : vector<16xi32>
    %mul3A_1821 = arith.constant 16 : i32
    %mul3A_1822 = arith.muli %select_n3A, %mul3A_1821 : i32
    %add3A_1823 = vector.broadcast %mul3A_1822 : i32 to vector<16xi32>
    %add3A_1824 = arith.addi %mul3A_1820, %add3A_1823 : vector<16xi32>
    %add3A_1825 = arith.addi %add3A_1824, %select_n3A_1813 : vector<16xi32>
    %mul3A_1826 = arith.constant 4 : i32
    %mul3A_1827 = vector.broadcast %mul3A_1826 : i32 to vector<16xi32>
    %mul3A_1828 = arith.muli %add3A_1825, %mul3A_1827 : vector<16xi32>
    %add3A_1829 = arith.addi %mul3A_1828, %sub3A_1817 : vector<16xi32>
    %add3A_1830 = arith.constant 1 : i32
    %add3A_1831 = vector.broadcast %add3A_1830 : i32 to vector<16xi32>
    %add3A_1832 = arith.addi %add3A_1829, %add3A_1831 : vector<16xi32>
    %swap3A_1833 = arith.constant 304 : index
    %swap3A_1834 = tpu.vector_load %arg9[%swap3A_1833] {strides = array<i32>} : memref<384xi32, #tpu.memory_space<vmem>>, vector<16xi32>,
    tpu.vector_store %arg9[%swap3A_1833], %add3A_1832 {strides = array<i32>} : memref<384xi32, #tpu.memory_space<vmem>>, vector<16xi32>,
    %add3A_1835 = arith.constant 320 : i32
    %add3A_1836 = vector.broadcast %add3A_1835 : i32 to vector<16xi32>
    %add3A_1837 = arith.addi %iota3A, %add3A_1836 : vector<16xi32>
    %jit3A_1838 = arith.constant 48 : i32
    %div3A_1839 = vector.broadcast %jit3A_1838 : i32 to vector<16xi32>
    %div3A_1840 = arith.divsi %add3A_1837, %div3A_1839 : vector<16xi32>
    %sign3A_1841 = arith.constant 0 : i32
    %sign3A_1842 = vector.broadcast %sign3A_1841 : i32 to vector<16xi32>
    %sign3A_1843 = arith.cmpi sgt, %add3A_1837, %sign3A_1842 : vector<16xi32>
    %sign3A_1844 = arith.extui %sign3A_1843 : vector<16xi1> to vector<16xi32>
    %sign3A_1845 = arith.constant 0 : i32
    %sign3A_1846 = vector.broadcast %sign3A_1845 : i32 to vector<16xi32>
    %sign3A_1847 = arith.cmpi slt, %add3A_1837, %sign3A_1846 : vector<16xi32>
    %sign3A_1848 = arith.extui %sign3A_1847 : vector<16xi1> to vector<16xi32>
    %sign3A_1849 = arith.subi %sign3A_1844, %sign3A_1848 : vector<16xi32>
    %sign3A_1850 = arith.constant 0 : i32
    %sign3A_1851 = arith.cmpi sgt, %jit3A_1838, %sign3A_1850 : i32
    %sign3A_1852 = arith.extui %sign3A_1851 : i1 to i32
    %sign3A_1853 = arith.constant 0 : i32
    %sign3A_1854 = arith.cmpi slt, %jit3A_1838, %sign3A_1853 : i32
    %sign3A_1855 = arith.extui %sign3A_1854 : i1 to i32
    %sign3A_1856 = arith.subi %sign3A_1852, %sign3A_1855 : i32
    %ne3A_1857 = vector.broadcast %sign3A_1856 : i32 to vector<16xi32>
    %ne3A_1858 = arith.cmpi ne, %sign3A_1849, %ne3A_1857 : vector<16xi32>
    %rem3A_1859 = vector.broadcast %jit3A_1838 : i32 to vector<16xi32>
    %rem3A_1860 = arith.remsi %add3A_1837, %rem3A_1859 : vector<16xi32>
    %ne3A_1861 = arith.constant 0 : i32
    %ne3A_1862 = vector.broadcast %ne3A_1861 : i32 to vector<16xi32>
    %ne3A_1863 = arith.cmpi ne, %rem3A_1860, %ne3A_1862 : vector<16xi32>
    %and3A_1864 = arith.andi %ne3A_1858, %ne3A_1863 : vector<16xi1>
    %sub3A_1865 = arith.constant 1 : i32
    %sub3A_1866 = vector.broadcast %sub3A_1865 : i32 to vector<16xi32>
    %sub3A_1867 = arith.subi %div3A_1840, %sub3A_1866 : vector<16xi32>
    %select_n3A_1868 = arith.select %and3A_1864, %sub3A_1867, %div3A_1840 : vector<16xi1>, vector<16xi32>
    %mul3A_1869 = arith.constant 48 : i32
    %mul3A_1870 = vector.broadcast %mul3A_1869 : i32 to vector<16xi32>
    %mul3A_1871 = arith.muli %select_n3A_1868, %mul3A_1870 : vector<16xi32>
    %sub3A_1872 = arith.subi %add3A_1837, %mul3A_1871 : vector<16xi32>
    %jit3A_1873 = arith.constant 3 : i32
    %div3A_1874 = vector.broadcast %jit3A_1873 : i32 to vector<16xi32>
    %div3A_1875 = arith.divsi %sub3A_1872, %div3A_1874 : vector<16xi32>
    %sign3A_1876 = arith.constant 0 : i32
    %sign3A_1877 = vector.broadcast %sign3A_1876 : i32 to vector<16xi32>
    %sign3A_1878 = arith.cmpi sgt, %sub3A_1872, %sign3A_1877 : vector<16xi32>
    %sign3A_1879 = arith.extui %sign3A_1878 : vector<16xi1> to vector<16xi32>
    %sign3A_1880 = arith.constant 0 : i32
    %sign3A_1881 = vector.broadcast %sign3A_1880 : i32 to vector<16xi32>
    %sign3A_1882 = arith.cmpi slt, %sub3A_1872, %sign3A_1881 : vector<16xi32>
    %sign3A_1883 = arith.extui %sign3A_1882 : vector<16xi1> to vector<16xi32>
    %sign3A_1884 = arith.subi %sign3A_1879, %sign3A_1883 : vector<16xi32>
    %sign3A_1885 = arith.constant 0 : i32
    %sign3A_1886 = arith.cmpi sgt, %jit3A_1873, %sign3A_1885 : i32
    %sign3A_1887 = arith.extui %sign3A_1886 : i1 to i32
    %sign3A_1888 = arith.constant 0 : i32
    %sign3A_1889 = arith.cmpi slt, %jit3A_1873, %sign3A_1888 : i32
    %sign3A_1890 = arith.extui %sign3A_1889 : i1 to i32
    %sign3A_1891 = arith.subi %sign3A_1887, %sign3A_1890 : i32
    %ne3A_1892 = vector.broadcast %sign3A_1891 : i32 to vector<16xi32>
    %ne3A_1893 = arith.cmpi ne, %sign3A_1884, %ne3A_1892 : vector<16xi32>
    %rem3A_1894 = vector.broadcast %jit3A_1873 : i32 to vector<16xi32>
    %rem3A_1895 = arith.remsi %sub3A_1872, %rem3A_1894 : vector<16xi32>
    %ne3A_1896 = arith.constant 0 : i32
    %ne3A_1897 = vector.broadcast %ne3A_1896 : i32 to vector<16xi32>
    %ne3A_1898 = arith.cmpi ne, %rem3A_1895, %ne3A_1897 : vector<16xi32>
    %and3A_1899 = arith.andi %ne3A_1893, %ne3A_1898 : vector<16xi1>
    %sub3A_1900 = arith.constant 1 : i32
    %sub3A_1901 = vector.broadcast %sub3A_1900 : i32 to vector<16xi32>
    %sub3A_1902 = arith.subi %div3A_1875, %sub3A_1901 : vector<16xi32>
    %select_n3A_1903 = arith.select %and3A_1899, %sub3A_1902, %div3A_1875 : vector<16xi1>, vector<16xi32>
    %mul3A_1904 = arith.constant 3 : i32
    %mul3A_1905 = vector.broadcast %mul3A_1904 : i32 to vector<16xi32>
    %mul3A_1906 = arith.muli %select_n3A_1903, %mul3A_1905 : vector<16xi32>
    %sub3A_1907 = arith.subi %sub3A_1872, %mul3A_1906 : vector<16xi32>
    %mul3A_1908 = arith.constant 128 : i32
    %mul3A_1909 = vector.broadcast %mul3A_1908 : i32 to vector<16xi32>
    %mul3A_1910 = arith.muli %select_n3A_1868, %mul3A_1909 : vector<16xi32>
    %mul3A_1911 = arith.constant 16 : i32
    %mul3A_1912 = arith.muli %select_n3A, %mul3A_1911 : i32
    %add3A_1913 = vector.broadcast %mul3A_1912 : i32 to vector<16xi32>
    %add3A_1914 = arith.addi %mul3A_1910, %add3A_1913 : vector<16xi32>
    %add3A_1915 = arith.addi %add3A_1914, %select_n3A_1903 : vector<16xi32>
    %mul3A_1916 = arith.constant 4 : i32
    %mul3A_1917 = vector.broadcast %mul3A_1916 : i32 to vector<16xi32>
    %mul3A_1918 = arith.muli %add3A_1915, %mul3A_1917 : vector<16xi32>
    %add3A_1919 = arith.addi %mul3A_1918, %sub3A_1907 : vector<16xi32>
    %add3A_1920 = arith.constant 1 : i32
    %add3A_1921 = vector.broadcast %add3A_1920 : i32 to vector<16xi32>
    %add3A_1922 = arith.addi %add3A_1919, %add3A_1921 : vector<16xi32>
    %swap3A_1923 = arith.constant 320 : index
    %swap3A_1924 = tpu.vector_load %arg9[%swap3A_1923] {strides = array<i32>} : memref<384xi32, #tpu.memory_space<vmem>>, vector<16xi32>,
    tpu.vector_store %arg9[%swap3A_1923], %add3A_1922 {strides = array<i32>} : memref<384xi32, #tpu.memory_space<vmem>>, vector<16xi32>,
    %add3A_1925 = arith.constant 336 : i32
    %add3A_1926 = vector.broadcast %add3A_1925 : i32 to vector<16xi32>
    %add3A_1927 = arith.addi %iota3A, %add3A_1926 : vector<16xi32>
    %jit3A_1928 = arith.constant 48 : i32
    %div3A_1929 = vector.broadcast %jit3A_1928 : i32 to vector<16xi32>
    %div3A_1930 = arith.divsi %add3A_1927, %div3A_1929 : vector<16xi32>
    %sign3A_1931 = arith.constant 0 : i32
    %sign3A_1932 = vector.broadcast %sign3A_1931 : i32 to vector<16xi32>
    %sign3A_1933 = arith.cmpi sgt, %add3A_1927, %sign3A_1932 : vector<16xi32>
    %sign3A_1934 = arith.extui %sign3A_1933 : vector<16xi1> to vector<16xi32>
    %sign3A_1935 = arith.constant 0 : i32
    %sign3A_1936 = vector.broadcast %sign3A_1935 : i32 to vector<16xi32>
    %sign3A_1937 = arith.cmpi slt, %add3A_1927, %sign3A_1936 : vector<16xi32>
    %sign3A_1938 = arith.extui %sign3A_1937 : vector<16xi1> to vector<16xi32>
    %sign3A_1939 = arith.subi %sign3A_1934, %sign3A_1938 : vector<16xi32>
    %sign3A_1940 = arith.constant 0 : i32
    %sign3A_1941 = arith.cmpi sgt, %jit3A_1928, %sign3A_1940 : i32
    %sign3A_1942 = arith.extui %sign3A_1941 : i1 to i32
    %sign3A_1943 = arith.constant 0 : i32
    %sign3A_1944 = arith.cmpi slt, %jit3A_1928, %sign3A_1943 : i32
    %sign3A_1945 = arith.extui %sign3A_1944 : i1 to i32
    %sign3A_1946 = arith.subi %sign3A_1942, %sign3A_1945 : i32
    %ne3A_1947 = vector.broadcast %sign3A_1946 : i32 to vector<16xi32>
    %ne3A_1948 = arith.cmpi ne, %sign3A_1939, %ne3A_1947 : vector<16xi32>
    %rem3A_1949 = vector.broadcast %jit3A_1928 : i32 to vector<16xi32>
    %rem3A_1950 = arith.remsi %add3A_1927, %rem3A_1949 : vector<16xi32>
    %ne3A_1951 = arith.constant 0 : i32
    %ne3A_1952 = vector.broadcast %ne3A_1951 : i32 to vector<16xi32>
    %ne3A_1953 = arith.cmpi ne, %rem3A_1950, %ne3A_1952 : vector<16xi32>
    %and3A_1954 = arith.andi %ne3A_1948, %ne3A_1953 : vector<16xi1>
    %sub3A_1955 = arith.constant 1 : i32
    %sub3A_1956 = vector.broadcast %sub3A_1955 : i32 to vector<16xi32>
    %sub3A_1957 = arith.subi %div3A_1930, %sub3A_1956 : vector<16xi32>
    %select_n3A_1958 = arith.select %and3A_1954, %sub3A_1957, %div3A_1930 : vector<16xi1>, vector<16xi32>
    %mul3A_1959 = arith.constant 48 : i32
    %mul3A_1960 = vector.broadcast %mul3A_1959 : i32 to vector<16xi32>
    %mul3A_1961 = arith.muli %select_n3A_1958, %mul3A_1960 : vector<16xi32>
    %sub3A_1962 = arith.subi %add3A_1927, %mul3A_1961 : vector<16xi32>
    %jit3A_1963 = arith.constant 3 : i32
    %div3A_1964 = vector.broadcast %jit3A_1963 : i32 to vector<16xi32>
    %div3A_1965 = arith.divsi %sub3A_1962, %div3A_1964 : vector<16xi32>
    %sign3A_1966 = arith.constant 0 : i32
    %sign3A_1967 = vector.broadcast %sign3A_1966 : i32 to vector<16xi32>
    %sign3A_1968 = arith.cmpi sgt, %sub3A_1962, %sign3A_1967 : vector<16xi32>
    %sign3A_1969 = arith.extui %sign3A_1968 : vector<16xi1> to vector<16xi32>
    %sign3A_1970 = arith.constant 0 : i32
    %sign3A_1971 = vector.broadcast %sign3A_1970 : i32 to vector<16xi32>
    %sign3A_1972 = arith.cmpi slt, %sub3A_1962, %sign3A_1971 : vector<16xi32>
    %sign3A_1973 = arith.extui %sign3A_1972 : vector<16xi1> to vector<16xi32>
    %sign3A_1974 = arith.subi %sign3A_1969, %sign3A_1973 : vector<16xi32>
    %sign3A_1975 = arith.constant 0 : i32
    %sign3A_1976 = arith.cmpi sgt, %jit3A_1963, %sign3A_1975 : i32
    %sign3A_1977 = arith.extui %sign3A_1976 : i1 to i32
    %sign3A_1978 = arith.constant 0 : i32
    %sign3A_1979 = arith.cmpi slt, %jit3A_1963, %sign3A_1978 : i32
    %sign3A_1980 = arith.extui %sign3A_1979 : i1 to i32
    %sign3A_1981 = arith.subi %sign3A_1977, %sign3A_1980 : i32
    %ne3A_1982 = vector.broadcast %sign3A_1981 : i32 to vector<16xi32>
    %ne3A_1983 = arith.cmpi ne, %sign3A_1974, %ne3A_1982 : vector<16xi32>
    %rem3A_1984 = vector.broadcast %jit3A_1963 : i32 to vector<16xi32>
    %rem3A_1985 = arith.remsi %sub3A_1962, %rem3A_1984 : vector<16xi32>
    %ne3A_1986 = arith.constant 0 : i32
    %ne3A_1987 = vector.broadcast %ne3A_1986 : i32 to vector<16xi32>
    %ne3A_1988 = arith.cmpi ne, %rem3A_1985, %ne3A_1987 : vector<16xi32>
    %and3A_1989 = arith.andi %ne3A_1983, %ne3A_1988 : vector<16xi1>
    %sub3A_1990 = arith.constant 1 : i32
    %sub3A_1991 = vector.broadcast %sub3A_1990 : i32 to vector<16xi32>
    %sub3A_1992 = arith.subi %div3A_1965, %sub3A_1991 : vector<16xi32>
    %select_n3A_1993 = arith.select %and3A_1989, %sub3A_1992, %div3A_1965 : vector<16xi1>, vector<16xi32>
    %mul3A_1994 = arith.constant 3 : i32
    %mul3A_1995 = vector.broadcast %mul3A_1994 : i32 to vector<16xi32>
    %mul3A_1996 = arith.muli %select_n3A_1993, %mul3A_1995 : vector<16xi32>
    %sub3A_1997 = arith.subi %sub3A_1962, %mul3A_1996 : vector<16xi32>
    %mul3A_1998 = arith.constant 128 : i32
    %mul3A_1999 = vector.broadcast %mul3A_1998 : i32 to vector<16xi32>
    %mul3A_2000 = arith.muli %select_n3A_1958, %mul3A_1999 : vector<16xi32>
    %mul3A_2001 = arith.constant 16 : i32
    %mul3A_2002 = arith.muli %select_n3A, %mul3A_2001 : i32
    %add3A_2003 = vector.broadcast %mul3A_2002 : i32 to vector<16xi32>
    %add3A_2004 = arith.addi %mul3A_2000, %add3A_2003 : vector<16xi32>
    %add3A_2005 = arith.addi %add3A_2004, %select_n3A_1993 : vector<16xi32>
    %mul3A_2006 = arith.constant 4 : i32
    %mul3A_2007 = vector.broadcast %mul3A_2006 : i32 to vector<16xi32>
    %mul3A_2008 = arith.muli %add3A_2005, %mul3A_2007 : vector<16xi32>
    %add3A_2009 = arith.addi %mul3A_2008, %sub3A_1997 : vector<16xi32>
    %add3A_2010 = arith.constant 1 : i32
    %add3A_2011 = vector.broadcast %add3A_2010 : i32 to vector<16xi32>
    %add3A_2012 = arith.addi %add3A_2009, %add3A_2011 : vector<16xi32>
    %swap3A_2013 = arith.constant 336 : index
    %swap3A_2014 = tpu.vector_load %arg9[%swap3A_2013] {strides = array<i32>} : memref<384xi32, #tpu.memory_space<vmem>>, vector<16xi32>,
    tpu.vector_store %arg9[%swap3A_2013], %add3A_2012 {strides = array<i32>} : memref<384xi32, #tpu.memory_space<vmem>>, vector<16xi32>,
    %add3A_2015 = arith.constant 352 : i32
    %add3A_2016 = vector.broadcast %add3A_2015 : i32 to vector<16xi32>
    %add3A_2017 = arith.addi %iota3A, %add3A_2016 : vector<16xi32>
    %jit3A_2018 = arith.constant 48 : i32
    %div3A_2019 = vector.broadcast %jit3A_2018 : i32 to vector<16xi32>
    %div3A_2020 = arith.divsi %add3A_2017, %div3A_2019 : vector<16xi32>
    %sign3A_2021 = arith.constant 0 : i32
    %sign3A_2022 = vector.broadcast %sign3A_2021 : i32 to vector<16xi32>
    %sign3A_2023 = arith.cmpi sgt, %add3A_2017, %sign3A_2022 : vector<16xi32>
    %sign3A_2024 = arith.extui %sign3A_2023 : vector<16xi1> to vector<16xi32>
    %sign3A_2025 = arith.constant 0 : i32
    %sign3A_2026 = vector.broadcast %sign3A_2025 : i32 to vector<16xi32>
    %sign3A_2027 = arith.cmpi slt, %add3A_2017, %sign3A_2026 : vector<16xi32>
    %sign3A_2028 = arith.extui %sign3A_2027 : vector<16xi1> to vector<16xi32>
    %sign3A_2029 = arith.subi %sign3A_2024, %sign3A_2028 : vector<16xi32>
    %sign3A_2030 = arith.constant 0 : i32
    %sign3A_2031 = arith.cmpi sgt, %jit3A_2018, %sign3A_2030 : i32
    %sign3A_2032 = arith.extui %sign3A_2031 : i1 to i32
    %sign3A_2033 = arith.constant 0 : i32
    %sign3A_2034 = arith.cmpi slt, %jit3A_2018, %sign3A_2033 : i32
    %sign3A_2035 = arith.extui %sign3A_2034 : i1 to i32
    %sign3A_2036 = arith.subi %sign3A_2032, %sign3A_2035 : i32
    %ne3A_2037 = vector.broadcast %sign3A_2036 : i32 to vector<16xi32>
    %ne3A_2038 = arith.cmpi ne, %sign3A_2029, %ne3A_2037 : vector<16xi32>
    %rem3A_2039 = vector.broadcast %jit3A_2018 : i32 to vector<16xi32>
    %rem3A_2040 = arith.remsi %add3A_2017, %rem3A_2039 : vector<16xi32>
    %ne3A_2041 = arith.constant 0 : i32
    %ne3A_2042 = vector.broadcast %ne3A_2041 : i32 to vector<16xi32>
    %ne3A_2043 = arith.cmpi ne, %rem3A_2040, %ne3A_2042 : vector<16xi32>
    %and3A_2044 = arith.andi %ne3A_2038, %ne3A_2043 : vector<16xi1>
    %sub3A_2045 = arith.constant 1 : i32
    %sub3A_2046 = vector.broadcast %sub3A_2045 : i32 to vector<16xi32>
    %sub3A_2047 = arith.subi %div3A_2020, %sub3A_2046 : vector<16xi32>
    %select_n3A_2048 = arith.select %and3A_2044, %sub3A_2047, %div3A_2020 : vector<16xi1>, vector<16xi32>
    %mul3A_2049 = arith.constant 48 : i32
    %mul3A_2050 = vector.broadcast %mul3A_2049 : i32 to vector<16xi32>
    %mul3A_2051 = arith.muli %select_n3A_2048, %mul3A_2050 : vector<16xi32>
    %sub3A_2052 = arith.subi %add3A_2017, %mul3A_2051 : vector<16xi32>
    %jit3A_2053 = arith.constant 3 : i32
    %div3A_2054 = vector.broadcast %jit3A_2053 : i32 to vector<16xi32>
    %div3A_2055 = arith.divsi %sub3A_2052, %div3A_2054 : vector<16xi32>
    %sign3A_2056 = arith.constant 0 : i32
    %sign3A_2057 = vector.broadcast %sign3A_2056 : i32 to vector<16xi32>
    %sign3A_2058 = arith.cmpi sgt, %sub3A_2052, %sign3A_2057 : vector<16xi32>
    %sign3A_2059 = arith.extui %sign3A_2058 : vector<16xi1> to vector<16xi32>
    %sign3A_2060 = arith.constant 0 : i32
    %sign3A_2061 = vector.broadcast %sign3A_2060 : i32 to vector<16xi32>
    %sign3A_2062 = arith.cmpi slt, %sub3A_2052, %sign3A_2061 : vector<16xi32>
    %sign3A_2063 = arith.extui %sign3A_2062 : vector<16xi1> to vector<16xi32>
    %sign3A_2064 = arith.subi %sign3A_2059, %sign3A_2063 : vector<16xi32>
    %sign3A_2065 = arith.constant 0 : i32
    %sign3A_2066 = arith.cmpi sgt, %jit3A_2053, %sign3A_2065 : i32
    %sign3A_2067 = arith.extui %sign3A_2066 : i1 to i32
    %sign3A_2068 = arith.constant 0 : i32
    %sign3A_2069 = arith.cmpi slt, %jit3A_2053, %sign3A_2068 : i32
    %sign3A_2070 = arith.extui %sign3A_2069 : i1 to i32
    %sign3A_2071 = arith.subi %sign3A_2067, %sign3A_2070 : i32
    %ne3A_2072 = vector.broadcast %sign3A_2071 : i32 to vector<16xi32>
    %ne3A_2073 = arith.cmpi ne, %sign3A_2064, %ne3A_2072 : vector<16xi32>
    %rem3A_2074 = vector.broadcast %jit3A_2053 : i32 to vector<16xi32>
    %rem3A_2075 = arith.remsi %sub3A_2052, %rem3A_2074 : vector<16xi32>
    %ne3A_2076 = arith.constant 0 : i32
    %ne3A_2077 = vector.broadcast %ne3A_2076 : i32 to vector<16xi32>
    %ne3A_2078 = arith.cmpi ne, %rem3A_2075, %ne3A_2077 : vector<16xi32>
    %and3A_2079 = arith.andi %ne3A_2073, %ne3A_2078 : vector<16xi1>
    %sub3A_2080 = arith.constant 1 : i32
    %sub3A_2081 = vector.broadcast %sub3A_2080 : i32 to vector<16xi32>
    %sub3A_2082 = arith.subi %div3A_2055, %sub3A_2081 : vector<16xi32>
    %select_n3A_2083 = arith.select %and3A_2079, %sub3A_2082, %div3A_2055 : vector<16xi1>, vector<16xi32>
    %mul3A_2084 = arith.constant 3 : i32
    %mul3A_2085 = vector.broadcast %mul3A_2084 : i32 to vector<16xi32>
    %mul3A_2086 = arith.muli %select_n3A_2083, %mul3A_2085 : vector<16xi32>
    %sub3A_2087 = arith.subi %sub3A_2052, %mul3A_2086 : vector<16xi32>
    %mul3A_2088 = arith.constant 128 : i32
    %mul3A_2089 = vector.broadcast %mul3A_2088 : i32 to vector<16xi32>
    %mul3A_2090 = arith.muli %select_n3A_2048, %mul3A_2089 : vector<16xi32>
    %mul3A_2091 = arith.constant 16 : i32
    %mul3A_2092 = arith.muli %select_n3A, %mul3A_2091 : i32
    %add3A_2093 = vector.broadcast %mul3A_2092 : i32 to vector<16xi32>
    %add3A_2094 = arith.addi %mul3A_2090, %add3A_2093 : vector<16xi32>
    %add3A_2095 = arith.addi %add3A_2094, %select_n3A_2083 : vector<16xi32>
    %mul3A_2096 = arith.constant 4 : i32
    %mul3A_2097 = vector.broadcast %mul3A_2096 : i32 to vector<16xi32>
    %mul3A_2098 = arith.muli %add3A_2095, %mul3A_2097 : vector<16xi32>
    %add3A_2099 = arith.addi %mul3A_2098, %sub3A_2087 : vector<16xi32>
    %add3A_2100 = arith.constant 1 : i32
    %add3A_2101 = vector.broadcast %add3A_2100 : i32 to vector<16xi32>
    %add3A_2102 = arith.addi %add3A_2099, %add3A_2101 : vector<16xi32>
    %swap3A_2103 = arith.constant 352 : index
    %swap3A_2104 = tpu.vector_load %arg9[%swap3A_2103] {strides = array<i32>} : memref<384xi32, #tpu.memory_space<vmem>>, vector<16xi32>,
    tpu.vector_store %arg9[%swap3A_2103], %add3A_2102 {strides = array<i32>} : memref<384xi32, #tpu.memory_space<vmem>>, vector<16xi32>,
    %add3A_2105 = arith.constant 368 : i32
    %add3A_2106 = vector.broadcast %add3A_2105 : i32 to vector<16xi32>
    %add3A_2107 = arith.addi %iota3A, %add3A_2106 : vector<16xi32>
    %jit3A_2108 = arith.constant 48 : i32
    %div3A_2109 = vector.broadcast %jit3A_2108 : i32 to vector<16xi32>
    %div3A_2110 = arith.divsi %add3A_2107, %div3A_2109 : vector<16xi32>
    %sign3A_2111 = arith.constant 0 : i32
    %sign3A_2112 = vector.broadcast %sign3A_2111 : i32 to vector<16xi32>
    %sign3A_2113 = arith.cmpi sgt, %add3A_2107, %sign3A_2112 : vector<16xi32>
    %sign3A_2114 = arith.extui %sign3A_2113 : vector<16xi1> to vector<16xi32>
    %sign3A_2115 = arith.constant 0 : i32
    %sign3A_2116 = vector.broadcast %sign3A_2115 : i32 to vector<16xi32>
    %sign3A_2117 = arith.cmpi slt, %add3A_2107, %sign3A_2116 : vector<16xi32>
    %sign3A_2118 = arith.extui %sign3A_2117 : vector<16xi1> to vector<16xi32>
    %sign3A_2119 = arith.subi %sign3A_2114, %sign3A_2118 : vector<16xi32>
    %sign3A_2120 = arith.constant 0 : i32
    %sign3A_2121 = arith.cmpi sgt, %jit3A_2108, %sign3A_2120 : i32
    %sign3A_2122 = arith.extui %sign3A_2121 : i1 to i32
    %sign3A_2123 = arith.constant 0 : i32
    %sign3A_2124 = arith.cmpi slt, %jit3A_2108, %sign3A_2123 : i32
    %sign3A_2125 = arith.extui %sign3A_2124 : i1 to i32
    %sign3A_2126 = arith.subi %sign3A_2122, %sign3A_2125 : i32
    %ne3A_2127 = vector.broadcast %sign3A_2126 : i32 to vector<16xi32>
    %ne3A_2128 = arith.cmpi ne, %sign3A_2119, %ne3A_2127 : vector<16xi32>
    %rem3A_2129 = vector.broadcast %jit3A_2108 : i32 to vector<16xi32>
    %rem3A_2130 = arith.remsi %add3A_2107, %rem3A_2129 : vector<16xi32>
    %ne3A_2131 = arith.constant 0 : i32
    %ne3A_2132 = vector.broadcast %ne3A_2131 : i32 to vector<16xi32>
    %ne3A_2133 = arith.cmpi ne, %rem3A_2130, %ne3A_2132 : vector<16xi32>
    %and3A_2134 = arith.andi %ne3A_2128, %ne3A_2133 : vector<16xi1>
    %sub3A_2135 = arith.constant 1 : i32
    %sub3A_2136 = vector.broadcast %sub3A_2135 : i32 to vector<16xi32>
    %sub3A_2137 = arith.subi %div3A_2110, %sub3A_2136 : vector<16xi32>
    %select_n3A_2138 = arith.select %and3A_2134, %sub3A_2137, %div3A_2110 : vector<16xi1>, vector<16xi32>
    %mul3A_2139 = arith.constant 48 : i32
    %mul3A_2140 = vector.broadcast %mul3A_2139 : i32 to vector<16xi32>
    %mul3A_2141 = arith.muli %select_n3A_2138, %mul3A_2140 : vector<16xi32>
    %sub3A_2142 = arith.subi %add3A_2107, %mul3A_2141 : vector<16xi32>
    %jit3A_2143 = arith.constant 3 : i32
    %div3A_2144 = vector.broadcast %jit3A_2143 : i32 to vector<16xi32>
    %div3A_2145 = arith.divsi %sub3A_2142, %div3A_2144 : vector<16xi32>
    %sign3A_2146 = arith.constant 0 : i32
    %sign3A_2147 = vector.broadcast %sign3A_2146 : i32 to vector<16xi32>
    %sign3A_2148 = arith.cmpi sgt, %sub3A_2142, %sign3A_2147 : vector<16xi32>
    %sign3A_2149 = arith.extui %sign3A_2148 : vector<16xi1> to vector<16xi32>
    %sign3A_2150 = arith.constant 0 : i32
    %sign3A_2151 = vector.broadcast %sign3A_2150 : i32 to vector<16xi32>
    %sign3A_2152 = arith.cmpi slt, %sub3A_2142, %sign3A_2151 : vector<16xi32>
    %sign3A_2153 = arith.extui %sign3A_2152 : vector<16xi1> to vector<16xi32>
    %sign3A_2154 = arith.subi %sign3A_2149, %sign3A_2153 : vector<16xi32>
    %sign3A_2155 = arith.constant 0 : i32
    %sign3A_2156 = arith.cmpi sgt, %jit3A_2143, %sign3A_2155 : i32
    %sign3A_2157 = arith.extui %sign3A_2156 : i1 to i32
    %sign3A_2158 = arith.constant 0 : i32
    %sign3A_2159 = arith.cmpi slt, %jit3A_2143, %sign3A_2158 : i32
    %sign3A_2160 = arith.extui %sign3A_2159 : i1 to i32
    %sign3A_2161 = arith.subi %sign3A_2157, %sign3A_2160 : i32
    %ne3A_2162 = vector.broadcast %sign3A_2161 : i32 to vector<16xi32>
    %ne3A_2163 = arith.cmpi ne, %sign3A_2154, %ne3A_2162 : vector<16xi32>
    %rem3A_2164 = vector.broadcast %jit3A_2143 : i32 to vector<16xi32>
    %rem3A_2165 = arith.remsi %sub3A_2142, %rem3A_2164 : vector<16xi32>
    %ne3A_2166 = arith.constant 0 : i32
    %ne3A_2167 = vector.broadcast %ne3A_2166 : i32 to vector<16xi32>
    %ne3A_2168 = arith.cmpi ne, %rem3A_2165, %ne3A_2167 : vector<16xi32>
    %and3A_2169 = arith.andi %ne3A_2163, %ne3A_2168 : vector<16xi1>
    %sub3A_2170 = arith.constant 1 : i32
    %sub3A_2171 = vector.broadcast %sub3A_2170 : i32 to vector<16xi32>
    %sub3A_2172 = arith.subi %div3A_2145, %sub3A_2171 : vector<16xi32>
    %select_n3A_2173 = arith.select %and3A_2169, %sub3A_2172, %div3A_2145 : vector<16xi1>, vector<16xi32>
    %mul3A_2174 = arith.constant 3 : i32
    %mul3A_2175 = vector.broadcast %mul3A_2174 : i32 to vector<16xi32>
    %mul3A_2176 = arith.muli %select_n3A_2173, %mul3A_2175 : vector<16xi32>
    %sub3A_2177 = arith.subi %sub3A_2142, %mul3A_2176 : vector<16xi32>
    %mul3A_2178 = arith.constant 128 : i32
    %mul3A_2179 = vector.broadcast %mul3A_2178 : i32 to vector<16xi32>
    %mul3A_2180 = arith.muli %select_n3A_2138, %mul3A_2179 : vector<16xi32>
    %mul3A_2181 = arith.constant 16 : i32
    %mul3A_2182 = arith.muli %select_n3A, %mul3A_2181 : i32
    %add3A_2183 = vector.broadcast %mul3A_2182 : i32 to vector<16xi32>
    %add3A_2184 = arith.addi %mul3A_2180, %add3A_2183 : vector<16xi32>
    %add3A_2185 = arith.addi %add3A_2184, %select_n3A_2173 : vector<16xi32>
    %mul3A_2186 = arith.constant 4 : i32
    %mul3A_2187 = vector.broadcast %mul3A_2186 : i32 to vector<16xi32>
    %mul3A_2188 = arith.muli %add3A_2185, %mul3A_2187 : vector<16xi32>
    %add3A_2189 = arith.addi %mul3A_2188, %sub3A_2177 : vector<16xi32>
    %add3A_2190 = arith.constant 1 : i32
    %add3A_2191 = vector.broadcast %add3A_2190 : i32 to vector<16xi32>
    %add3A_2192 = arith.addi %add3A_2189, %add3A_2191 : vector<16xi32>
    %swap3A_2193 = arith.constant 368 : index
    %swap3A_2194 = tpu.vector_load %arg9[%swap3A_2193] {strides = array<i32>} : memref<384xi32, #tpu.memory_space<vmem>>, vector<16xi32>,
    tpu.vector_store %arg9[%swap3A_2193], %add3A_2192 {strides = array<i32>} : memref<384xi32, #tpu.memory_space<vmem>>, vector<16xi32>,
    %dma_start3A = arith.constant 0 : i32
    %dma_start3A_2195 = arith.constant 0 : i32
    %dma_start3A_2196 = tpu.memref_slice %arg10[%dma_start3A, %dma_start3A_2195] : memref<384x128xf32, #tpu.memory_space<vmem>> -> memref<96x128xf32, #tpu.memory_space<vmem>>
    %dma_start3A_2197 = arith.constant 0 : i32
    %dma_start3A_2198 = tpu.memref_slice %arg9[%dma_start3A_2197] : memref<384xi32, #tpu.memory_space<vmem>> -> memref<96xi32, #tpu.memory_space<vmem>>
    %dma_start3A_2199 = arith.constant 0 : i32
    %dma_start3A_2200 = arith.constant 0 : i32
    %dma_start3A_2201 = tpu.memref_slice %arg2[%dma_start3A_2199, %dma_start3A_2200] : memref<4096x128xf32, #tpu.memory_space<hbm>> -> memref<4096x128xf32, #tpu.memory_space<hbm>>
    tpu.enqueue_indirect_dma source(%dma_start3A_2201 : memref<4096x128xf32, #tpu.memory_space<hbm>>) target(%dma_start3A_2196 : memref<96x128xf32, #tpu.memory_space<vmem>>) offsets(%dma_start3A_2198 : memref<96xi32, #tpu.memory_space<vmem>>) semaphore(%arg23 : memref<!tpu.dma_semaphore, #tpu.memory_space<semaphore_mem>>)
    %dma_start3A_2202 = arith.constant 96 : i32
    %dma_start3A_2203 = arith.constant 0 : i32
    %dma_start3A_2204 = tpu.memref_slice %arg10[%dma_start3A_2202, %dma_start3A_2203] : memref<384x128xf32, #tpu.memory_space<vmem>> -> memref<96x128xf32, #tpu.memory_space<vmem>>
    %dma_start3A_2205 = arith.constant 96 : i32
    %dma_start3A_2206 = tpu.memref_slice %arg9[%dma_start3A_2205] : memref<384xi32, #tpu.memory_space<vmem>> -> memref<96xi32, #tpu.memory_space<vmem>>
    %dma_start3A_2207 = arith.constant 0 : i32
    %dma_start3A_2208 = arith.constant 0 : i32
    %dma_start3A_2209 = tpu.memref_slice %arg2[%dma_start3A_2207, %dma_start3A_2208] : memref<4096x128xf32, #tpu.memory_space<hbm>> -> memref<4096x128xf32, #tpu.memory_space<hbm>>
    tpu.enqueue_indirect_dma source(%dma_start3A_2209 : memref<4096x128xf32, #tpu.memory_space<hbm>>) target(%dma_start3A_2204 : memref<96x128xf32, #tpu.memory_space<vmem>>) offsets(%dma_start3A_2206 : memref<96xi32, #tpu.memory_space<vmem>>) semaphore(%arg23 : memref<!tpu.dma_semaphore, #tpu.memory_space<semaphore_mem>>)
    %dma_start3A_2210 = arith.constant 192 : i32
    %dma_start3A_2211 = arith.constant 0 : i32
    %dma_start3A_2212 = tpu.memref_slice %arg10[%dma_start3A_2210, %dma_start3A_2211] : memref<384x128xf32, #tpu.memory_space<vmem>> -> memref<96x128xf32, #tpu.memory_space<vmem>>
    %dma_start3A_2213 = arith.constant 192 : i32
    %dma_start3A_2214 = tpu.memref_slice %arg9[%dma_start3A_2213] : memref<384xi32, #tpu.memory_space<vmem>> -> memref<96xi32, #tpu.memory_space<vmem>>
    %dma_start3A_2215 = arith.constant 0 : i32
    %dma_start3A_2216 = arith.constant 0 : i32
    %dma_start3A_2217 = tpu.memref_slice %arg2[%dma_start3A_2215, %dma_start3A_2216] : memref<4096x128xf32, #tpu.memory_space<hbm>> -> memref<4096x128xf32, #tpu.memory_space<hbm>>
    tpu.enqueue_indirect_dma source(%dma_start3A_2217 : memref<4096x128xf32, #tpu.memory_space<hbm>>) target(%dma_start3A_2212 : memref<96x128xf32, #tpu.memory_space<vmem>>) offsets(%dma_start3A_2214 : memref<96xi32, #tpu.memory_space<vmem>>) semaphore(%arg23 : memref<!tpu.dma_semaphore, #tpu.memory_space<semaphore_mem>>)
    %dma_start3A_2218 = arith.constant 288 : i32
    %dma_start3A_2219 = arith.constant 0 : i32
    %dma_start3A_2220 = tpu.memref_slice %arg10[%dma_start3A_2218, %dma_start3A_2219] : memref<384x128xf32, #tpu.memory_space<vmem>> -> memref<96x128xf32, #tpu.memory_space<vmem>>
    %dma_start3A_2221 = arith.constant 288 : i32
    %dma_start3A_2222 = tpu.memref_slice %arg9[%dma_start3A_2221] : memref<384xi32, #tpu.memory_space<vmem>> -> memref<96xi32, #tpu.memory_space<vmem>>
    %dma_start3A_2223 = arith.constant 0 : i32
    %dma_start3A_2224 = arith.constant 0 : i32
    %dma_start3A_2225 = tpu.memref_slice %arg2[%dma_start3A_2223, %dma_start3A_2224] : memref<4096x128xf32, #tpu.memory_space<hbm>> -> memref<4096x128xf32, #tpu.memory_space<hbm>>
    tpu.enqueue_indirect_dma source(%dma_start3A_2225 : memref<4096x128xf32, #tpu.memory_space<hbm>>) target(%dma_start3A_2220 : memref<96x128xf32, #tpu.memory_space<vmem>>) offsets(%dma_start3A_2222 : memref<96xi32, #tpu.memory_space<vmem>>) semaphore(%arg23 : memref<!tpu.dma_semaphore, #tpu.memory_space<semaphore_mem>>)
    %scan3A = arith.constant 0 : i32
    %scan3A_2226 = arith.constant 0 : i32
    %scan3A_2227 = arith.constant 512 : i32
    %scan3A_2228 = arith.addi %scan3A_2226, %scan3A_2227 : i32
    %scan3A_2229 = arith.constant 1 : i32
    %scan3A_2230 = scf.for %scan3A_2302 = %scan3A_2226 to %scan3A_2228 step %scan3A_2229 iter_args(%scan3A_2303 = %scan3A) -> (i32)  : i32 {
      %shift_right_arithmetic3A = arith.constant 7 : i32
      %shift_right_arithmetic3A_2304 = arith.shrsi %scan3A_2302, %shift_right_arithmetic3A : i32
      %and3A_2305 = arith.constant 127 : i32
      %and3A_2306 = arith.andi %scan3A_2302, %and3A_2305 : i32
      %mul3A_2307 = arith.constant 16 : i32
      %mul3A_2308 = arith.muli %and3A_2306, %mul3A_2307 : i32
      %swap3A_2309 = arith.index_cast %shift_right_arithmetic3A_2304 : i32 to index
      %swap3A_2310 = arith.index_cast %mul3A_2308 : i32 to index
      %swap3A_2311 = tpu.vector_load %arg15[%swap3A_2309, %swap3A_2310] {strides = array<i32>} : memref<4x2048xf32, #tpu.memory_space<vmem>>, vector<16xf32>,
      tpu.vector_store %arg15[%swap3A_2309, %swap3A_2310], %broadcast_in_dim3A_33 {strides = array<i32>} : memref<4x2048xf32, #tpu.memory_space<vmem>>, vector<16xf32>,
      %swap3A_2312 = arith.index_cast %shift_right_arithmetic3A_2304 : i32 to index
      %swap3A_2313 = arith.index_cast %mul3A_2308 : i32 to index
      %swap3A_2314 = tpu.vector_load %arg16[%swap3A_2312, %swap3A_2313] {strides = array<i32>} : memref<4x2048xf32, #tpu.memory_space<vmem>>, vector<16xf32>,
      tpu.vector_store %arg16[%swap3A_2312, %swap3A_2313], %broadcast_in_dim3A_33 {strides = array<i32>} : memref<4x2048xf32, #tpu.memory_space<vmem>>, vector<16xf32>,
      %swap3A_2315 = arith.index_cast %shift_right_arithmetic3A_2304 : i32 to index
      %swap3A_2316 = arith.index_cast %mul3A_2308 : i32 to index
      %swap3A_2317 = tpu.vector_load %arg17[%swap3A_2315, %swap3A_2316] {strides = array<i32>} : memref<4x2048xf32, #tpu.memory_space<vmem>>, vector<16xf32>,
      tpu.vector_store %arg17[%swap3A_2315, %swap3A_2316], %broadcast_in_dim3A_33 {strides = array<i32>} : memref<4x2048xf32, #tpu.memory_space<vmem>>, vector<16xf32>,
      %swap3A_2318 = arith.index_cast %shift_right_arithmetic3A_2304 : i32 to index
      %swap3A_2319 = arith.index_cast %mul3A_2308 : i32 to index
      %swap3A_2320 = tpu.vector_load %arg18[%swap3A_2318, %swap3A_2319] {strides = array<i32>} : memref<4x2048xf32, #tpu.memory_space<vmem>>, vector<16xf32>,
      tpu.vector_store %arg18[%swap3A_2318, %swap3A_2319], %broadcast_in_dim3A_33 {strides = array<i32>} : memref<4x2048xf32, #tpu.memory_space<vmem>>, vector<16xf32>,
      %swap3A_2321 = arith.index_cast %shift_right_arithmetic3A_2304 : i32 to index
      %swap3A_2322 = arith.index_cast %mul3A_2308 : i32 to index
      %swap3A_2323 = tpu.vector_load %arg19[%swap3A_2321, %swap3A_2322] {strides = array<i32>} : memref<4x2048xf32, #tpu.memory_space<vmem>>, vector<16xf32>,
      tpu.vector_store %arg19[%swap3A_2321, %swap3A_2322], %broadcast_in_dim3A_33 {strides = array<i32>} : memref<4x2048xf32, #tpu.memory_space<vmem>>, vector<16xf32>,
      %swap3A_2324 = arith.index_cast %shift_right_arithmetic3A_2304 : i32 to index
      %swap3A_2325 = arith.index_cast %mul3A_2308 : i32 to index
      %swap3A_2326 = tpu.vector_load %arg20[%swap3A_2324, %swap3A_2325] {strides = array<i32>} : memref<4x2048xf32, #tpu.memory_space<vmem>>, vector<16xf32>,
      tpu.vector_store %arg20[%swap3A_2324, %swap3A_2325], %broadcast_in_dim3A_33 {strides = array<i32>} : memref<4x2048xf32, #tpu.memory_space<vmem>>, vector<16xf32>,
      %scan3A_2327 = arith.constant 0 : i32
      scf.yield %scan3A_2327 : i32
    }
    %scan3A_2231 = arith.constant 512 : i32
    %dma_wait3A = arith.constant 0 : i32
    %dma_wait3A_2232 = arith.constant 0 : i32
    %dma_wait3A_2233 = tpu.memref_slice %arg10[%dma_wait3A, %dma_wait3A_2232] : memref<384x128xf32, #tpu.memory_space<vmem>> -> memref<96x128xf32, #tpu.memory_space<vmem>>
    %dma_wait3A_2234 = arith.constant 0 : i32
    %dma_wait3A_2235 = tpu.memref_slice %arg9[%dma_wait3A_2234] : memref<384xi32, #tpu.memory_space<vmem>> -> memref<96xi32, #tpu.memory_space<vmem>>
    %dma_wait3A_2236 = arith.constant 0 : i32
    %dma_wait3A_2237 = arith.constant 0 : i32
    %dma_wait3A_2238 = tpu.memref_slice %arg2[%dma_wait3A_2236, %dma_wait3A_2237] : memref<4096x128xf32, #tpu.memory_space<hbm>> -> memref<4096x128xf32, #tpu.memory_space<hbm>>
    tpu.wait_indirect_dma semaphore(%arg23 : memref<!tpu.dma_semaphore, #tpu.memory_space<semaphore_mem>>) src(%dma_wait3A_2238 : memref<4096x128xf32, #tpu.memory_space<hbm>>) dst(%dma_wait3A_2233 : memref<96x128xf32, #tpu.memory_space<vmem>>)
    %dma_wait3A_2239 = arith.constant 96 : i32
    %dma_wait3A_2240 = arith.constant 0 : i32
    %dma_wait3A_2241 = tpu.memref_slice %arg10[%dma_wait3A_2239, %dma_wait3A_2240] : memref<384x128xf32, #tpu.memory_space<vmem>> -> memref<96x128xf32, #tpu.memory_space<vmem>>
    %dma_wait3A_2242 = arith.constant 96 : i32
    %dma_wait3A_2243 = tpu.memref_slice %arg9[%dma_wait3A_2242] : memref<384xi32, #tpu.memory_space<vmem>> -> memref<96xi32, #tpu.memory_space<vmem>>
    %dma_wait3A_2244 = arith.constant 0 : i32
    %dma_wait3A_2245 = arith.constant 0 : i32
    %dma_wait3A_2246 = tpu.memref_slice %arg2[%dma_wait3A_2244, %dma_wait3A_2245] : memref<4096x128xf32, #tpu.memory_space<hbm>> -> memref<4096x128xf32, #tpu.memory_space<hbm>>
    tpu.wait_indirect_dma semaphore(%arg23 : memref<!tpu.dma_semaphore, #tpu.memory_space<semaphore_mem>>) src(%dma_wait3A_2246 : memref<4096x128xf32, #tpu.memory_space<hbm>>) dst(%dma_wait3A_2241 : memref<96x128xf32, #tpu.memory_space<vmem>>)
    %dma_wait3A_2247 = arith.constant 192 : i32
    %dma_wait3A_2248 = arith.constant 0 : i32
    %dma_wait3A_2249 = tpu.memref_slice %arg10[%dma_wait3A_2247, %dma_wait3A_2248] : memref<384x128xf32, #tpu.memory_space<vmem>> -> memref<96x128xf32, #tpu.memory_space<vmem>>
    %dma_wait3A_2250 = arith.constant 192 : i32
    %dma_wait3A_2251 = tpu.memref_slice %arg9[%dma_wait3A_2250] : memref<384xi32, #tpu.memory_space<vmem>> -> memref<96xi32, #tpu.memory_space<vmem>>
    %dma_wait3A_2252 = arith.constant 0 : i32
    %dma_wait3A_2253 = arith.constant 0 : i32
    %dma_wait3A_2254 = tpu.memref_slice %arg2[%dma_wait3A_2252, %dma_wait3A_2253] : memref<4096x128xf32, #tpu.memory_space<hbm>> -> memref<4096x128xf32, #tpu.memory_space<hbm>>
    tpu.wait_indirect_dma semaphore(%arg23 : memref<!tpu.dma_semaphore, #tpu.memory_space<semaphore_mem>>) src(%dma_wait3A_2254 : memref<4096x128xf32, #tpu.memory_space<hbm>>) dst(%dma_wait3A_2249 : memref<96x128xf32, #tpu.memory_space<vmem>>)
    %dma_wait3A_2255 = arith.constant 288 : i32
    %dma_wait3A_2256 = arith.constant 0 : i32
    %dma_wait3A_2257 = tpu.memref_slice %arg10[%dma_wait3A_2255, %dma_wait3A_2256] : memref<384x128xf32, #tpu.memory_space<vmem>> -> memref<96x128xf32, #tpu.memory_space<vmem>>
    %dma_wait3A_2258 = arith.constant 288 : i32
    %dma_wait3A_2259 = tpu.memref_slice %arg9[%dma_wait3A_2258] : memref<384xi32, #tpu.memory_space<vmem>> -> memref<96xi32, #tpu.memory_space<vmem>>
    %dma_wait3A_2260 = arith.constant 0 : i32
    %dma_wait3A_2261 = arith.constant 0 : i32
    %dma_wait3A_2262 = tpu.memref_slice %arg2[%dma_wait3A_2260, %dma_wait3A_2261] : memref<4096x128xf32, #tpu.memory_space<hbm>> -> memref<4096x128xf32, #tpu.memory_space<hbm>>
    tpu.wait_indirect_dma semaphore(%arg23 : memref<!tpu.dma_semaphore, #tpu.memory_space<semaphore_mem>>) src(%dma_wait3A_2262 : memref<4096x128xf32, #tpu.memory_space<hbm>>) dst(%dma_wait3A_2257 : memref<96x128xf32, #tpu.memory_space<vmem>>)
    %mul3A_2263 = arith.constant 4 : i32
    %mul3A_2264 = arith.muli %select_n3A_30, %mul3A_2263 : i32
    %dma_start3A_2265 = arith.constant 0 : i32
    %dma_start3A_2266 = tpu.memref_slice %arg3[%mul3A_2264, %dma_start3A_2265] : memref<1024x32xi32, #tpu.memory_space<hbm>> -> memref<4x32xi32, #tpu.memory_space<hbm>>
    %dma_start3A_2267 = arith.constant 0 : i32
    %dma_start3A_2268 = tpu.memref_slice %arg3[%mul3A_2264, %dma_start3A_2267] : memref<1024x32xi32, #tpu.memory_space<hbm>> -> memref<4x32xi32, #tpu.memory_space<hbm>>
    tpu.enqueue_dma source(%dma_start3A_2268 : memref<4x32xi32, #tpu.memory_space<hbm>>) target(%arg11 : memref<4x32xi32, #tpu.memory_space<vmem>>) target_semaphore(%arg21 : memref<!tpu.dma_semaphore, #tpu.memory_space<semaphore_mem>>)
    %scan3A_2269 = arith.constant 0 : i32
    %scan3A_2270 = arith.constant 0 : i32
    %scan3A_2271 = arith.constant 32 : i32
    %scan3A_2272 = arith.addi %scan3A_2270, %scan3A_2271 : i32
    %scan3A_2273 = arith.constant 1 : i32
    %scan3A_2274 = scf.for %scan3A_2302 = %scan3A_2270 to %scan3A_2272 step %scan3A_2273 iter_args(%scan3A_2303 = %scan3A_2269) -> (i32)  : i32 {
      %mul3A_2304 = arith.constant 2 : i32
      %mul3A_2305 = arith.muli %scan3A_2302, %mul3A_2304 : i32
      %add3A_2306 = arith.constant 0 : i32
      %add3A_2307 = arith.addi %mul3A_2305, %add3A_2306 : i32
      %mul3A_2308 = arith.constant 4 : i32
      %mul3A_2309 = arith.muli %mul3A_2308, %add3A_2307 : i32
      %add3A_2310 = arith.addi %mul3A_2309, %select_n3A_30 : i32
      %mul3A_2311 = arith.constant 4 : i32
      %mul3A_2312 = arith.muli %add3A_2310, %mul3A_2311 : i32
      %dma_wait3A_2313 = arith.constant 0 : i32
      %dma_wait3A_2314 = tpu.memref_slice %arg3[%mul3A_2312, %dma_wait3A_2313] : memref<1024x32xi32, #tpu.memory_space<hbm>> -> memref<4x32xi32, #tpu.memory_space<hbm>>
      %dma_wait3A_2315 = arith.constant 0 : i32
      %dma_wait3A_2316 = tpu.memref_slice %arg3[%mul3A_2312, %dma_wait3A_2315] : memref<1024x32xi32, #tpu.memory_space<hbm>> -> memref<4x32xi32, #tpu.memory_space<hbm>>
      tpu.wait_dma2 semaphore(%arg21 : memref<!tpu.dma_semaphore, #tpu.memory_space<semaphore_mem>>) src(%dma_wait3A_2316 : memref<4x32xi32, #tpu.memory_space<hbm>>) dst(%arg11 : memref<4x32xi32, #tpu.memory_space<vmem>>)
      %add3A_2317 = arith.constant 16 : i32
      %add3A_2318 = arith.addi %mul3A_2312, %add3A_2317 : i32
      %ge3A = arith.constant 1024 : i32
      %ge3A_2319 = arith.cmpi sge, %add3A_2318, %ge3A : i32
      %add3A_2320 = arith.constant 16 : i32
      %add3A_2321 = arith.addi %mul3A_2312, %add3A_2320 : i32
      %jit3A_2322 = arith.constant 0 : i32
      %select_n3A_2323 = arith.select %ge3A_2319, %jit3A_2322, %add3A_2321 : i32
      %dma_start3A_2324 = arith.constant 0 : i32
      %dma_start3A_2325 = tpu.memref_slice %arg3[%select_n3A_2323, %dma_start3A_2324] : memref<1024x32xi32, #tpu.memory_space<hbm>> -> memref<4x32xi32, #tpu.memory_space<hbm>>
      %dma_start3A_2326 = arith.constant 0 : i32
      %dma_start3A_2327 = tpu.memref_slice %arg3[%select_n3A_2323, %dma_start3A_2326] : memref<1024x32xi32, #tpu.memory_space<hbm>> -> memref<4x32xi32, #tpu.memory_space<hbm>>
      tpu.enqueue_dma source(%dma_start3A_2327 : memref<4x32xi32, #tpu.memory_space<hbm>>) target(%arg12 : memref<4x32xi32, #tpu.memory_space<vmem>>) target_semaphore(%arg22 : memref<!tpu.dma_semaphore, #tpu.memory_space<semaphore_mem>>)
      %gt3A = arith.constant 0 : i32
      %gt3A_2328 = arith.cmpi sgt, %scan3A_2302, %gt3A : i32
      %convert_element_type3A = arith.extui %gt3A_2328 : i1 to i32
      %cond3A = arith.constant 0 : i32
      %cond3A_2329 = arith.cmpi ne, %convert_element_type3A, %cond3A : i32
      scf.if %cond3A_2329 {
        %sub3A_2387 = arith.constant 32 : i32
        %sub3A_2388 = arith.subi %mul3A_2312, %sub3A_2387 : i32
        %dma_wait3A_2389 = tpu.memref_slice %arg5[%sub3A_2388, %mul3A_32] : memref<1024x16384xf32, #tpu.memory_space<hbm>> -> memref<4x2048xf32, #tpu.memory_space<hbm>>
        %dma_wait3A_2390 = tpu.memref_slice %arg5[%sub3A_2388, %mul3A_32] : memref<1024x16384xf32, #tpu.memory_space<hbm>> -> memref<4x2048xf32, #tpu.memory_space<hbm>>
        tpu.wait_dma2 semaphore(%arg24 : memref<!tpu.dma_semaphore, #tpu.memory_space<semaphore_mem>>) src(%arg15 : memref<4x2048xf32, #tpu.memory_space<vmem>>) dst(%dma_wait3A_2390 : memref<4x2048xf32, #tpu.memory_space<hbm>>)
        %sub3A_2391 = arith.constant 32 : i32
        %sub3A_2392 = arith.subi %mul3A_2312, %sub3A_2391 : i32
        %dma_wait3A_2393 = tpu.memref_slice %arg5[%sub3A_2392, %mul3A_32] : memref<1024x16384xf32, #tpu.memory_space<hbm>> -> memref<4x2048xf32, #tpu.memory_space<hbm>>
        %dma_wait3A_2394 = tpu.memref_slice %arg5[%sub3A_2392, %mul3A_32] : memref<1024x16384xf32, #tpu.memory_space<hbm>> -> memref<4x2048xf32, #tpu.memory_space<hbm>>
        tpu.wait_dma2 semaphore(%arg24 : memref<!tpu.dma_semaphore, #tpu.memory_space<semaphore_mem>>) src(%arg16 : memref<4x2048xf32, #tpu.memory_space<vmem>>) dst(%dma_wait3A_2394 : memref<4x2048xf32, #tpu.memory_space<hbm>>)
        %sub3A_2395 = arith.constant 32 : i32
        %sub3A_2396 = arith.subi %mul3A_2312, %sub3A_2395 : i32
        %dma_wait3A_2397 = tpu.memref_slice %arg5[%sub3A_2396, %mul3A_32] : memref<1024x16384xf32, #tpu.memory_space<hbm>> -> memref<4x2048xf32, #tpu.memory_space<hbm>>
        %dma_wait3A_2398 = tpu.memref_slice %arg5[%sub3A_2396, %mul3A_32] : memref<1024x16384xf32, #tpu.memory_space<hbm>> -> memref<4x2048xf32, #tpu.memory_space<hbm>>
        tpu.wait_dma2 semaphore(%arg24 : memref<!tpu.dma_semaphore, #tpu.memory_space<semaphore_mem>>) src(%arg17 : memref<4x2048xf32, #tpu.memory_space<vmem>>) dst(%dma_wait3A_2398 : memref<4x2048xf32, #tpu.memory_space<hbm>>)
        %scan3A_2399 = arith.constant 0 : i32
        %scan3A_2400 = arith.constant 0 : i32
        %scan3A_2401 = arith.constant 4 : i32
        %scan3A_2402 = arith.addi %scan3A_2400, %scan3A_2401 : i32
        %scan3A_2403 = arith.constant 1 : i32
        %scan3A_2404 = scf.for %scan3A_2406 = %scan3A_2400 to %scan3A_2402 step %scan3A_2403 iter_args(%scan3A_2407 = %scan3A_2399) -> (i32)  : i32 {
          %add3A_2408 = vector.broadcast %scan3A_2406 : i32 to vector<16xi32>
          %add3A_2409 = arith.addi %broadcast_in_dim3A_35, %add3A_2408 : vector<16xi32>
          %add3A_2410 = arith.constant 0 : i32
          %add3A_2411 = vector.broadcast %add3A_2410 : i32 to vector<16xi32>
          %add3A_2412 = arith.addi %iota3A, %add3A_2411 : vector<16xi32>
          %gather3A = tpu.vector_load_idx %arg13[%add3A_2409, %add3A_2412] : memref<4x32xi32, #tpu.memory_space<vmem>>[vector<16xi32>, vector<16xi32>], vector<16xi32>,
          %lt3A_2413 = arith.constant 2048 : i32
          %lt3A_2414 = vector.broadcast %lt3A_2413 : i32 to vector<16xi32>
          %lt3A_2415 = arith.cmpi slt, %gather3A, %lt3A_2414 : vector<16xi32>
          %min3A = arith.constant 2047 : i32
          %min3A_2416 = vector.broadcast %min3A : i32 to vector<16xi32>
          %min3A_2417 = arith.minsi %gather3A, %min3A_2416 : vector<16xi32>
          tpu.vector_store_idx %arg15[%add3A_2409, %min3A_2417], %broadcast_in_dim3A_33 masked %lt3A_2415 : memref<4x2048xf32, #tpu.memory_space<vmem>>[vector<16xi32>, vector<16xi32>], vector<16xf32>, vector<16xi1>
          tpu.vector_store_idx %arg16[%add3A_2409, %min3A_2417], %broadcast_in_dim3A_33 masked %lt3A_2415 : memref<4x2048xf32, #tpu.memory_space<vmem>>[vector<16xi32>, vector<16xi32>], vector<16xf32>, vector<16xi1>
          tpu.vector_store_idx %arg17[%add3A_2409, %min3A_2417], %broadcast_in_dim3A_33 masked %lt3A_2415 : memref<4x2048xf32, #tpu.memory_space<vmem>>[vector<16xi32>, vector<16xi32>], vector<16xf32>, vector<16xi1>
          %add3A_2418 = arith.constant 16 : i32
          %add3A_2419 = vector.broadcast %add3A_2418 : i32 to vector<16xi32>
          %add3A_2420 = arith.addi %iota3A, %add3A_2419 : vector<16xi32>
          %gather3A_2421 = tpu.vector_load_idx %arg13[%add3A_2409, %add3A_2420] : memref<4x32xi32, #tpu.memory_space<vmem>>[vector<16xi32>, vector<16xi32>], vector<16xi32>,
          %lt3A_2422 = arith.constant 2048 : i32
          %lt3A_2423 = vector.broadcast %lt3A_2422 : i32 to vector<16xi32>
          %lt3A_2424 = arith.cmpi slt, %gather3A_2421, %lt3A_2423 : vector<16xi32>
          %min3A_2425 = arith.constant 2047 : i32
          %min3A_2426 = vector.broadcast %min3A_2425 : i32 to vector<16xi32>
          %min3A_2427 = arith.minsi %gather3A_2421, %min3A_2426 : vector<16xi32>
          tpu.vector_store_idx %arg15[%add3A_2409, %min3A_2427], %broadcast_in_dim3A_33 masked %lt3A_2424 : memref<4x2048xf32, #tpu.memory_space<vmem>>[vector<16xi32>, vector<16xi32>], vector<16xf32>, vector<16xi1>
          tpu.vector_store_idx %arg16[%add3A_2409, %min3A_2427], %broadcast_in_dim3A_33 masked %lt3A_2424 : memref<4x2048xf32, #tpu.memory_space<vmem>>[vector<16xi32>, vector<16xi32>], vector<16xf32>, vector<16xi1>
          tpu.vector_store_idx %arg17[%add3A_2409, %min3A_2427], %broadcast_in_dim3A_33 masked %lt3A_2424 : memref<4x2048xf32, #tpu.memory_space<vmem>>[vector<16xi32>, vector<16xi32>], vector<16xf32>, vector<16xi1>
          %scan3A_2428 = arith.constant 0 : i32
          scf.yield %scan3A_2428 : i32
        }
        %scan3A_2405 = arith.constant 4 : i32
      } else {
      }
      %scan3A_2330 = arith.constant 0 : i32
      %scan3A_2331 = arith.constant 0 : i32
      %scan3A_2332 = arith.constant 4 : i32
      %scan3A_2333 = arith.addi %scan3A_2331, %scan3A_2332 : i32
      %scan3A_2334 = arith.constant 1 : i32
      %scan3A_2335 = scf.for %scan3A_2387 = %scan3A_2331 to %scan3A_2333 step %scan3A_2334 iter_args(%scan3A_2388 = %scan3A_2330) -> (i32)  : i32 {
        %add3A_2389 = vector.broadcast %scan3A_2387 : i32 to vector<16xi32>
        %add3A_2390 = arith.addi %broadcast_in_dim3A_35, %add3A_2389 : vector<16xi32>
        %add3A_2391 = vector.broadcast %mul3A_2312 : i32 to vector<16xi32>
        %add3A_2392 = arith.addi %broadcast_in_dim3A_35, %add3A_2391 : vector<16xi32>
        %add3A_2393 = vector.broadcast %scan3A_2387 : i32 to vector<16xi32>
        %add3A_2394 = arith.addi %add3A_2392, %add3A_2393 : vector<16xi32>
        %gather3A = tpu.vector_load_idx %arg8[%add3A_2394] : memref<1024xi32, #tpu.memory_space<vmem>>[vector<16xi32>], vector<16xi32>,
        %add3A_2395 = arith.constant 0 : i32
        %add3A_2396 = vector.broadcast %add3A_2395 : i32 to vector<16xi32>
        %add3A_2397 = arith.addi %iota3A, %add3A_2396 : vector<16xi32>
        %gather3A_2398 = tpu.vector_load_idx %arg11[%add3A_2390, %add3A_2397] : memref<4x32xi32, #tpu.memory_space<vmem>>[vector<16xi32>, vector<16xi32>], vector<16xi32>,
        %shift_right_arithmetic3A = arith.constant 11 : i32
        %shift_right_arithmetic3A_2399 = vector.broadcast %shift_right_arithmetic3A : i32 to vector<16xi32>
        %shift_right_arithmetic3A_2400 = arith.shrsi %gather3A_2398, %shift_right_arithmetic3A_2399 : vector<16xi32>
        %eq3A_2401 = vector.broadcast %select_n3A : i32 to vector<16xi32>
        %eq3A_2402 = arith.cmpi eq, %shift_right_arithmetic3A_2400, %eq3A_2401 : vector<16xi32>
        %and3A_2403 = arith.constant 2047 : i32
        %and3A_2404 = vector.broadcast %and3A_2403 : i32 to vector<16xi32>
        %and3A_2405 = arith.andi %gather3A_2398, %and3A_2404 : vector<16xi32>
        %and3A_2406 = arith.constant 127 : i32
        %and3A_2407 = vector.broadcast %and3A_2406 : i32 to vector<16xi32>
        %and3A_2408 = arith.andi %gather3A_2398, %and3A_2407 : vector<16xi32>
        %mul3A_2409 = arith.constant 16 : i32
        %mul3A_2410 = vector.broadcast %mul3A_2409 : i32 to vector<16xi32>
        %mul3A_2411 = arith.muli %gather3A, %mul3A_2410 : vector<16xi32>
        %shift_right_arithmetic3A_2412 = arith.constant 7 : i32
        %shift_right_arithmetic3A_2413 = vector.broadcast %shift_right_arithmetic3A_2412 : i32 to vector<16xi32>
        %shift_right_arithmetic3A_2414 = arith.shrsi %and3A_2405, %shift_right_arithmetic3A_2413 : vector<16xi32>
        %add3A_2415 = arith.addi %mul3A_2411, %shift_right_arithmetic3A_2414 : vector<16xi32>
        %mul3A_2416 = arith.constant 3 : i32
        %mul3A_2417 = vector.broadcast %mul3A_2416 : i32 to vector<16xi32>
        %mul3A_2418 = arith.muli %add3A_2415, %mul3A_2417 : vector<16xi32>
        %gather3A_2419 = tpu.vector_load_idx %arg10[%mul3A_2418, %and3A_2408] : memref<384x128xf32, #tpu.memory_space<vmem>>[vector<16xi32>, vector<16xi32>], vector<16xf32>,
        %add3A_2420 = arith.constant 1 : i32
        %add3A_2421 = vector.broadcast %add3A_2420 : i32 to vector<16xi32>
        %add3A_2422 = arith.addi %mul3A_2418, %add3A_2421 : vector<16xi32>
        %gather3A_2423 = tpu.vector_load_idx %arg10[%add3A_2422, %and3A_2408] : memref<384x128xf32, #tpu.memory_space<vmem>>[vector<16xi32>, vector<16xi32>], vector<16xf32>,
        %add3A_2424 = arith.constant 2 : i32
        %add3A_2425 = vector.broadcast %add3A_2424 : i32 to vector<16xi32>
        %add3A_2426 = arith.addi %mul3A_2418, %add3A_2425 : vector<16xi32>
        %gather3A_2427 = tpu.vector_load_idx %arg10[%add3A_2426, %and3A_2408] : memref<384x128xf32, #tpu.memory_space<vmem>>[vector<16xi32>, vector<16xi32>], vector<16xf32>,
        %add3A_2428 = arith.addf %gather3A_2423, %gather3A_2427 : vector<16xf32>
        tpu.vector_store_idx %arg15[%add3A_2390, %and3A_2405], %add3A_2428 masked %eq3A_2402 {add = true} : memref<4x2048xf32, #tpu.memory_space<vmem>>[vector<16xi32>, vector<16xi32>], vector<16xf32>, vector<16xi1>
        tpu.vector_store_idx %arg16[%add3A_2390, %and3A_2405], %gather3A_2419 masked %eq3A_2402 {add = true} : memref<4x2048xf32, #tpu.memory_space<vmem>>[vector<16xi32>, vector<16xi32>], vector<16xf32>, vector<16xi1>
        tpu.vector_store_idx %arg17[%add3A_2390, %and3A_2405], %gather3A_2427 masked %eq3A_2402 {add = true} : memref<4x2048xf32, #tpu.memory_space<vmem>>[vector<16xi32>, vector<16xi32>], vector<16xf32>, vector<16xi1>
        %add3A_2429 = arith.constant 0 : i32
        %add3A_2430 = vector.broadcast %add3A_2429 : i32 to vector<16xi32>
        %add3A_2431 = arith.addi %iota3A, %add3A_2430 : vector<16xi32>
        %jit3A_2432 = arith.constant 2048 : i32
        %broadcast_in_dim3A_2433 = vector.broadcast %jit3A_2432 : i32 to vector<16xi32>
        %select_n3A_2434 = arith.select %eq3A_2402, %and3A_2405, %broadcast_in_dim3A_2433 : vector<16xi1>, vector<16xi32>
        tpu.vector_store_idx %arg13[%add3A_2390, %add3A_2431], %select_n3A_2434 : memref<4x32xi32, #tpu.memory_space<vmem>>[vector<16xi32>, vector<16xi32>], vector<16xi32>,
        %add3A_2435 = arith.constant 16 : i32
        %add3A_2436 = vector.broadcast %add3A_2435 : i32 to vector<16xi32>
        %add3A_2437 = arith.addi %iota3A, %add3A_2436 : vector<16xi32>
        %gather3A_2438 = tpu.vector_load_idx %arg11[%add3A_2390, %add3A_2437] : memref<4x32xi32, #tpu.memory_space<vmem>>[vector<16xi32>, vector<16xi32>], vector<16xi32>,
        %shift_right_arithmetic3A_2439 = arith.constant 11 : i32
        %shift_right_arithmetic3A_2440 = vector.broadcast %shift_right_arithmetic3A_2439 : i32 to vector<16xi32>
        %shift_right_arithmetic3A_2441 = arith.shrsi %gather3A_2438, %shift_right_arithmetic3A_2440 : vector<16xi32>
        %eq3A_2442 = vector.broadcast %select_n3A : i32 to vector<16xi32>
        %eq3A_2443 = arith.cmpi eq, %shift_right_arithmetic3A_2441, %eq3A_2442 : vector<16xi32>
        %and3A_2444 = arith.constant 2047 : i32
        %and3A_2445 = vector.broadcast %and3A_2444 : i32 to vector<16xi32>
        %and3A_2446 = arith.andi %gather3A_2438, %and3A_2445 : vector<16xi32>
        %and3A_2447 = arith.constant 127 : i32
        %and3A_2448 = vector.broadcast %and3A_2447 : i32 to vector<16xi32>
        %and3A_2449 = arith.andi %gather3A_2438, %and3A_2448 : vector<16xi32>
        %mul3A_2450 = arith.constant 16 : i32
        %mul3A_2451 = vector.broadcast %mul3A_2450 : i32 to vector<16xi32>
        %mul3A_2452 = arith.muli %gather3A, %mul3A_2451 : vector<16xi32>
        %shift_right_arithmetic3A_2453 = arith.constant 7 : i32
        %shift_right_arithmetic3A_2454 = vector.broadcast %shift_right_arithmetic3A_2453 : i32 to vector<16xi32>
        %shift_right_arithmetic3A_2455 = arith.shrsi %and3A_2446, %shift_right_arithmetic3A_2454 : vector<16xi32>
        %add3A_2456 = arith.addi %mul3A_2452, %shift_right_arithmetic3A_2455 : vector<16xi32>
        %mul3A_2457 = arith.constant 3 : i32
        %mul3A_2458 = vector.broadcast %mul3A_2457 : i32 to vector<16xi32>
        %mul3A_2459 = arith.muli %add3A_2456, %mul3A_2458 : vector<16xi32>
        %gather3A_2460 = tpu.vector_load_idx %arg10[%mul3A_2459, %and3A_2449] : memref<384x128xf32, #tpu.memory_space<vmem>>[vector<16xi32>, vector<16xi32>], vector<16xf32>,
        %add3A_2461 = arith.constant 1 : i32
        %add3A_2462 = vector.broadcast %add3A_2461 : i32 to vector<16xi32>
        %add3A_2463 = arith.addi %mul3A_2459, %add3A_2462 : vector<16xi32>
        %gather3A_2464 = tpu.vector_load_idx %arg10[%add3A_2463, %and3A_2449] : memref<384x128xf32, #tpu.memory_space<vmem>>[vector<16xi32>, vector<16xi32>], vector<16xf32>,
        %add3A_2465 = arith.constant 2 : i32
        %add3A_2466 = vector.broadcast %add3A_2465 : i32 to vector<16xi32>
        %add3A_2467 = arith.addi %mul3A_2459, %add3A_2466 : vector<16xi32>
        %gather3A_2468 = tpu.vector_load_idx %arg10[%add3A_2467, %and3A_2449] : memref<384x128xf32, #tpu.memory_space<vmem>>[vector<16xi32>, vector<16xi32>], vector<16xf32>,
        %add3A_2469 = arith.addf %gather3A_2464, %gather3A_2468 : vector<16xf32>
        tpu.vector_store_idx %arg15[%add3A_2390, %and3A_2446], %add3A_2469 masked %eq3A_2443 {add = true} : memref<4x2048xf32, #tpu.memory_space<vmem>>[vector<16xi32>, vector<16xi32>], vector<16xf32>, vector<16xi1>
        tpu.vector_store_idx %arg16[%add3A_2390, %and3A_2446], %gather3A_2460 masked %eq3A_2443 {add = true} : memref<4x2048xf32, #tpu.memory_space<vmem>>[vector<16xi32>, vector<16xi32>], vector<16xf32>, vector<16xi1>
        tpu.vector_store_idx %arg17[%add3A_2390, %and3A_2446], %gather3A_2468 masked %eq3A_2443 {add = true} : memref<4x2048xf32, #tpu.memory_space<vmem>>[vector<16xi32>, vector<16xi32>], vector<16xf32>, vector<16xi1>
        %add3A_2470 = arith.constant 16 : i32
        %add3A_2471 = vector.broadcast %add3A_2470 : i32 to vector<16xi32>
        %add3A_2472 = arith.addi %iota3A, %add3A_2471 : vector<16xi32>
        %jit3A_2473 = arith.constant 2048 : i32
        %broadcast_in_dim3A_2474 = vector.broadcast %jit3A_2473 : i32 to vector<16xi32>
        %select_n3A_2475 = arith.select %eq3A_2443, %and3A_2446, %broadcast_in_dim3A_2474 : vector<16xi1>, vector<16xi32>
        tpu.vector_store_idx %arg13[%add3A_2390, %add3A_2472], %select_n3A_2475 : memref<4x32xi32, #tpu.memory_space<vmem>>[vector<16xi32>, vector<16xi32>], vector<16xi32>,
        %scan3A_2476 = arith.constant 0 : i32
        scf.yield %scan3A_2476 : i32
      }
      %scan3A_2336 = arith.constant 4 : i32
      %dma_start3A_2337 = tpu.memref_slice %arg5[%mul3A_2312, %mul3A_32] : memref<1024x16384xf32, #tpu.memory_space<hbm>> -> memref<4x2048xf32, #tpu.memory_space<hbm>>
      %dma_start3A_2338 = tpu.memref_slice %arg5[%mul3A_2312, %mul3A_32] : memref<1024x16384xf32, #tpu.memory_space<hbm>> -> memref<4x2048xf32, #tpu.memory_space<hbm>>
      tpu.enqueue_dma source(%arg15 : memref<4x2048xf32, #tpu.memory_space<vmem>>) target(%dma_start3A_2338 : memref<4x2048xf32, #tpu.memory_space<hbm>>) target_semaphore(%arg24 : memref<!tpu.dma_semaphore, #tpu.memory_space<semaphore_mem>>)
      %dma_start3A_2339 = tpu.memref_slice %arg6[%mul3A_2312, %mul3A_32] : memref<1024x16384xf32, #tpu.memory_space<hbm>> -> memref<4x2048xf32, #tpu.memory_space<hbm>>
      %dma_start3A_2340 = tpu.memref_slice %arg6[%mul3A_2312, %mul3A_32] : memref<1024x16384xf32, #tpu.memory_space<hbm>> -> memref<4x2048xf32, #tpu.memory_space<hbm>>
      tpu.enqueue_dma source(%arg16 : memref<4x2048xf32, #tpu.memory_space<vmem>>) target(%dma_start3A_2340 : memref<4x2048xf32, #tpu.memory_space<hbm>>) target_semaphore(%arg24 : memref<!tpu.dma_semaphore, #tpu.memory_space<semaphore_mem>>)
      %dma_start3A_2341 = tpu.memref_slice %arg7[%mul3A_2312, %mul3A_32] : memref<1024x16384xf32, #tpu.memory_space<hbm>> -> memref<4x2048xf32, #tpu.memory_space<hbm>>
      %dma_start3A_2342 = tpu.memref_slice %arg7[%mul3A_2312, %mul3A_32] : memref<1024x16384xf32, #tpu.memory_space<hbm>> -> memref<4x2048xf32, #tpu.memory_space<hbm>>
      tpu.enqueue_dma source(%arg17 : memref<4x2048xf32, #tpu.memory_space<vmem>>) target(%dma_start3A_2342 : memref<4x2048xf32, #tpu.memory_space<hbm>>) target_semaphore(%arg24 : memref<!tpu.dma_semaphore, #tpu.memory_space<semaphore_mem>>)
      %mul3A_2343 = arith.constant 2 : i32
      %mul3A_2344 = arith.muli %scan3A_2302, %mul3A_2343 : i32
      %add3A_2345 = arith.constant 1 : i32
      %add3A_2346 = arith.addi %mul3A_2344, %add3A_2345 : i32
      %mul3A_2347 = arith.constant 4 : i32
      %mul3A_2348 = arith.muli %mul3A_2347, %add3A_2346 : i32
      %add3A_2349 = arith.addi %mul3A_2348, %select_n3A_30 : i32
      %mul3A_2350 = arith.constant 4 : i32
      %mul3A_2351 = arith.muli %add3A_2349, %mul3A_2350 : i32
      %dma_wait3A_2352 = arith.constant 0 : i32
      %dma_wait3A_2353 = tpu.memref_slice %arg3[%mul3A_2351, %dma_wait3A_2352] : memref<1024x32xi32, #tpu.memory_space<hbm>> -> memref<4x32xi32, #tpu.memory_space<hbm>>
      %dma_wait3A_2354 = arith.constant 0 : i32
      %dma_wait3A_2355 = tpu.memref_slice %arg3[%mul3A_2351, %dma_wait3A_2354] : memref<1024x32xi32, #tpu.memory_space<hbm>> -> memref<4x32xi32, #tpu.memory_space<hbm>>
      tpu.wait_dma2 semaphore(%arg22 : memref<!tpu.dma_semaphore, #tpu.memory_space<semaphore_mem>>) src(%dma_wait3A_2355 : memref<4x32xi32, #tpu.memory_space<hbm>>) dst(%arg12 : memref<4x32xi32, #tpu.memory_space<vmem>>)
      %add3A_2356 = arith.constant 16 : i32
      %add3A_2357 = arith.addi %mul3A_2351, %add3A_2356 : i32
      %ge3A_2358 = arith.constant 1024 : i32
      %ge3A_2359 = arith.cmpi sge, %add3A_2357, %ge3A_2358 : i32
      %add3A_2360 = arith.constant 16 : i32
      %add3A_2361 = arith.addi %mul3A_2351, %add3A_2360 : i32
      %jit3A_2362 = arith.constant 0 : i32
      %select_n3A_2363 = arith.select %ge3A_2359, %jit3A_2362, %add3A_2361 : i32
      %dma_start3A_2364 = arith.constant 0 : i32
      %dma_start3A_2365 = tpu.memref_slice %arg3[%select_n3A_2363, %dma_start3A_2364] : memref<1024x32xi32, #tpu.memory_space<hbm>> -> memref<4x32xi32, #tpu.memory_space<hbm>>
      %dma_start3A_2366 = arith.constant 0 : i32
      %dma_start3A_2367 = tpu.memref_slice %arg3[%select_n3A_2363, %dma_start3A_2366] : memref<1024x32xi32, #tpu.memory_space<hbm>> -> memref<4x32xi32, #tpu.memory_space<hbm>>
      tpu.enqueue_dma source(%dma_start3A_2367 : memref<4x32xi32, #tpu.memory_space<hbm>>) target(%arg11 : memref<4x32xi32, #tpu.memory_space<vmem>>) target_semaphore(%arg21 : memref<!tpu.dma_semaphore, #tpu.memory_space<semaphore_mem>>)
      %gt3A_2368 = arith.constant 0 : i32
      %gt3A_2369 = arith.cmpi sgt, %scan3A_2302, %gt3A_2368 : i32
      %convert_element_type3A_2370 = arith.extui %gt3A_2369 : i1 to i32
      %cond3A_2371 = arith.constant 0 : i32
      %cond3A_2372 = arith.cmpi ne, %convert_element_type3A_2370, %cond3A_2371 : i32
      scf.if %cond3A_2372 {
        %sub3A_2387 = arith.constant 32 : i32
        %sub3A_2388 = arith.subi %mul3A_2351, %sub3A_2387 : i32
        %dma_wait3A_2389 = tpu.memref_slice %arg5[%sub3A_2388, %mul3A_32] : memref<1024x16384xf32, #tpu.memory_space<hbm>> -> memref<4x2048xf32, #tpu.memory_space<hbm>>
        %dma_wait3A_2390 = tpu.memref_slice %arg5[%sub3A_2388, %mul3A_32] : memref<1024x16384xf32, #tpu.memory_space<hbm>> -> memref<4x2048xf32, #tpu.memory_space<hbm>>
        tpu.wait_dma2 semaphore(%arg25 : memref<!tpu.dma_semaphore, #tpu.memory_space<semaphore_mem>>) src(%arg18 : memref<4x2048xf32, #tpu.memory_space<vmem>>) dst(%dma_wait3A_2390 : memref<4x2048xf32, #tpu.memory_space<hbm>>)
        %sub3A_2391 = arith.constant 32 : i32
        %sub3A_2392 = arith.subi %mul3A_2351, %sub3A_2391 : i32
        %dma_wait3A_2393 = tpu.memref_slice %arg5[%sub3A_2392, %mul3A_32] : memref<1024x16384xf32, #tpu.memory_space<hbm>> -> memref<4x2048xf32, #tpu.memory_space<hbm>>
        %dma_wait3A_2394 = tpu.memref_slice %arg5[%sub3A_2392, %mul3A_32] : memref<1024x16384xf32, #tpu.memory_space<hbm>> -> memref<4x2048xf32, #tpu.memory_space<hbm>>
        tpu.wait_dma2 semaphore(%arg25 : memref<!tpu.dma_semaphore, #tpu.memory_space<semaphore_mem>>) src(%arg19 : memref<4x2048xf32, #tpu.memory_space<vmem>>) dst(%dma_wait3A_2394 : memref<4x2048xf32, #tpu.memory_space<hbm>>)
        %sub3A_2395 = arith.constant 32 : i32
        %sub3A_2396 = arith.subi %mul3A_2351, %sub3A_2395 : i32
        %dma_wait3A_2397 = tpu.memref_slice %arg5[%sub3A_2396, %mul3A_32] : memref<1024x16384xf32, #tpu.memory_space<hbm>> -> memref<4x2048xf32, #tpu.memory_space<hbm>>
        %dma_wait3A_2398 = tpu.memref_slice %arg5[%sub3A_2396, %mul3A_32] : memref<1024x16384xf32, #tpu.memory_space<hbm>> -> memref<4x2048xf32, #tpu.memory_space<hbm>>
        tpu.wait_dma2 semaphore(%arg25 : memref<!tpu.dma_semaphore, #tpu.memory_space<semaphore_mem>>) src(%arg20 : memref<4x2048xf32, #tpu.memory_space<vmem>>) dst(%dma_wait3A_2398 : memref<4x2048xf32, #tpu.memory_space<hbm>>)
        %scan3A_2399 = arith.constant 0 : i32
        %scan3A_2400 = arith.constant 0 : i32
        %scan3A_2401 = arith.constant 4 : i32
        %scan3A_2402 = arith.addi %scan3A_2400, %scan3A_2401 : i32
        %scan3A_2403 = arith.constant 1 : i32
        %scan3A_2404 = scf.for %scan3A_2406 = %scan3A_2400 to %scan3A_2402 step %scan3A_2403 iter_args(%scan3A_2407 = %scan3A_2399) -> (i32)  : i32 {
          %add3A_2408 = vector.broadcast %scan3A_2406 : i32 to vector<16xi32>
          %add3A_2409 = arith.addi %broadcast_in_dim3A_35, %add3A_2408 : vector<16xi32>
          %add3A_2410 = arith.constant 0 : i32
          %add3A_2411 = vector.broadcast %add3A_2410 : i32 to vector<16xi32>
          %add3A_2412 = arith.addi %iota3A, %add3A_2411 : vector<16xi32>
          %gather3A = tpu.vector_load_idx %arg14[%add3A_2409, %add3A_2412] : memref<4x32xi32, #tpu.memory_space<vmem>>[vector<16xi32>, vector<16xi32>], vector<16xi32>,
          %lt3A_2413 = arith.constant 2048 : i32
          %lt3A_2414 = vector.broadcast %lt3A_2413 : i32 to vector<16xi32>
          %lt3A_2415 = arith.cmpi slt, %gather3A, %lt3A_2414 : vector<16xi32>
          %min3A = arith.constant 2047 : i32
          %min3A_2416 = vector.broadcast %min3A : i32 to vector<16xi32>
          %min3A_2417 = arith.minsi %gather3A, %min3A_2416 : vector<16xi32>
          tpu.vector_store_idx %arg18[%add3A_2409, %min3A_2417], %broadcast_in_dim3A_33 masked %lt3A_2415 : memref<4x2048xf32, #tpu.memory_space<vmem>>[vector<16xi32>, vector<16xi32>], vector<16xf32>, vector<16xi1>
          tpu.vector_store_idx %arg19[%add3A_2409, %min3A_2417], %broadcast_in_dim3A_33 masked %lt3A_2415 : memref<4x2048xf32, #tpu.memory_space<vmem>>[vector<16xi32>, vector<16xi32>], vector<16xf32>, vector<16xi1>
          tpu.vector_store_idx %arg20[%add3A_2409, %min3A_2417], %broadcast_in_dim3A_33 masked %lt3A_2415 : memref<4x2048xf32, #tpu.memory_space<vmem>>[vector<16xi32>, vector<16xi32>], vector<16xf32>, vector<16xi1>
          %add3A_2418 = arith.constant 16 : i32
          %add3A_2419 = vector.broadcast %add3A_2418 : i32 to vector<16xi32>
          %add3A_2420 = arith.addi %iota3A, %add3A_2419 : vector<16xi32>
          %gather3A_2421 = tpu.vector_load_idx %arg14[%add3A_2409, %add3A_2420] : memref<4x32xi32, #tpu.memory_space<vmem>>[vector<16xi32>, vector<16xi32>], vector<16xi32>,
          %lt3A_2422 = arith.constant 2048 : i32
          %lt3A_2423 = vector.broadcast %lt3A_2422 : i32 to vector<16xi32>
          %lt3A_2424 = arith.cmpi slt, %gather3A_2421, %lt3A_2423 : vector<16xi32>
          %min3A_2425 = arith.constant 2047 : i32
          %min3A_2426 = vector.broadcast %min3A_2425 : i32 to vector<16xi32>
          %min3A_2427 = arith.minsi %gather3A_2421, %min3A_2426 : vector<16xi32>
          tpu.vector_store_idx %arg18[%add3A_2409, %min3A_2427], %broadcast_in_dim3A_33 masked %lt3A_2424 : memref<4x2048xf32, #tpu.memory_space<vmem>>[vector<16xi32>, vector<16xi32>], vector<16xf32>, vector<16xi1>
          tpu.vector_store_idx %arg19[%add3A_2409, %min3A_2427], %broadcast_in_dim3A_33 masked %lt3A_2424 : memref<4x2048xf32, #tpu.memory_space<vmem>>[vector<16xi32>, vector<16xi32>], vector<16xf32>, vector<16xi1>
          tpu.vector_store_idx %arg20[%add3A_2409, %min3A_2427], %broadcast_in_dim3A_33 masked %lt3A_2424 : memref<4x2048xf32, #tpu.memory_space<vmem>>[vector<16xi32>, vector<16xi32>], vector<16xf32>, vector<16xi1>
          %scan3A_2428 = arith.constant 0 : i32
          scf.yield %scan3A_2428 : i32
        }
        %scan3A_2405 = arith.constant 4 : i32
      } else {
      }
      %scan3A_2373 = arith.constant 0 : i32
      %scan3A_2374 = arith.constant 0 : i32
      %scan3A_2375 = arith.constant 4 : i32
      %scan3A_2376 = arith.addi %scan3A_2374, %scan3A_2375 : i32
      %scan3A_2377 = arith.constant 1 : i32
      %scan3A_2378 = scf.for %scan3A_2387 = %scan3A_2374 to %scan3A_2376 step %scan3A_2377 iter_args(%scan3A_2388 = %scan3A_2373) -> (i32)  : i32 {
        %add3A_2389 = vector.broadcast %scan3A_2387 : i32 to vector<16xi32>
        %add3A_2390 = arith.addi %broadcast_in_dim3A_35, %add3A_2389 : vector<16xi32>
        %add3A_2391 = vector.broadcast %mul3A_2351 : i32 to vector<16xi32>
        %add3A_2392 = arith.addi %broadcast_in_dim3A_35, %add3A_2391 : vector<16xi32>
        %add3A_2393 = vector.broadcast %scan3A_2387 : i32 to vector<16xi32>
        %add3A_2394 = arith.addi %add3A_2392, %add3A_2393 : vector<16xi32>
        %gather3A = tpu.vector_load_idx %arg8[%add3A_2394] : memref<1024xi32, #tpu.memory_space<vmem>>[vector<16xi32>], vector<16xi32>,
        %add3A_2395 = arith.constant 0 : i32
        %add3A_2396 = vector.broadcast %add3A_2395 : i32 to vector<16xi32>
        %add3A_2397 = arith.addi %iota3A, %add3A_2396 : vector<16xi32>
        %gather3A_2398 = tpu.vector_load_idx %arg12[%add3A_2390, %add3A_2397] : memref<4x32xi32, #tpu.memory_space<vmem>>[vector<16xi32>, vector<16xi32>], vector<16xi32>,
        %shift_right_arithmetic3A = arith.constant 11 : i32
        %shift_right_arithmetic3A_2399 = vector.broadcast %shift_right_arithmetic3A : i32 to vector<16xi32>
        %shift_right_arithmetic3A_2400 = arith.shrsi %gather3A_2398, %shift_right_arithmetic3A_2399 : vector<16xi32>
        %eq3A_2401 = vector.broadcast %select_n3A : i32 to vector<16xi32>
        %eq3A_2402 = arith.cmpi eq, %shift_right_arithmetic3A_2400, %eq3A_2401 : vector<16xi32>
        %and3A_2403 = arith.constant 2047 : i32
        %and3A_2404 = vector.broadcast %and3A_2403 : i32 to vector<16xi32>
        %and3A_2405 = arith.andi %gather3A_2398, %and3A_2404 : vector<16xi32>
        %and3A_2406 = arith.constant 127 : i32
        %and3A_2407 = vector.broadcast %and3A_2406 : i32 to vector<16xi32>
        %and3A_2408 = arith.andi %gather3A_2398, %and3A_2407 : vector<16xi32>
        %mul3A_2409 = arith.constant 16 : i32
        %mul3A_2410 = vector.broadcast %mul3A_2409 : i32 to vector<16xi32>
        %mul3A_2411 = arith.muli %gather3A, %mul3A_2410 : vector<16xi32>
        %shift_right_arithmetic3A_2412 = arith.constant 7 : i32
        %shift_right_arithmetic3A_2413 = vector.broadcast %shift_right_arithmetic3A_2412 : i32 to vector<16xi32>
        %shift_right_arithmetic3A_2414 = arith.shrsi %and3A_2405, %shift_right_arithmetic3A_2413 : vector<16xi32>
        %add3A_2415 = arith.addi %mul3A_2411, %shift_right_arithmetic3A_2414 : vector<16xi32>
        %mul3A_2416 = arith.constant 3 : i32
        %mul3A_2417 = vector.broadcast %mul3A_2416 : i32 to vector<16xi32>
        %mul3A_2418 = arith.muli %add3A_2415, %mul3A_2417 : vector<16xi32>
        %gather3A_2419 = tpu.vector_load_idx %arg10[%mul3A_2418, %and3A_2408] : memref<384x128xf32, #tpu.memory_space<vmem>>[vector<16xi32>, vector<16xi32>], vector<16xf32>,
        %add3A_2420 = arith.constant 1 : i32
        %add3A_2421 = vector.broadcast %add3A_2420 : i32 to vector<16xi32>
        %add3A_2422 = arith.addi %mul3A_2418, %add3A_2421 : vector<16xi32>
        %gather3A_2423 = tpu.vector_load_idx %arg10[%add3A_2422, %and3A_2408] : memref<384x128xf32, #tpu.memory_space<vmem>>[vector<16xi32>, vector<16xi32>], vector<16xf32>,
        %add3A_2424 = arith.constant 2 : i32
        %add3A_2425 = vector.broadcast %add3A_2424 : i32 to vector<16xi32>
        %add3A_2426 = arith.addi %mul3A_2418, %add3A_2425 : vector<16xi32>
        %gather3A_2427 = tpu.vector_load_idx %arg10[%add3A_2426, %and3A_2408] : memref<384x128xf32, #tpu.memory_space<vmem>>[vector<16xi32>, vector<16xi32>], vector<16xf32>,
        %add3A_2428 = arith.addf %gather3A_2423, %gather3A_2427 : vector<16xf32>
        tpu.vector_store_idx %arg18[%add3A_2390, %and3A_2405], %add3A_2428 masked %eq3A_2402 {add = true} : memref<4x2048xf32, #tpu.memory_space<vmem>>[vector<16xi32>, vector<16xi32>], vector<16xf32>, vector<16xi1>
        tpu.vector_store_idx %arg19[%add3A_2390, %and3A_2405], %gather3A_2419 masked %eq3A_2402 {add = true} : memref<4x2048xf32, #tpu.memory_space<vmem>>[vector<16xi32>, vector<16xi32>], vector<16xf32>, vector<16xi1>
        tpu.vector_store_idx %arg20[%add3A_2390, %and3A_2405], %gather3A_2427 masked %eq3A_2402 {add = true} : memref<4x2048xf32, #tpu.memory_space<vmem>>[vector<16xi32>, vector<16xi32>], vector<16xf32>, vector<16xi1>
        %add3A_2429 = arith.constant 0 : i32
        %add3A_2430 = vector.broadcast %add3A_2429 : i32 to vector<16xi32>
        %add3A_2431 = arith.addi %iota3A, %add3A_2430 : vector<16xi32>
        %jit3A_2432 = arith.constant 2048 : i32
        %broadcast_in_dim3A_2433 = vector.broadcast %jit3A_2432 : i32 to vector<16xi32>
        %select_n3A_2434 = arith.select %eq3A_2402, %and3A_2405, %broadcast_in_dim3A_2433 : vector<16xi1>, vector<16xi32>
        tpu.vector_store_idx %arg14[%add3A_2390, %add3A_2431], %select_n3A_2434 : memref<4x32xi32, #tpu.memory_space<vmem>>[vector<16xi32>, vector<16xi32>], vector<16xi32>,
        %add3A_2435 = arith.constant 16 : i32
        %add3A_2436 = vector.broadcast %add3A_2435 : i32 to vector<16xi32>
        %add3A_2437 = arith.addi %iota3A, %add3A_2436 : vector<16xi32>
        %gather3A_2438 = tpu.vector_load_idx %arg12[%add3A_2390, %add3A_2437] : memref<4x32xi32, #tpu.memory_space<vmem>>[vector<16xi32>, vector<16xi32>], vector<16xi32>,
        %shift_right_arithmetic3A_2439 = arith.constant 11 : i32
        %shift_right_arithmetic3A_2440 = vector.broadcast %shift_right_arithmetic3A_2439 : i32 to vector<16xi32>
        %shift_right_arithmetic3A_2441 = arith.shrsi %gather3A_2438, %shift_right_arithmetic3A_2440 : vector<16xi32>
        %eq3A_2442 = vector.broadcast %select_n3A : i32 to vector<16xi32>
        %eq3A_2443 = arith.cmpi eq, %shift_right_arithmetic3A_2441, %eq3A_2442 : vector<16xi32>
        %and3A_2444 = arith.constant 2047 : i32
        %and3A_2445 = vector.broadcast %and3A_2444 : i32 to vector<16xi32>
        %and3A_2446 = arith.andi %gather3A_2438, %and3A_2445 : vector<16xi32>
        %and3A_2447 = arith.constant 127 : i32
        %and3A_2448 = vector.broadcast %and3A_2447 : i32 to vector<16xi32>
        %and3A_2449 = arith.andi %gather3A_2438, %and3A_2448 : vector<16xi32>
        %mul3A_2450 = arith.constant 16 : i32
        %mul3A_2451 = vector.broadcast %mul3A_2450 : i32 to vector<16xi32>
        %mul3A_2452 = arith.muli %gather3A, %mul3A_2451 : vector<16xi32>
        %shift_right_arithmetic3A_2453 = arith.constant 7 : i32
        %shift_right_arithmetic3A_2454 = vector.broadcast %shift_right_arithmetic3A_2453 : i32 to vector<16xi32>
        %shift_right_arithmetic3A_2455 = arith.shrsi %and3A_2446, %shift_right_arithmetic3A_2454 : vector<16xi32>
        %add3A_2456 = arith.addi %mul3A_2452, %shift_right_arithmetic3A_2455 : vector<16xi32>
        %mul3A_2457 = arith.constant 3 : i32
        %mul3A_2458 = vector.broadcast %mul3A_2457 : i32 to vector<16xi32>
        %mul3A_2459 = arith.muli %add3A_2456, %mul3A_2458 : vector<16xi32>
        %gather3A_2460 = tpu.vector_load_idx %arg10[%mul3A_2459, %and3A_2449] : memref<384x128xf32, #tpu.memory_space<vmem>>[vector<16xi32>, vector<16xi32>], vector<16xf32>,
        %add3A_2461 = arith.constant 1 : i32
        %add3A_2462 = vector.broadcast %add3A_2461 : i32 to vector<16xi32>
        %add3A_2463 = arith.addi %mul3A_2459, %add3A_2462 : vector<16xi32>
        %gather3A_2464 = tpu.vector_load_idx %arg10[%add3A_2463, %and3A_2449] : memref<384x128xf32, #tpu.memory_space<vmem>>[vector<16xi32>, vector<16xi32>], vector<16xf32>,
        %add3A_2465 = arith.constant 2 : i32
        %add3A_2466 = vector.broadcast %add3A_2465 : i32 to vector<16xi32>
        %add3A_2467 = arith.addi %mul3A_2459, %add3A_2466 : vector<16xi32>
        %gather3A_2468 = tpu.vector_load_idx %arg10[%add3A_2467, %and3A_2449] : memref<384x128xf32, #tpu.memory_space<vmem>>[vector<16xi32>, vector<16xi32>], vector<16xf32>,
        %add3A_2469 = arith.addf %gather3A_2464, %gather3A_2468 : vector<16xf32>
        tpu.vector_store_idx %arg18[%add3A_2390, %and3A_2446], %add3A_2469 masked %eq3A_2443 {add = true} : memref<4x2048xf32, #tpu.memory_space<vmem>>[vector<16xi32>, vector<16xi32>], vector<16xf32>, vector<16xi1>
        tpu.vector_store_idx %arg19[%add3A_2390, %and3A_2446], %gather3A_2460 masked %eq3A_2443 {add = true} : memref<4x2048xf32, #tpu.memory_space<vmem>>[vector<16xi32>, vector<16xi32>], vector<16xf32>, vector<16xi1>
        tpu.vector_store_idx %arg20[%add3A_2390, %and3A_2446], %gather3A_2468 masked %eq3A_2443 {add = true} : memref<4x2048xf32, #tpu.memory_space<vmem>>[vector<16xi32>, vector<16xi32>], vector<16xf32>, vector<16xi1>
        %add3A_2470 = arith.constant 16 : i32
        %add3A_2471 = vector.broadcast %add3A_2470 : i32 to vector<16xi32>
        %add3A_2472 = arith.addi %iota3A, %add3A_2471 : vector<16xi32>
        %jit3A_2473 = arith.constant 2048 : i32
        %broadcast_in_dim3A_2474 = vector.broadcast %jit3A_2473 : i32 to vector<16xi32>
        %select_n3A_2475 = arith.select %eq3A_2443, %and3A_2446, %broadcast_in_dim3A_2474 : vector<16xi1>, vector<16xi32>
        tpu.vector_store_idx %arg14[%add3A_2390, %add3A_2472], %select_n3A_2475 : memref<4x32xi32, #tpu.memory_space<vmem>>[vector<16xi32>, vector<16xi32>], vector<16xi32>,
        %scan3A_2476 = arith.constant 0 : i32
        scf.yield %scan3A_2476 : i32
      }
      %scan3A_2379 = arith.constant 4 : i32
      %dma_start3A_2380 = tpu.memref_slice %arg5[%mul3A_2351, %mul3A_32] : memref<1024x16384xf32, #tpu.memory_space<hbm>> -> memref<4x2048xf32, #tpu.memory_space<hbm>>
      %dma_start3A_2381 = tpu.memref_slice %arg5[%mul3A_2351, %mul3A_32] : memref<1024x16384xf32, #tpu.memory_space<hbm>> -> memref<4x2048xf32, #tpu.memory_space<hbm>>
      tpu.enqueue_dma source(%arg18 : memref<4x2048xf32, #tpu.memory_space<vmem>>) target(%dma_start3A_2381 : memref<4x2048xf32, #tpu.memory_space<hbm>>) target_semaphore(%arg25 : memref<!tpu.dma_semaphore, #tpu.memory_space<semaphore_mem>>)
      %dma_start3A_2382 = tpu.memref_slice %arg6[%mul3A_2351, %mul3A_32] : memref<1024x16384xf32, #tpu.memory_space<hbm>> -> memref<4x2048xf32, #tpu.memory_space<hbm>>
      %dma_start3A_2383 = tpu.memref_slice %arg6[%mul3A_2351, %mul3A_32] : memref<1024x16384xf32, #tpu.memory_space<hbm>> -> memref<4x2048xf32, #tpu.memory_space<hbm>>
      tpu.enqueue_dma source(%arg19 : memref<4x2048xf32, #tpu.memory_space<vmem>>) target(%dma_start3A_2383 : memref<4x2048xf32, #tpu.memory_space<hbm>>) target_semaphore(%arg25 : memref<!tpu.dma_semaphore, #tpu.memory_space<semaphore_mem>>)
      %dma_start3A_2384 = tpu.memref_slice %arg7[%mul3A_2351, %mul3A_32] : memref<1024x16384xf32, #tpu.memory_space<hbm>> -> memref<4x2048xf32, #tpu.memory_space<hbm>>
      %dma_start3A_2385 = tpu.memref_slice %arg7[%mul3A_2351, %mul3A_32] : memref<1024x16384xf32, #tpu.memory_space<hbm>> -> memref<4x2048xf32, #tpu.memory_space<hbm>>
      tpu.enqueue_dma source(%arg20 : memref<4x2048xf32, #tpu.memory_space<vmem>>) target(%dma_start3A_2385 : memref<4x2048xf32, #tpu.memory_space<hbm>>) target_semaphore(%arg25 : memref<!tpu.dma_semaphore, #tpu.memory_space<semaphore_mem>>)
      %scan3A_2386 = arith.constant 0 : i32
      scf.yield %scan3A_2386 : i32
    }
    %scan3A_2275 = arith.constant 32 : i32
    %add3A_2276 = arith.constant 248 : i32
    %add3A_2277 = arith.addi %add3A_2276, %select_n3A_30 : i32
    %mul3A_2278 = arith.constant 4 : i32
    %mul3A_2279 = arith.muli %add3A_2277, %mul3A_2278 : i32
    %dma_wait3A_2280 = tpu.memref_slice %arg5[%mul3A_2279, %mul3A_32] : memref<1024x16384xf32, #tpu.memory_space<hbm>> -> memref<4x2048xf32, #tpu.memory_space<hbm>>
    %dma_wait3A_2281 = tpu.memref_slice %arg5[%mul3A_2279, %mul3A_32] : memref<1024x16384xf32, #tpu.memory_space<hbm>> -> memref<4x2048xf32, #tpu.memory_space<hbm>>
    tpu.wait_dma2 semaphore(%arg24 : memref<!tpu.dma_semaphore, #tpu.memory_space<semaphore_mem>>) src(%arg15 : memref<4x2048xf32, #tpu.memory_space<vmem>>) dst(%dma_wait3A_2281 : memref<4x2048xf32, #tpu.memory_space<hbm>>)
    %dma_wait3A_2282 = tpu.memref_slice %arg6[%mul3A_2279, %mul3A_32] : memref<1024x16384xf32, #tpu.memory_space<hbm>> -> memref<4x2048xf32, #tpu.memory_space<hbm>>
    %dma_wait3A_2283 = tpu.memref_slice %arg6[%mul3A_2279, %mul3A_32] : memref<1024x16384xf32, #tpu.memory_space<hbm>> -> memref<4x2048xf32, #tpu.memory_space<hbm>>
    tpu.wait_dma2 semaphore(%arg24 : memref<!tpu.dma_semaphore, #tpu.memory_space<semaphore_mem>>) src(%arg16 : memref<4x2048xf32, #tpu.memory_space<vmem>>) dst(%dma_wait3A_2283 : memref<4x2048xf32, #tpu.memory_space<hbm>>)
    %dma_wait3A_2284 = tpu.memref_slice %arg7[%mul3A_2279, %mul3A_32] : memref<1024x16384xf32, #tpu.memory_space<hbm>> -> memref<4x2048xf32, #tpu.memory_space<hbm>>
    %dma_wait3A_2285 = tpu.memref_slice %arg7[%mul3A_2279, %mul3A_32] : memref<1024x16384xf32, #tpu.memory_space<hbm>> -> memref<4x2048xf32, #tpu.memory_space<hbm>>
    tpu.wait_dma2 semaphore(%arg24 : memref<!tpu.dma_semaphore, #tpu.memory_space<semaphore_mem>>) src(%arg17 : memref<4x2048xf32, #tpu.memory_space<vmem>>) dst(%dma_wait3A_2285 : memref<4x2048xf32, #tpu.memory_space<hbm>>)
    %add3A_2286 = arith.constant 252 : i32
    %add3A_2287 = arith.addi %add3A_2286, %select_n3A_30 : i32
    %mul3A_2288 = arith.constant 4 : i32
    %mul3A_2289 = arith.muli %add3A_2287, %mul3A_2288 : i32
    %dma_wait3A_2290 = tpu.memref_slice %arg5[%mul3A_2289, %mul3A_32] : memref<1024x16384xf32, #tpu.memory_space<hbm>> -> memref<4x2048xf32, #tpu.memory_space<hbm>>
    %dma_wait3A_2291 = tpu.memref_slice %arg5[%mul3A_2289, %mul3A_32] : memref<1024x16384xf32, #tpu.memory_space<hbm>> -> memref<4x2048xf32, #tpu.memory_space<hbm>>
    tpu.wait_dma2 semaphore(%arg25 : memref<!tpu.dma_semaphore, #tpu.memory_space<semaphore_mem>>) src(%arg18 : memref<4x2048xf32, #tpu.memory_space<vmem>>) dst(%dma_wait3A_2291 : memref<4x2048xf32, #tpu.memory_space<hbm>>)
    %dma_wait3A_2292 = tpu.memref_slice %arg6[%mul3A_2289, %mul3A_32] : memref<1024x16384xf32, #tpu.memory_space<hbm>> -> memref<4x2048xf32, #tpu.memory_space<hbm>>
    %dma_wait3A_2293 = tpu.memref_slice %arg6[%mul3A_2289, %mul3A_32] : memref<1024x16384xf32, #tpu.memory_space<hbm>> -> memref<4x2048xf32, #tpu.memory_space<hbm>>
    tpu.wait_dma2 semaphore(%arg25 : memref<!tpu.dma_semaphore, #tpu.memory_space<semaphore_mem>>) src(%arg19 : memref<4x2048xf32, #tpu.memory_space<vmem>>) dst(%dma_wait3A_2293 : memref<4x2048xf32, #tpu.memory_space<hbm>>)
    %dma_wait3A_2294 = tpu.memref_slice %arg7[%mul3A_2289, %mul3A_32] : memref<1024x16384xf32, #tpu.memory_space<hbm>> -> memref<4x2048xf32, #tpu.memory_space<hbm>>
    %dma_wait3A_2295 = tpu.memref_slice %arg7[%mul3A_2289, %mul3A_32] : memref<1024x16384xf32, #tpu.memory_space<hbm>> -> memref<4x2048xf32, #tpu.memory_space<hbm>>
    tpu.wait_dma2 semaphore(%arg25 : memref<!tpu.dma_semaphore, #tpu.memory_space<semaphore_mem>>) src(%arg20 : memref<4x2048xf32, #tpu.memory_space<vmem>>) dst(%dma_wait3A_2295 : memref<4x2048xf32, #tpu.memory_space<hbm>>)
    %dma_wait3A_2296 = arith.constant 0 : i32
    %dma_wait3A_2297 = arith.constant 0 : i32
    %dma_wait3A_2298 = tpu.memref_slice %arg3[%dma_wait3A_2296, %dma_wait3A_2297] : memref<1024x32xi32, #tpu.memory_space<hbm>> -> memref<4x32xi32, #tpu.memory_space<hbm>>
    %dma_wait3A_2299 = arith.constant 0 : i32
    %dma_wait3A_2300 = arith.constant 0 : i32
    %dma_wait3A_2301 = tpu.memref_slice %arg3[%dma_wait3A_2299, %dma_wait3A_2300] : memref<1024x32xi32, #tpu.memory_space<hbm>> -> memref<4x32xi32, #tpu.memory_space<hbm>>
    tpu.wait_dma2 semaphore(%arg21 : memref<!tpu.dma_semaphore, #tpu.memory_space<semaphore_mem>>) src(%dma_wait3A_2301 : memref<4x32xi32, #tpu.memory_space<hbm>>) dst(%arg11 : memref<4x32xi32, #tpu.memory_space<vmem>>)
    return
  }
}

</mosaic_0001>

<sc_bundles>
// kernel: kernel.3.cloned.1.call-start
scs
__scs_entry_jumppad:
0x0: {  	(pc) =	sbr.rel $0x88, $3  }
0x1: {  	(tag) =	ssettag $0x0;
	lr =	simm.s32 $0x1  }
0x2: {  	[smem:$0x3F9E] =	sst lr;
	_ =	strace $0xD0000000  }
0x3: {  	_ = 	snop  }
0x4: {  	_ = 	snop  }
0x5: {  	_ = 	snop  }
0x6: {  	_ = 	snop  }
0x7: {  	_ = 	snop  }
__scs_overlays_trampoline_lowered:
0x8: {  	[smem:$0x3FAD] =	sst s0  }
0x9: {  	[smem:$0x3FAE] =	sst s1  }
0xa: {  	[smem:$0x3FAF] =	sst s2  }
0xb: {  	[smem:$0x3FB0] =	sst s3  }
0xc: {  	[smem:$0x3FB1] =	sst s4  }
0xd: {  	[smem:$0x3FB2] =	sst s5  }
0xe: {  	[smem:$0x3FB3] =	sst s6  }
0xf: {  	[smem:$0x3FB4] =	sst s7  }
0x10: {  	[smem:$0x3FB5] =	sst s8  }
0x11: {  	[smem:$0x3FB6] =	sst s9;
	s0 =	simm.s32 @!p0 $0x0  }
0x12: {  	s1 =	sld [smem:$0x3F9C];
	s0 =	simm.s32 @p0 $0x1  }
0x13: {  	[smem:$0x3FB7] =	sst s0;
	s0 =	simm.s32 @!p1 $0x0  }
0x14: {  	s2 =	sld [smem:$0x3F9B];
	s0 =	simm.s32 @p1 $0x1  }
0x15: {  	[smem:$0x3FB8] =	sst s0;
	s0 =	simm.s32 @!p2 $0x0  }
0x16: {  	s3 =	sld [smem:$0x3FDB];
	s0 =	simm.s32 @p2 $0x1  }
0x17: {  	s4 =	simm.s32 $0x1BF5;
	[smem:$0x3FBA] =	sst s0  }
0x18: {  	s0 =	sld [smem:$0x3F9D];
	_ =	swait.ge [sflag:s4], $0x0  }
0x19: {  	s7 =	sld [smem:$0x3F9E]  }
0x1a: {  	s8 =	sadd.s32 $0xFFFFE003, lr  }
0x1b: {  	s9 =	sadd.s32 $0xFFFFFEF7, lr;
	s5 =	simm.s32 $0xFFFFFFFF;
	p2 =	slt.u32 s8, $0xFFFFF086  }
0x1c: {  	p1 =	slt.u32 s9, $0xF7A;
	s5 =	simm.s32 @!p2 $0x0  }
0x1d: {  	s5 =	simm.s32 @p1 $0x1;
	p0 =	seq.s32 s7, s2  }
0x1e: {  	s7 =	smul.u32 @!p0 $0xF7A, s2;
	p2 =	seq.s32 @!p0 s5, $0x0  }
0x1f: {  	s9 =	smul.u32 $0xF7A, s1;
	s8 =	simm.s32 @!p0 $0x1BF5;
	p2 =	por !p2, p0  }
0x20: {  	[sflag:s8] =	ssyncset.s32 @!p0 $0xFFFFF086;
	s6 =	sadd.s32 @!p0 s3, s7;
	s7 =	simm.s32 @!p0 $0x108  }
0x21: {  	s3 =	sadd.s32 s3, s9;
	s6 =	sadd.s32 @!p0 $0x88, s6;
	s7 =	simm.s32 @p2 $0x1082  }
0x22: {  	[simem:s7], [sflag:s8] =	dma.local @!p0 [hbm:s6], $0xF7A  }
0x23: {  	s9 =	sor.u32 $0xD0000000, s2;
	s6 =	simm.s32 $0x108;
	_ =	swait.ge @!p0 [sflag:s8], $0x0  }
0x24: {  	s3 =	sadd.s32 $0x88, s3;
	s6 =	simm.s32 @!p1 $0x1082;
	[sflag:s4] =	ssyncset.s32 $0xFFFFF086  }
0x25: {  	[simem:s6], [sflag:s4] =	dma.local [hbm:s3], $0xF7A  }
0x26: {  	[smem:$0x3F9E] =	sst s1;
	(tag) =	ssettag s2;
	_ =	strace s9  }
0x27: {  	s1 =	sld [smem:$0x3FAE]  }
0x28: {  	s2 =	sld [smem:$0x3FAF]  }
0x29: {  	s4 =	sld [smem:$0x3FB1]  }
0x2a: {  	p0 =	seq.s32 s5, $0x0;
	s5 =	sld [smem:$0x3FB2]  }
0x2b: {  	s6 =	sld [smem:$0x3FB3]  }
0x2c: {  	s7 =	sld [smem:$0x3FB4]  }
0x2d: {  	s3 =	simm.s32 $0x108;
	s8 =	sld [smem:$0x3FB5]  }
0x2e: {  	s3 =	simm.s32 @!p0 $0x1082;
	s9 =	sld [smem:$0x3FB6]  }
0x2f: {  	lr =	sadd.s32 s0, s3;
	s0 =	sld [smem:$0x3FAD]  }
0x30: {  	s3 =	sld [smem:$0x3FB0]  }
0x31: {  	[smem:$0x3FB9] =	sst s10  }
0x32: {  	s10 =	sld [smem:$0x3FB7];
	_ =	sdelay $0x3  }
0x33: {  	p0 =	seq.s32 s10, $0x1;
	s10 =	sld [smem:$0x3FB9];
	_ =	sdelay $0x3  }
0x34: {  	[smem:$0x3FB9] =	sst s10  }
0x35: {  	s10 =	sld [smem:$0x3FB8];
	_ =	sdelay $0x3  }
0x36: {  	p1 =	seq.s32 s10, $0x1;
	s10 =	sld [smem:$0x3FB9];
	_ =	sdelay $0x3  }
0x37: {  	[smem:$0x3FB9] =	sst s10  }
0x38: {  	s10 =	sld [smem:$0x3FBA]  }
0x39: {  	_ = 	snop;
	(pc) =	sbr.ind lr, $3  }
0x3a: {  	_ = 	snop  }
0x3b: {  	_ = 	snop  }
0x3c: {  	p2 =	seq.s32 s10, $0x1;
	s10 =	sld [smem:$0x3FB9]  }
0x3d: {  	_ =	shalt  }
0x3e: {  	_ =	shalt  }
0x3f: {  	_ =	shalt  }
0x40: {  	_ =	shalt  }
0x41: {  	_ =	shalt  }
0x42: {  	_ =	shalt  }
0x43: {  	_ =	shalt  }
0x44: {  	_ =	shalt  }
0x45: {  	_ =	shalt  }
0x46: {  	_ =	shalt  }
0x47: {  	_ =	shalt  }
0x48: {  	_ =	shalt  }
0x49: {  	_ =	shalt  }
0x4a: {  	_ =	shalt  }
0x4b: {  	_ =	shalt  }
0x4c: {  	_ =	shalt  }
0x4d: {  	_ =	shalt  }
0x4e: {  	_ =	shalt  }
0x4f: {  	_ =	shalt  }
0x50: {  	_ =	shalt  }
0x51: {  	_ =	shalt  }
0x52: {  	_ =	shalt  }
0x53: {  	_ =	shalt  }
0x54: {  	_ =	shalt  }
0x55: {  	_ =	shalt  }
0x56: {  	_ =	shalt  }
0x57: {  	_ =	shalt  }
0x58: {  	_ =	shalt  }
0x59: {  	_ =	shalt  }
0x5a: {  	_ =	shalt  }
0x5b: {  	_ =	shalt  }
0x5c: {  	_ =	shalt  }
0x5d: {  	_ =	shalt  }
0x5e: {  	_ =	shalt  }
0x5f: {  	_ =	shalt  }
0x60: {  	_ =	shalt  }
0x61: {  	_ =	shalt  }
0x62: {  	_ =	shalt  }
0x63: {  	_ =	shalt  }
0x64: {  	_ =	shalt  }
0x65: {  	_ =	shalt  }
0x66: {  	_ =	shalt  }
0x67: {  	_ =	shalt  }
0x68: {  	_ =	shalt  }
0x69: {  	_ =	shalt  }
0x6a: {  	_ =	shalt  }
0x6b: {  	_ =	shalt  }
0x6c: {  	_ =	shalt  }
0x6d: {  	_ =	shalt  }
0x6e: {  	_ =	shalt  }
0x6f: {  	_ =	shalt  }
0x70: {  	_ =	shalt  }
0x71: {  	_ =	shalt  }
0x72: {  	_ =	shalt  }
0x73: {  	_ =	shalt  }
0x74: {  	_ =	shalt  }
0x75: {  	_ =	shalt  }
0x76: {  	_ =	shalt  }
0x77: {  	_ =	shalt  }
0x78: {  	_ =	shalt  }
0x79: {  	_ =	shalt  }
0x7a: {  	_ =	shalt  }
0x7b: {  	_ =	shalt  }
0x7c: {  	_ =	shalt  }
0x7d: {  	_ =	shalt  }
0x7e: {  	_ =	shalt  }
0x7f: {  	_ =	shalt  }
0x80: {  	_ =	shalt  }
0x81: {  	_ =	shalt  }
0x82: {  	_ =	shalt  }
0x83: {  	_ =	shalt  }
0x84: {  	_ =	shalt  }
0x85: {  	_ =	shalt  }
0x86: {  	_ =	shalt  }
0x87: {  	_ =	shalt  }
.Lfunc_end0:
.L_simem_size_0:
called_computation_lowered:
.L_overlay_start_0:
0x88: {  	s2 =	sld [smem:$0x3FD9]  }
0x89: {  	s3 =	sld [smem:$0x3FFE];
	_ =	sdelay $0x1  }
0x8a: {  	s1 =	srdreg.scid  }
0x8b: {  	s0 =	sand.u32 $0x1, s1  }
0x8c: {  	s14 =	sshll.u32 s0, $0xA;
	s2 =	sadd.s32 s3, s2  }
0x8d: {  	s2 =	sadd.s32 s2, s14  }
0x8e: {  	[smem:$0x3FC5] =	sst s2  }
0x8f: {  	_ = 	snop  }
0x90: {  	s2 =	sld [smem:$0x3FD0];
	_ =	sdelay $0x1  }
0x91: {  	s15 =	sld [smem:$0x3FC9]  }
0x92: {  	s5 =	simm.s32 $0xA;
	s6 =	simm.s32 $0x10;
	s4 =	sld [smem:$0x3FC7]  }
0x93: {  	[smem:s6], [sflag:s5] =	dma.local [hbm:s2], $0x1  }
0x94: {  	_ =	swait.eq [sflag:s5], $0x1  }
0x95: {  	s16 =	sld [smem:$0x10];
	[sflag:s5] =	ssyncset.done $0x0  }
0x96: {  	s17 =	sld [smem:$0x11];
	[sflag:s5] =	ssyncadd.s32 $0xFFFFFFFF  }
0x97: {  	s18 =	sld [smem:$0x12];
	(tm) =	ssettm $0x1  }
0x98: {  	s7 =	sld [smem:$0x3FFB];
	_ =	sdelay $0x3  }
0x99: {  	_ =	strace s7  }
0x9a: {  	s7 =	sld [smem:$0x3FFC];
	_ =	sdelay $0x3  }
0x9b: {  	_ =	strace s7  }
0x9c: {  	s7 =	sld [smem:$0x3FFD];
	_ =	sdelay $0x3  }
0x9d: {  	_ =	strace s7  }
0x9e: {  	_ =	strace $0x8FFFFFFF  }
0x9f: {  	s19 =	sld [smem:$0x3FDB];
	_ =	sdelay $0x1  }
0xa0: {  	s8 =	simm.s32 $_scs_section_size  }
0xa1: {  	s9 =	simm.s32 $_size__tile_overlayer_lowered;
	s10 =	simm.s32 $_tile_overlayer_lowered  }
0xa2: {  	s22 =	simm.s32 $0x1BFF;
	s21 =	sshll.u32 s10, $0x1;
	s7 =	sadd.s32 s8, s19  }
0xa3: {  	s11 =	simm.s32 $0x0;
	s20 =	sshll.u32 s9, $0x1;
	s9 =	sadd.s32 s21, s7  }
0xa4: {  	[timem:s11], [sflag:s22] =	dma.local [hbm:s9], s20  }
0xa5: {  	_ =	swait.ge [sflag:s22], s20  }
0xa6: {  	s8 =	ssub.s32 $0x0, s20;
	[sflag:s22] =	ssyncset.done $0x0  }
0xa7: {  	[sflag:s22] =	ssyncadd.s32 s8;
	_ =	sdelay $0x1  }
0xa8: {  	s23 =	simm.s32 $0x1B8B  }
0xa9: {  	_ =	swait.ge [sflag:s23], $0x1  }
0xaa: {  	[sflag:s23] =	ssyncset.done $0x0  }
0xab: {  	s25 =	simm.s32 $0x1B8E;
	s24 =	sld [smem:$0x3FFE];
	[sflag:s23] =	ssyncadd.s32 $0xFFFFFFFF  }
0xac: {  	s26 =	simm.s32 $execute0_lowered;
	[smem:$0x3FD2] =	sst s25  }
0xad: {  	s9 =	sshll.u32 s26, $0x1;
	_ =	strace $0x80000046;
	[dreg:$0x1] =	wrdreg $0xFFFFFFFF  }
0xae: {  	s28 =	simm.s32 $_size_execute0_lowered;
	s7 =	sadd.s32 s7, s9;
	[dreg:$0x0] =	wrdreg $0x0  }
0xaf: {  	s9 =	sshll.u32 s28, $0x1;
	[dreg:$0x2] =	wrdreg s7  }
0xb0: {  	[dreg:$0x3] =	wrdreg s9  }
0xb1: {  	[dreg:$0x4] =	wrdreg $0xC0  }
0xb2: {  	_ =	task [dreg:s11], $0x5FFFF  }
0xb3: {  	[dreg:$0x1] =	wrdreg $0xFFFFFFFF  }
0xb4: {  	[dreg:$0x0] =	wrdreg $0x60  }
0xb5: {  	[dreg:$0x2] =	wrdreg s15  }
0xb6: {  	[dreg:$0x3] =	wrdreg s24  }
0xb7: {  	[dreg:$0x4] =	wrdreg s4  }
0xb8: {  	[dreg:$0x5] =	wrdreg s16  }
0xb9: {  	[dreg:$0x6] =	wrdreg s17  }
0xba: {  	[dreg:$0x7] =	wrdreg s18  }
0xbb: {  	[dreg:$0x8] =	wrdreg $0x9  }
0xbc: {  	_ =	task.clear_ibuf [dreg:s11], $0x9FFFF;
	_ =	strace $0x90000046  }
0xbd: {  	s29 =	simm.s32 $0x9;
	_ =	strace $0x80000048  }
0xbe: {  	_ =	swait.ge [sflag:s29], $0x1  }
0xbf: {  	[sflag:s29] =	ssyncadd.s32 $0xFFFFFFFF  }
0xc0: {  	_ =	strace $0x90000048  }
0xc1: {  	_ =	sfence  }
0xc2: {  	s30 =	sld [smem:$0x0];
	_ =	sdelay $0x2  }
0xc3: {  	s31 =	sshll.u32 s1, $0xD;
	s1 =	sshrl.u32 s1, $0x2  }
0xc4: {  	s3 =	sand.u32 $0x4000, s31;
	s1 =	sadd.s32 s1, s30  }
0xc5: {  	s0 =	sor.u32 s3, s0;
	s1 =	sshll.u32 s1, $0x11  }
0xc6: {  	s0 =	sor.u32 s1, s0  }
0xc7: {  	s0 =	sadd.s32 $0x8F2B, s0  }
0xc8: {  	[sflag:s0] =	ssyncadd.remote.s32 $0x1  }
0xc9: {  	_ =	sfence.sel $0xFFFF  }
0xca: {  	[dreg:$0x0] =	wrdreg $0xFFFFFFFF;
	(pc) =	sbr.abs _section_cstart, $3  }
0xcb: {  	[dreg:$0x1] =	wrdreg $0xFFFFFFFF  }
0xcc: {  	_ =	task.clear_ibuf [dreg:s11], $0x2FFFF;
	_ =	strace $0x9FFFFFFF  }
0xcd: {  	(tm) =	ssettm $0x7FFFFFFF  }
tec
execute0_lowered:
.L_overlay_start_1:
0x0: {  	(tag) =	ssettag $0x1  }
0x1: {  	v0 =	vimm.s32 $0xE3C;
	vm1 =	vcmask $0x300  }
0x2: {  	vm2 =	vcmask $0xF04;
	vm3 =	vcmask $0x1B10;
	vm4 =	vcmask $0x271C  }
0x3: {  	v2 =	vimm.s32 $0xE28;
	vm6 =	vcmask $0x700;
	vm7 =	vcmask $0x1308  }
0x4: {  	vm5 =	vcmask $0x3328;
	vm8 =	vcmask $0x1F14;
	vm9 =	vcmask $0x2B20  }
0x5: {  	vm11 =	vcmask $0xB00;
	vm10 =	vcmask $0x372C;
	vm12 =	vcmask $0x170C  }
0x6: {  	vm14 =	vcmask $0x2318;
	vm13 =	vcmask $0x2F24;
	vm0 =	vcmask $0x3B30  }
0x7: {  	v3 =	vimm.s32 $0xC14;
	v19 =	vimm.s32 $0x38383434;
	v0 =	vsel vm1, $0xE28, v0  }
0x8: {  	v25 =	vimm.s32 $0x18181414;
	v26 =	vimm.s32 $0x88444000;
	v1 =	vsel vm2, $0xE2C, v0  }
0x9: {  	v27 =	vimm.s32 $0x1C1C1C18;
	v2 =	vsel vm6, $0xE14, v2;
	v1 =	vsel vm3, $0xE30, v1  }
0xa: {  	vm15 =	vcmask $0x3330;
	v2 =	vsel vm7, $0xE18, v2;
	v1 =	vsel vm4, $0xE34, v1  }
0xb: {  	v24 =	vsel vm5, $0xE38, v1;
	v1 =	vsel vm8, $0xE1C, v2;
	v2 =	vimm.s32 $0xE14  }
0xc: {  	s3 =	stileid.u32;
	v3 =	vsel vm11, $0xC00, v3;
	v1 =	vsel vm9, $0xE20, v1;
	v2 =	vsel vm11, $0xE00, v2  }
0xd: {  	s0 =	sshrl.u32 s3, $0x1;
	v25 =	vunpack.c.0.s8.s32 v25;
	v23 =	vsel vm10, $0xE24, v1;
	v1 =	vsel vm12, $0xE04, v2  }
0xe: {  	v26 =	vunpack.c.l.s4.s8 v26;
	s1 =	sshll.u32 s0, $0x4;
	v2 =	vimm.s32 $0xC3C;
	v1 =	vsel vm14, $0xE08, v1  }
0xf: {  	v0 =	vmov s1;
	v2 =	vsel vm1, $0xC28, v2;
	v1 =	vsel vm13, $0xE0C, v1  }
0x10: {  	v15 =	vsel vm0, $0xE10, v1;
	v1 =	vsel vm2, $0xC2C, v2;
	v2 =	vimm.s32 $0xC28  }
0x11: {  	v26 =	vunpack.c.0.s8.s32 v26;
	v1 =	vsel vm3, $0xC30, v1;
	v2 =	vsel vm6, $0xC14, v2  }
0x12: {  	v28 =	vshll.u32 v0, $0x2;
	v1 =	vsel vm4, $0xC34, v1;
	v2 =	vsel vm7, $0xC18, v2  }
0x13: {  	v21 =	vsel vm5, $0xC38, v1;
	v1 =	vsel vm8, $0xC1C, v2;
	v2 =	vsel vm12, $0xC04, v3  }
0x14: {  	v23 =	vor.u32 v23, v28;
	v1 =	vsel vm9, $0xC20, v1;
	v2 =	vsel vm14, $0xC08, v2  }
0x15: {  	v3 =	vimm.s32 $0xA3C;
	v22 =	vsel vm10, $0xC24, v1;
	v1 =	vsel vm13, $0xC0C, v2  }
0x16: {  	v2 =	vsel vm1, $0xA28, v3;
	v3 =	vimm.s32 $0xA14;
	v16 =	vsel vm0, $0xC10, v1  }
0x17: {  	v1 =	vsel vm2, $0xA2C, v2;
	v2 =	vimm.s32 $0xA28;
	v3 =	vsel vm11, $0xA00, v3  }
0x18: {  	v22 =	vor.u32 v22, v28;
	v1 =	vsel vm3, $0xA30, v1;
	v2 =	vsel vm6, $0xA14, v2  }
0x19: {  	v16 =	vor.u32 v16, v28;
	v1 =	vsel vm4, $0xA34, v1;
	v2 =	vsel vm7, $0xA18, v2  }
0x1a: {  	v20 =	vsel vm5, $0xA38, v1;
	v1 =	vsel vm8, $0xA1C, v2;
	v2 =	vsel vm12, $0xA04, v3  }
0x1b: {  	v3 =	vimm.s32 $0x83C;
	v1 =	vsel vm9, $0xA20, v1;
	v2 =	vsel vm14, $0xA08, v2  }
0x1c: {  	v17 =	vsel vm10, $0xA24, v1;
	v1 =	vsel vm13, $0xA0C, v2;
	v2 =	vsel vm1, $0x828, v3  }
0x1d: {  	v13 =	vsel vm0, $0xA10, v1;
	v1 =	vsel vm2, $0x82C, v2;
	v2 =	vimm.s32 $0x828  }
0x1e: {  	v3 =	vimm.s32 $0x814;
	v1 =	vsel vm3, $0x830, v1;
	v2 =	vsel vm6, $0x814, v2  }
0x1f: {  	v3 =	vsel vm11, $0x800, v3;
	v1 =	vsel vm4, $0x834, v1;
	v2 =	vsel vm7, $0x818, v2  }
0x20: {  	v14 =	vsel vm5, $0x838, v1;
	v1 =	vsel vm8, $0x81C, v2;
	v2 =	vsel vm12, $0x804, v3  }
0x21: {  	v20 =	vor.u32 v20, v28;
	v1 =	vsel vm9, $0x820, v1;
	v2 =	vsel vm14, $0x808, v2  }
0x22: {  	v3 =	vimm.s32 $0x63C;
	v18 =	vsel vm10, $0x824, v1;
	v1 =	vsel vm13, $0x80C, v2  }
0x23: {  	v2 =	vsel vm1, $0x628, v3;
	v3 =	vimm.s32 $0x614;
	v12 =	vsel vm0, $0x810, v1  }
0x24: {  	v1 =	vsel vm2, $0x62C, v2;
	v2 =	vimm.s32 $0x628;
	v3 =	vsel vm11, $0x600, v3  }
0x25: {  	v18 =	vor.u32 v18, v28;
	v1 =	vsel vm3, $0x630, v1;
	v2 =	vsel vm6, $0x614, v2  }
0x26: {  	v12 =	vor.u32 v12, v28;
	v1 =	vsel vm4, $0x634, v1;
	v2 =	vsel vm7, $0x618, v2  }
0x27: {  	v10 =	vsel vm5, $0x638, v1;
	v1 =	vsel vm8, $0x61C, v2;
	v2 =	vsel vm12, $0x604, v3  }
0x28: {  	v3 =	vimm.s32 $0x43C;
	v1 =	vsel vm9, $0x620, v1;
	v2 =	vsel vm14, $0x608, v2  }
0x29: {  	v11 =	vsel vm10, $0x624, v1;
	v1 =	vsel vm13, $0x60C, v2;
	v2 =	vsel vm1, $0x428, v3  }
0x2a: {  	v9 =	vsel vm0, $0x610, v1;
	v1 =	vsel vm2, $0x42C, v2;
	v2 =	vimm.s32 $0x428  }
0x2b: {  	v3 =	vimm.s32 $0x414;
	v1 =	vsel vm3, $0x430, v1;
	v2 =	vsel vm6, $0x414, v2  }
0x2c: {  	v3 =	vsel vm11, $0x400, v3;
	v1 =	vsel vm4, $0x434, v1;
	v2 =	vsel vm7, $0x418, v2  }
0x2d: {  	v7 =	vsel vm5, $0x438, v1;
	v1 =	vsel vm8, $0x41C, v2;
	v2 =	vsel vm12, $0x404, v3  }
0x2e: {  	v3 =	vimm.s32 $0x23C;
	v1 =	vsel vm9, $0x420, v1;
	v2 =	vsel vm14, $0x408, v2  }
0x2f: {  	v8 =	vsel vm10, $0x424, v1;
	v1 =	vsel vm13, $0x40C, v2;
	v2 =	vsel vm1, $0x228, v3  }
0x30: {  	v6 =	vsel vm0, $0x410, v1;
	v1 =	vsel vm2, $0x22C, v2;
	v2 =	vimm.s32 $0x228  }
0x31: {  	v3 =	vimm.s32 $0x214;
	v1 =	vsel vm3, $0x230, v1;
	v2 =	vsel vm6, $0x214, v2  }
0x32: {  	v3 =	vsel vm11, $0x200, v3;
	v1 =	vsel vm4, $0x234, v1;
	v2 =	vsel vm7, $0x218, v2  }
0x33: {  	v4 =	vsel vm5, $0x238, v1;
	v1 =	vsel vm8, $0x21C, v2;
	v2 =	vsel vm12, $0x204, v3  }
0x34: {  	v11 =	vor.u32 v11, v28;
	v1 =	vsel vm9, $0x220, v1;
	v2 =	vsel vm14, $0x208, v2  }
0x35: {  	v3 =	vimm.s32 $0x2C2C2C28;
	v5 =	vsel vm10, $0x224, v1;
	v1 =	vsel vm13, $0x20C, v2  }
0x36: {  	v2 =	vunpack.c.0.s8.s32 v3;
	v3 =	vsel vm0, $0x210, v1;
	v1 =	vimm.s32 $0x34303030  }
0x37: {  	v9 =	vor.u32 v9, v28;
	vm10 =	vcmask $0xF00;
	v1 =	vunpack.c.0.s8.s32 v1  }
0x38: {  	vm11 =	vcmask $0x1F10;
	v8 =	vor.u32 v8, v28;
	v2 =	vnsel vm10, $0x3C, v2  }
0x39: {  	v1 =	vsel vm11, v1, v2;
	v2 =	vunpack.c.0.s8.s32 v19;
	v19 =	vunpack.c.0.s8.s32 v27  }
0x3a: {  	v6 =	vor.u32 v6, v28;
	vm12 =	vcmask $0x2F20;
	v25 =	vnsel vm10, $0x28, v25  }
0x3b: {  	v1 =	vsel vm12, v2, v1;
	v2 =	vsel vm11, v19, v25;
	v19 =	vimm.s32 $0x24202020  }
0x3c: {  	v25 =	vand.u32 $0xF, v26;
	v26 =	vimm.s32 $0xC0C0C08;
	v19 =	vunpack.c.0.s8.s32 v19  }
0x3d: {  	vm13 =	vcmask $0x1F00;
	v27 =	vimm.s32 $0x79E79E79;
	v26 =	vunpack.c.0.s8.s32 v26  }
0x3e: {  	v2 =	vsel vm12, v19, v2;
	v19 =	vnsel vm13, $0x14, v25;
	v25 =	vunpack.c.l.s2.s4 v27  }
0x3f: {  	vm14 =	vcmask $0x3730;
	v5 =	vor.u32 v5, v28;
	v27 =	vimm.s32 $0xE79E79E7  }
0x40: {  	v19 =	vsel vm12, v26, v19;
	v26 =	vimm.s32 $0x9E79E79E;
	v25 =	vunpack.c.l.s4.s8 v25  }
0x41: {  	v3 =	vor.u32 v3, v28;
	v27 =	vunpack.c.l.s2.s4 v27;
	v26 =	vunpack.c.l.s2.s4 v26  }
0x42: {  	s21 =	rddreg [dreg:$0x1];
	v1 =	vsel vm15, $0x38, v1;
	v2 =	vsel vm14, $0x24, v2;
	v0 =	vunpack.c.0.s8.s32 v25  }
0x43: {  	s4 =	rddreg [dreg:$0x4];
	v19 =	vsel vm0, $0x10, v19;
	v25 =	vunpack.c.l.s4.s8 v26;
	v26 =	vunpack.c.l.s4.s8 v27  }
0x44: {  	s6 =	rddreg [dreg:$0x5];
	v2 =	vor.u32 v2, v28;
	v19 =	vor.u32 v19, v28;
	v27 =	vand.u32 $0x3, v0  }
0x45: {  	s2 =	srdreg.scid;
	s7 =	simm.s32 $0x0;
	s16 =	simm.s32 $0x400;
	v25 =	vunpack.c.0.s8.s32 v25;
	v26 =	vunpack.c.0.s8.s32 v26;
	v0 =	vor.u32 v27, v19  }
0x46: {  	s17 =	simm.s32 $0x580;
	s28 =	simm.s32 $0xC780;
	s29 =	simm.s32 $0xCD80;
	v19 =	vor.u32 v1, v28;
	v3 =	vor.u32 v27, v3;
	v6 =	vor.u32 v27, v6  }
0x47: {  	s30 =	simm.s32 $0xED80;
	s31 =	simm.s32 $0x10D80;
	s18 =	simm.s32 $0x12D80;
	v9 =	vor.u32 v27, v9;
	v25 =	vand.u32 $0x3, v25;
	v26 =	vand.u32 $0x3, v26  }
0x48: {  	s19 =	simm.s32 $0x14D80;
	s20 =	simm.s32 $0x16D80;
	s2 =	sand.u32 $0x1, s2;
	v12 =	vor.u32 v27, v12;
	v1 =	vor.u32 v25, v2;
	v2 =	vor.u32 v26, v19  }
0x49: {  	s5 =	sshll.u32 s3, $0x1;
	[smem:$0x7FF] =	sst s7;
	s8 =	sadd.s32 $0x600, s21;
	v19 =	vor.u32 v4, v28;
	v4 =	vor.u32 v25, v5;
	v20 =	vor.u32 v26, v20  }
0x4a: {  	s21 =	simm.s32 $0xCB80;
	s3 =	simm.s32 $0x0;
	s9 =	ssub.s32 $0x2, s2;
	v23 =	vor.u32 v25, v23;
	v5 =	vor.u32 v26, v19;
	v19 =	vor.u32 v7, v28  }
0x4b: {  	s5 =	sand.u32 $0x2, s5;
	_ =	strace $0x80000047;
	s25 =	sshll.u32 s2, $0x6;
	v7 =	vor.u32 v25, v8;
	v8 =	vor.u32 v26, v19;
	v19 =	vor.u32 v10, v28  }
0x4c: {  	s26 =	sshll.u32 s0, $0xE;
	s10 =	sshrl.u32 s9, $0x1;
	s5 =	sor.u32 s2, s5;
	v10 =	vor.u32 v25, v11;
	v11 =	vor.u32 v26, v19;
	v19 =	vor.u32 v13, v28  }
0x4d: {  	s2 =	sshll.u32 s2, $0x9;
	s22 =	ssub.s32 s9, s10;
	s23 =	sshll.u32 s5, $0x6;
	v13 =	vor.u32 v25, v18;
	v18 =	vor.u32 v14, v28;
	v14 =	vor.u32 v27, v19  }
0x4e: {  	s10 =	sshll.u32 s5, $0x2;
	s5 =	sadd.s32 s25, s8;
	s13 =	sor.u32 s2, s26;
	v19 =	vor.u32 v17, v28;
	v17 =	vor.u32 v15, v28;
	v15 =	vor.u32 v27, v16  }
0x4f: {  	s25 =	simm.s32 $0xC580;
	s26 =	simm.s32 $0x1;
	s2 =	simm.s32 $0x2;
	v18 =	vor.u32 v26, v18;
	v16 =	vor.u32 v27, v17;
	v17 =	vmov s0  }
0x50: {  	s24 =	sadd.s32 s8, s23;
	s11 =	sadd.s32 $0x100, s5;
	s1 =	smax.u32 s22, $0x1;
	v19 =	vor.u32 v25, v19;
	v27 =	vor.u32 v21, v28;
	v21 =	vor.u32 v25, v22  }
0x51: {  	s5 =	simm.s32 $0xC980;
	s22 =	simm.s32 $0x4;
	[dreg:$0x7] =	wrdreg s24;
	v25 =	vor.u32 v24, v28;
	v24 =	vlaneseq.u32;
	v22 =	vor.u32 v26, v27  }
0x52: {  	s23 =	simm.s32 $0x5;
	[dreg:$0x8] =	wrdreg s1;
	s0 =	simm.s32 $0x200;
	v25 =	vor.u32 v26, v25;
	v26 =	vimm.f32 $0.0e+00;
	v27 =	vor.u32 $0x10, v24  }
.LBB2_1:
0x53: {  	[dreg:$0x9] =	wrdreg s3  }
0x54: {  	s1 =	rddreg [dreg:$0x2];
	s14 =	simm.s32 $0x6  }
0x55: {  	[tilespmem:s7], [sflag:$0x6] =	stream.linear.gather [hbm4b:s1+s7], $0x400, $0x38;
	[tilespmem:$0x18D80] =	vst v63  }
0x56: {  	_ =	swait.ge [sflag:s14], $0x400  }
0x57: {  	[sflag:s14] =	ssyncset.done $0x0  }
0x58: {  	[sflag:s14] =	ssyncadd.s32 $0xFFFFFC00  }
0x59: {  	[tilespmem:$0x400] =	vst v0  }
0x5a: {  	[tilespmem:$0x410] =	vst v1  }
0x5b: {  	[tilespmem:$0x420] =	vst v2  }
0x5c: {  	[tilespmem:$0x430] =	vst v3  }
0x5d: {  	[tilespmem:$0x440] =	vst v4  }
0x5e: {  	[tilespmem:$0x450] =	vst v5  }
0x5f: {  	[tilespmem:$0x460] =	vst v6  }
0x60: {  	[tilespmem:$0x470] =	vst v7  }
0x61: {  	[tilespmem:$0x480] =	vst v8  }
0x62: {  	[tilespmem:$0x490] =	vst v9  }
0x63: {  	[tilespmem:$0x4A0] =	vst v10  }
0x64: {  	[tilespmem:$0x4B0] =	vst v11  }
0x65: {  	[tilespmem:$0x4C0] =	vst v12  }
0x66: {  	[tilespmem:$0x4D0] =	vst v13  }
0x67: {  	[tilespmem:$0x4E0] =	vst v18  }
0x68: {  	[tilespmem:$0x4F0] =	vst v14  }
0x69: {  	[tilespmem:$0x500] =	vst v19  }
0x6a: {  	[tilespmem:$0x510] =	vst v20  }
0x6b: {  	[tilespmem:$0x520] =	vst v15  }
0x6c: {  	[tilespmem:$0x530] =	vst v21  }
0x6d: {  	[tilespmem:$0x540] =	vst v22  }
0x6e: {  	[tilespmem:$0x550] =	vst v16  }
0x6f: {  	[tilespmem:$0x560] =	vst v23  }
0x70: {  	s3 =	simm.s32 $0x60;
	[tilespmem:$0x570] =	vst v25;
	s1 =	rddreg [dreg:$0x0]  }
0x71: {  	[tilespmem:s17], [sflag:$0x3] =	stream.indirect.gather [hbm4b:s1+s3], $0x80, s16, s3, $0xb8;
	[tilespmem:$0x18D80] =	vst v63  }
0x72: {  	s9 =	simm.s32 $0x460;
	s12 =	simm.s32 $0x3580  }
0x73: {  	[tilespmem:s12], [sflag:$0x3] =	stream.indirect.gather [hbm4b:s1+s3], $0x80, s9, s3, $0xb8;
	[tilespmem:$0x18D80] =	vst v63  }
0x74: {  	s15 =	simm.s32 $0x4C0;
	s24 =	simm.s32 $0x6580;
	s14 =	simm.s32 $0x9580  }
0x75: {  	[tilespmem:s24], [sflag:$0x3] =	stream.indirect.gather [hbm4b:s1+s3], $0x80, s15, s3, $0xb8;
	[tilespmem:$0x18D80] =	vst v63  }
0x76: {  	s12 =	simm.s32 $0x520;
	s15 =	sand.u32 $0x180, s7;
	s24 =	sand.u32 $0x1E00, s7  }
0x77: {  	[tilespmem:s14], [sflag:$0x3] =	stream.indirect.gather [hbm4b:s1+s3], $0x80, s12, s3, $0xb8;
	[tilespmem:$0x18D80] =	vst v63  }
0x78: {  	s14 =	sand.u32 $0x70, s7;
	s1 =	sor.u32 s15, s24  }
0x79: {  	s1 =	sor.u32 s14, s1  }
0x7a: {  	[tilespmem:s1+$0x16D80] =	vst v26  }
0x7b: {  	s12 =	simm.s32 $0x1;
	s15 =	simm.s32 $0x0;
	s14 =	simm.s32 $0x0;
	[tilespmem:s1+$0xCD80] =	vst v26  }
.LBB2_2:
0x7c: {  	s24 =	sand.u32 $0x180, s12  }
0x7d: {  	[tilespmem:s1+$0xED80] =	vst v26;
	s14 =	sadd.s32 $0x40, s14;
	s15 =	sadd.s32 $0x10, s15;
	p0 =	sne.s32 s12, $0x1FF  }
.Ltmp0:
0x7e: {  	s12 =	sadd.s32 $0x1, s12;
	s9 =	sand.u32 $0x1E00, s14;
	[tilespmem:s1+$0x10D80] =	vst v26;
	(pc) =	sbr.rel @p0 .LBB2_2-.Ltmp0, $4  }
0x7f: {  	s3 =	sand.u32 $0x70, s15;
	s9 =	sor.u32 s24, s9;
	[tilespmem:s1+$0x12D80] =	vst v26  }
0x80: {  	[tilespmem:s1+$0x14D80] =	vst v26;
	s1 =	sor.u32 s3, s9  }
0x81: {  	[tilespmem:s1+$0x16D80] =	vst v26  }
0x82: {  	[tilespmem:s1+$0xCD80] =	vst v26  }
0x83: {  	[tilespmem:s1+$0xED80] =	vst v26  }
0x84: {  	[tilespmem:s1+$0x10D80] =	vst v26  }
0x85: {  	[tilespmem:s1+$0x12D80] =	vst v26  }
0x86: {  	[tilespmem:s1+$0x14D80] =	vst v26;
	s15 =	simm.s32 $0x3  }
0x87: {  	_ =	swait.ge [sflag:s15], $0x3000  }
0x88: {  	[sflag:s15] =	ssyncset.done $0x0  }
0x89: {  	[sflag:s15] =	ssyncadd.s32 $0xFFFFD000  }
0x8a: {  	_ =	swait.ge [sflag:s15], $0x3000  }
0x8b: {  	[sflag:s15] =	ssyncset.done $0x0  }
0x8c: {  	[sflag:s15] =	ssyncadd.s32 $0xFFFFD000  }
0x8d: {  	_ =	swait.ge [sflag:s15], $0x3000  }
0x8e: {  	[sflag:s15] =	ssyncset.done $0x0  }
0x8f: {  	[sflag:s15] =	ssyncadd.s32 $0xFFFFD000  }
0x90: {  	_ =	swait.ge [sflag:s15], $0x3000  }
0x91: {  	[sflag:s15] =	ssyncset.done $0x0  }
0x92: {  	s12 =	simm.s32 $0x0;
	s24 =	rddreg [dreg:$0x7];
	[sflag:s15] =	ssyncadd.s32 $0xFFFFD000  }
0x93: {  	[tilespmem:s25], [sflag:$0x1] =	stream.linear.gather [hbm4b:s24+s12], $0x200, $0x38;
	[tilespmem:$0x18D80] =	vst v63  }
.LBB2_4:
0x94: {  	s1 =	sshll.u32 s12, $0x5;
	p0 =	seq.s32 s12, $0x0  }
.Ltmp1:
0x95: {  	s14 =	sor.u32 s10, s1;
	(pc) =	sbr.rel @p0 .LBB2_8-.Ltmp1, $4  }
0x96: {  	_ =	swait.ge [sflag:s26], $0x200;
	s1 =	sshll.u32 s14, $0x4  }
0x97: {  	[sflag:s26] =	ssyncset.done $0x0;
	s3 =	sand.u32 $0x3E80, s1  }
0x98: {  	[sflag:s26] =	ssyncadd.s32 $0xFFFFFE00;
	s3 =	sadd.s32 s3, s11  }
0x99: {  	[tilespmem:s28], [sflag:$0x2] =	stream.linear.gather [hbm4b:s3+s7], $0x200, $0x38;
	[tilespmem:$0x18D80] =	vst v63  }
0x9a: {  	s3 =	simm.s32 $0x0  }
0x9b: {  	_ =	swait.ge [sflag:s22], $0x2000;
	v28 =	vmov s3  }
0x9c: {  	[sflag:s22] =	ssyncset.done $0x0;
	v28 =	vshll.u32 v28, $0x7  }
0x9d: {  	[sflag:s22] =	ssyncadd.s32 $0xFFFFE000;
	v28 =	vbroadcast v28, $0x0  }
0x9e: {  	_ =	swait.ge [sflag:s22], $0x2000  }
0x9f: {  	[sflag:s22] =	ssyncset.done $0x0;
	v29 =	vor.u32 v24, v28  }
0xa0: {  	[sflag:s22] =	ssyncadd.s32 $0xFFFFE000  }
0xa1: {  	_ =	swait.ge [sflag:s22], $0x2000  }
0xa2: {  	[sflag:s22] =	ssyncset.done $0x0  }
0xa3: {  	[sflag:s22] =	ssyncadd.s32 $0xFFFFE000  }
0xa4: {  	v29 =	vld.idx.msk [tilespmem:v29+s5+$0x0], $0xffff;
	_ =	sdelay $0x4  }
0xa5: {  	vm0 =	vlt.s32 v29, $0x7FF  }
0xa6: {  	v30 =	vnsel vm0, $0x7FF, v29  }
0xa7: {  	v31 =	vshll.u32 v30, $0x2  }
0xa8: {  	v30 =	vand.u32 $0x7F, v30;
	v31 =	vand.u32 $0xFFFFFE00, v31  }
0xa9: {  	vm0 =	vlt.s32 v29, $0x800;
	v29 =	vor.u32 v31, v30  }
0xaa: {  	v29 =	vor.u32 v28, v29;
	_ =	sdelay $0x2  }
0xab: {  	v30 =	vor.u32 v27, v28;
	_ =	sdelay $0x1  }
0xac: {  	[tilespmem:v29+s29+$0x0] =	vst.idx.msk vm0, v26  }
0xad: {  	[tilespmem:v29+s30+$0x0] =	vst.idx.msk vm0, v26  }
0xae: {  	[tilespmem:v29+s31+$0x0] =	vst.idx.msk vm0, v26  }
0xaf: {  	v29 =	vld.idx.msk [tilespmem:v30+s5+$0x0], $0xffff;
	_ =	sdelay $0x4  }
0xb0: {  	vm0 =	vlt.s32 v29, $0x7FF  }
0xb1: {  	v30 =	vnsel vm0, $0x7FF, v29  }
0xb2: {  	v31 =	vshll.u32 v30, $0x2  }
0xb3: {  	v30 =	vand.u32 $0x7F, v30;
	v31 =	vand.u32 $0xFFFFFE00, v31  }
0xb4: {  	s24 =	simm.s32 $0x1;
	vm0 =	vlt.s32 v29, $0x800;
	v29 =	vor.u32 v31, v30  }
0xb5: {  	v29 =	vor.u32 v28, v29;
	v28 =	vmov s24  }
0xb6: {  	v28 =	vshll.u32 v28, $0x7  }
0xb7: {  	v28 =	vbroadcast v28, $0x0;
	_ =	sdelay $0x1  }
0xb8: {  	v30 =	vor.u32 v24, v28;
	_ =	sdelay $0x1  }
0xb9: {  	[tilespmem:v29+s29+$0x0] =	vst.idx.msk vm0, v26  }
0xba: {  	s15 =	simm.s32 $0x2;
	[tilespmem:v29+s30+$0x0] =	vst.idx.msk vm0, v26  }
.LBB2_6:
0xbb: {  	p1 =	sne.s32 s15, $0x3;
	[tilespmem:v29+s31+$0x0] =	vst.idx.msk vm0, v26;
	s3 =	smov.u32 s15;
	s15 =	sadd.s32 $0x1, s15  }
0xbc: {  	v29 =	vld.idx.msk [tilespmem:v30+s5+$0x0], $0xffff;
	_ =	sdelay $0x5  }
0xbd: {  	vm0 =	vlt.s32 v29, $0x7FF  }
0xbe: {  	v30 =	vnsel vm0, $0x7FF, v29  }
0xbf: {  	v31 =	vshll.u32 v30, $0x2  }
0xc0: {  	v30 =	vand.u32 $0x7F, v30;
	v31 =	vand.u32 $0xFFFFFE00, v31  }
0xc1: {  	vm0 =	vlt.s32 v29, $0x800;
	v29 =	vor.u32 v31, v30  }
0xc2: {  	v29 =	vor.u32 v28, v29;
	_ =	sdelay $0x2  }
0xc3: {  	v30 =	vor.u32 v27, v28;
	_ =	sdelay $0x1  }
0xc4: {  	[tilespmem:v29+s29+$0x0] =	vst.idx.msk vm0, v26  }
0xc5: {  	[tilespmem:v29+s30+$0x0] =	vst.idx.msk vm0, v26  }
0xc6: {  	[tilespmem:v29+s31+$0x0] =	vst.idx.msk vm0, v26  }
0xc7: {  	v29 =	vld.idx.msk [tilespmem:v30+s5+$0x0], $0xffff;
	_ =	sdelay $0x5  }
0xc8: {  	vm0 =	vlt.s32 v29, $0x7FF  }
0xc9: {  	v30 =	vnsel vm0, $0x7FF, v29  }
0xca: {  	v31 =	vshll.u32 v30, $0x2  }
0xcb: {  	v30 =	vand.u32 $0x7F, v30;
	v31 =	vand.u32 $0xFFFFFE00, v31  }
0xcc: {  	v32 =	vmov s3;
	vm0 =	vlt.s32 v29, $0x800;
	v29 =	vor.u32 v31, v30  }
0xcd: {  	v30 =	vshll.u32 v32, $0x7;
	v29 =	vor.u32 v28, v29  }
0xce: {  	v28 =	vbroadcast v30, $0x0  }
.Ltmp2:
0xcf: {  	(pc) =	sbr.rel @p1 .LBB2_6-.Ltmp2, $3  }
0xd0: {  	v30 =	vor.u32 v24, v28;
	_ =	sdelay $0x1  }
0xd1: {  	[tilespmem:v29+s29+$0x0] =	vst.idx.msk vm0, v26  }
0xd2: {  	[tilespmem:v29+s30+$0x0] =	vst.idx.msk vm0, v26  }
0xd3: {  	_ =	sdelay $0x4  }
0xd4: {  	[tilespmem:v29+s31+$0x0] =	vst.idx.msk vm0, v26  }
0xd5: {  	v29 =	vld.idx.msk [tilespmem:v30+s5+$0x0], $0xffff;
	_ =	sdelay $0x4  }
0xd6: {  	vm12 =	vlt.s32 v29, $0x7FF  }
0xd7: {  	v30 =	vnsel vm12, $0x7FF, v29  }
0xd8: {  	v31 =	vshll.u32 v30, $0x2  }
0xd9: {  	v30 =	vand.u32 $0x7F, v30;
	v31 =	vand.u32 $0xFFFFFE00, v31  }
0xda: {  	vm13 =	vlt.s32 v29, $0x800;
	v29 =	vor.u32 v31, v30  }
0xdb: {  	v29 =	vor.u32 v28, v29;
	_ =	sdelay $0x2  }
0xdc: {  	v62 =	vor.u32 v27, v28;
	_ =	sdelay $0x1  }
0xdd: {  	[tilespmem:v29+s29+$0x0] =	vst.idx.msk vm13, v26  }
0xde: {  	[tilespmem:v29+s30+$0x0] =	vst.idx.msk vm13, v26  }
0xdf: {  	[tilespmem:v29+s31+$0x0] =	vst.idx.msk vm13, v26  }
0xe0: {  	v29 =	vld.idx.msk [tilespmem:v62+s5+$0x0], $0xffff;
	_ =	sdelay $0x4  }
0xe1: {  	vm14 =	vlt.s32 v29, $0x7FF  }
0xe2: {  	v30 =	vnsel vm14, $0x7FF, v29  }
0xe3: {  	v63 =	vshll.u32 v30, $0x2  }
0xe4: {  	v30 =	vand.u32 $0x7F, v30;
	v31 =	vand.u32 $0xFFFFFE00, v63  }
0xe5: {  	vm15 =	vlt.s32 v29, $0x800;
	v29 =	vor.u32 v31, v30  }
0xe6: {  	v28 =	vor.u32 v28, v29;
	_ =	sdelay $0x4  }
0xe7: {  	[tilespmem:v28+s29+$0x0] =	vst.idx.msk vm15, v26  }
0xe8: {  	[tilespmem:v28+s30+$0x0] =	vst.idx.msk vm15, v26  }
0xe9: {  	[tilespmem:v28+s31+$0x0] =	vst.idx.msk vm15, v26  }
.LBB2_8:
0xea: {  	s3 =	simm.s32 $0x0  }
0xeb: {  	v28 =	vmov s3  }
0xec: {  	v28 =	vshll.u32 v28, $0x7  }
0xed: {  	v28 =	vbroadcast v28, $0x0;
	_ =	sdelay $0x1  }
0xee: {  	s9 =	sadd.s32 $0x0, s14;
	v30 =	vor.u32 v24, v28  }
0xef: {  	v29 =	vmov s9;
	_ =	sdelay $0x3  }
0xf0: {  	v31 =	vld.idx.msk [tilespmem:v30+s25+$0x0], $0xffff  }
0xf1: {  	v29 =	vld.idx.msk [tilespmem:v29+s7+$0x0], $0xffff;
	_ =	sdelay $0x3  }
0xf2: {  	v32 =	vand.u32 $0x7FF, v31  }
0xf3: {  	v33 =	vshll.u32 v29, $0x4;
	v29 =	vshrl.u32 v32, $0x7  }
0xf4: {  	v29 =	vor.u32 v33, v29  }
0xf5: {  	v29 =	vmul.u32 $0x180, v29  }
0xf6: {  	v34 =	vand.u32 $0x7F, v31  }
0xf7: {  	v29 =	vor.u32 v34, v29  }
0xf8: {  	v35 =	vadd.s32 $0x80, v29  }
0xf9: {  	v36 =	vadd.s32 $0x100, v29;
	_ =	sdelay $0x3  }
0xfa: {  	v37 =	vshll.u32 v31, $0x2;
	v35 =	vld.idx.msk [tilespmem:v35+s17+$0x0], $0xffff  }
0xfb: {  	v31 =	vshra.s32 v31, $0xB;
	v37 =	vand.u32 $0x1E00, v37;
	v36 =	vld.idx.msk [tilespmem:v36+s17+$0x0], $0xffff  }
0xfc: {  	vm0 =	veq.s32 v31, v17;
	v37 =	vor.u32 v37, v28  }
0xfd: {  	v31 =	vor.u32 v34, v37  }
0xfe: {  	v56 =	vld.idx.msk [tilespmem:v29+s17+$0x0], $0xffff;
	_ =	sdelay $0x1  }
0xff: {  	v35 =	vadd.f32 v36, v35  }
0x100: {  	v29 =	vor.u32 v27, v28  }
0x101: {  	[tilespmem:v31+s29+$0x0] =	vst.idx.add.f32.msk vm0, v35  }
0x102: {  	[tilespmem:v31+s30+$0x0] =	vst.idx.add.f32.msk vm0, v56  }
0x103: {  	v32 =	vnsel vm0, $0x800, v32;
	[tilespmem:v31+s31+$0x0] =	vst.idx.add.f32.msk vm0, v36  }
0x104: {  	[tilespmem:v30+s5+$0x0] =	vst.idx.msk $0xffff, v32  }
0x105: {  	v30 =	vld.idx.msk [tilespmem:v29+s25+$0x0], $0xffff;
	_ =	sdelay $0x4  }
0x106: {  	v57 =	vand.u32 $0x7FF, v30  }
0x107: {  	v31 =	vshrl.u32 v57, $0x7  }
0x108: {  	v31 =	vor.u32 v33, v31  }
0x109: {  	v31 =	vmul.u32 $0x180, v31  }
0x10a: {  	v58 =	vand.u32 $0x7F, v30  }
0x10b: {  	v59 =	vor.u32 v58, v31  }
0x10c: {  	v31 =	vadd.s32 $0x80, v59  }
0x10d: {  	v60 =	vadd.s32 $0x100, v59;
	_ =	sdelay $0x3  }
0x10e: {  	v61 =	vshll.u32 v30, $0x2;
	v62 =	vld.idx.msk [tilespmem:v31+s17+$0x0], $0xffff  }
0x10f: {  	v30 =	vshra.s32 v30, $0xB;
	v36 =	vand.u32 $0x1E00, v61;
	v31 =	vld.idx.msk [tilespmem:v60+s17+$0x0], $0xffff  }
0x110: {  	s15 =	simm.s32 $0x1;
	vm0 =	veq.s32 v30, v17;
	v28 =	vor.u32 v36, v28  }
0x111: {  	v32 =	vor.u32 v58, v28;
	v28 =	vmov s15  }
0x112: {  	v28 =	vshll.u32 v28, $0x7;
	v34 =	vld.idx.msk [tilespmem:v59+s17+$0x0], $0xffff  }
0x113: {  	v28 =	vbroadcast v28, $0x0  }
0x114: {  	v63 =	vadd.f32 v31, v62  }
0x115: {  	s24 =	sadd.s32 $0x1, s14;
	v30 =	vor.u32 v24, v28  }
0x116: {  	v35 =	vmov s24;
	v33 =	vnsel vm0, $0x800, v57;
	s15 =	simm.s32 $0x2;
	[tilespmem:v32+s29+$0x0] =	vst.idx.add.f32.msk vm0, v63  }
.LBB2_9:
0x117: {  	p1 =	sne.s32 s15, $0x3;
	[tilespmem:v32+s30+$0x0] =	vst.idx.add.f32.msk vm0, v34;
	s24 =	smov.u32 s15;
	s15 =	sadd.s32 $0x1, s15  }
0x118: {  	[tilespmem:v32+s31+$0x0] =	vst.idx.add.f32.msk vm0, v31  }
0x119: {  	[tilespmem:v29+s5+$0x0] =	vst.idx.msk $0xffff, v33  }
0x11a: {  	v29 =	vld.idx.msk [tilespmem:v30+s25+$0x0], $0xffff  }
0x11b: {  	v31 =	vld.idx.msk [tilespmem:v35+s7+$0x0], $0xffff;
	_ =	sdelay $0x4  }
0x11c: {  	v32 =	vshra.s32 v29, $0xB;
	v33 =	vand.u32 $0x7FF, v29;
	v34 =	vshll.u32 v29, $0x2  }
0x11d: {  	v31 =	vshll.u32 v31, $0x4;
	v35 =	vshrl.u32 v33, $0x7;
	v34 =	vand.u32 $0x1E00, v34  }
0x11e: {  	v35 =	vor.u32 v31, v35;
	v34 =	vor.u32 v34, v28  }
0x11f: {  	v35 =	vmul.u32 $0x180, v35  }
0x120: {  	v29 =	vand.u32 $0x7F, v29  }
0x121: {  	v35 =	vor.u32 v29, v35  }
0x122: {  	v36 =	vadd.s32 $0x80, v35;
	v37 =	vadd.s32 $0x100, v35;
	_ =	sdelay $0x4  }
0x123: {  	v36 =	vld.idx.msk [tilespmem:v36+s17+$0x0], $0xffff  }
0x124: {  	v37 =	vld.idx.msk [tilespmem:v37+s17+$0x0], $0xffff  }
0x125: {  	vm0 =	veq.s32 v32, v17  }
0x126: {  	v33 =	vnsel vm0, $0x800, v33;
	v34 =	vor.u32 v29, v34;
	v32 =	vld.idx.msk [tilespmem:v35+s17+$0x0], $0xffff;
	_ =	sdelay $0x3  }
0x127: {  	v29 =	vor.u32 v27, v28;
	v35 =	vadd.f32 v37, v36;
	_ =	sdelay $0x1  }
0x128: {  	[tilespmem:v34+s29+$0x0] =	vst.idx.add.f32.msk vm0, v35  }
0x129: {  	[tilespmem:v34+s30+$0x0] =	vst.idx.add.f32.msk vm0, v32  }
0x12a: {  	[tilespmem:v34+s31+$0x0] =	vst.idx.add.f32.msk vm0, v37  }
0x12b: {  	[tilespmem:v30+s5+$0x0] =	vst.idx.msk $0xffff, v33  }
0x12c: {  	v30 =	vld.idx.msk [tilespmem:v29+s25+$0x0], $0xffff;
	_ =	sdelay $0x5  }
0x12d: {  	v32 =	vshra.s32 v30, $0xB;
	v33 =	vand.u32 $0x7FF, v30;
	v34 =	vshll.u32 v30, $0x2  }
0x12e: {  	v35 =	vshrl.u32 v33, $0x7;
	v34 =	vand.u32 $0x1E00, v34  }
0x12f: {  	v31 =	vor.u32 v31, v35;
	v28 =	vor.u32 v34, v28  }
0x130: {  	v30 =	vand.u32 $0x7F, v30;
	v31 =	vmul.u32 $0x180, v31;
	_ =	sdelay $0x1  }
0x131: {  	v34 =	vor.u32 v30, v31  }
0x132: {  	v31 =	vadd.s32 $0x80, v34;
	v35 =	vadd.s32 $0x100, v34;
	_ =	sdelay $0x4  }
0x133: {  	v36 =	vld.idx.msk [tilespmem:v31+s17+$0x0], $0xffff  }
0x134: {  	vm0 =	veq.s32 v32, v17;
	v31 =	vld.idx.msk [tilespmem:v35+s17+$0x0], $0xffff  }
0x135: {  	v33 =	vnsel vm0, $0x800, v33;
	v32 =	vor.u32 v30, v28;
	v34 =	vld.idx.msk [tilespmem:v34+s17+$0x0], $0xffff;
	_ =	sdelay $0x1  }
0x136: {  	v28 =	vmov s24  }
.Ltmp3:
0x137: {  	v28 =	vshll.u32 v28, $0x7;
	(pc) =	sbr.rel @p1 .LBB2_9-.Ltmp3, $4  }
0x138: {  	v28 =	vbroadcast v28, $0x0  }
0x139: {  	v36 =	vadd.f32 v31, v36  }
0x13a: {  	s3 =	sadd.s32 s14, s24;
	v30 =	vor.u32 v24, v28  }
0x13b: {  	v35 =	vmov s3;
	[tilespmem:v32+s29+$0x0] =	vst.idx.add.f32.msk vm0, v36  }
0x13c: {  	_ =	sdelay $0x4  }
0x13d: {  	[tilespmem:v32+s30+$0x0] =	vst.idx.add.f32.msk vm0, v34  }
0x13e: {  	[tilespmem:v32+s31+$0x0] =	vst.idx.add.f32.msk vm0, v31  }
0x13f: {  	[tilespmem:v29+s5+$0x0] =	vst.idx.msk $0xffff, v33  }
0x140: {  	v29 =	vld.idx.msk [tilespmem:v30+s25+$0x0], $0xffff  }
0x141: {  	v31 =	vld.idx.msk [tilespmem:v35+s7+$0x0], $0xffff;
	_ =	sdelay $0x3  }
0x142: {  	v51 =	vand.u32 $0x7FF, v29  }
0x143: {  	v31 =	vshll.u32 v31, $0x4;
	v52 =	vshrl.u32 v51, $0x7  }
0x144: {  	v33 =	vor.u32 v31, v52  }
0x145: {  	v33 =	vmul.u32 $0x180, v33  }
0x146: {  	v53 =	vand.u32 $0x7F, v29  }
0x147: {  	v33 =	vor.u32 v53, v33  }
0x148: {  	v54 =	vadd.s32 $0x80, v33  }
0x149: {  	v36 =	vadd.s32 $0x100, v33;
	_ =	sdelay $0x3  }
0x14a: {  	v37 =	vshll.u32 v29, $0x2;
	v35 =	vld.idx.msk [tilespmem:v54+s17+$0x0], $0xffff  }
0x14b: {  	v29 =	vshra.s32 v29, $0xB;
	v37 =	vand.u32 $0x1E00, v37;
	v36 =	vld.idx.msk [tilespmem:v36+s17+$0x0], $0xffff  }
0x14c: {  	vm14 =	veq.s32 v29, v17;
	v37 =	vor.u32 v37, v28  }
0x14d: {  	v29 =	vor.u32 v53, v37  }
0x14e: {  	v33 =	vld.idx.msk [tilespmem:v33+s17+$0x0], $0xffff;
	_ =	sdelay $0x1  }
0x14f: {  	v55 =	vadd.f32 v36, v35  }
0x150: {  	v56 =	vor.u32 v27, v28  }
0x151: {  	[tilespmem:v29+s29+$0x0] =	vst.idx.add.f32.msk vm14, v55  }
0x152: {  	[tilespmem:v29+s30+$0x0] =	vst.idx.add.f32.msk vm14, v33  }
0x153: {  	v32 =	vnsel vm14, $0x800, v51;
	[tilespmem:v29+s31+$0x0] =	vst.idx.add.f32.msk vm14, v36  }
0x154: {  	[tilespmem:v30+s5+$0x0] =	vst.idx.msk $0xffff, v32  }
0x155: {  	v29 =	vld.idx.msk [tilespmem:v56+s25+$0x0], $0xffff;
	_ =	sdelay $0x4  }
0x156: {  	v57 =	vand.u32 $0x7FF, v29  }
0x157: {  	v58 =	vshrl.u32 v57, $0x7  }
0x158: {  	v31 =	vor.u32 v31, v58  }
0x159: {  	v31 =	vmul.u32 $0x180, v31  }
0x15a: {  	v59 =	vand.u32 $0x7F, v29  }
0x15b: {  	v31 =	vor.u32 v59, v31  }
0x15c: {  	v60 =	vadd.s32 $0x80, v31  }
0x15d: {  	v61 =	vadd.s32 $0x100, v31;
	_ =	sdelay $0x3  }
0x15e: {  	v62 =	vshll.u32 v29, $0x2;
	v33 =	vld.idx.msk [tilespmem:v60+s17+$0x0], $0xffff  }
0x15f: {  	v29 =	vshra.s32 v29, $0xB;
	v36 =	vand.u32 $0x1E00, v62;
	v34 =	vld.idx.msk [tilespmem:v61+s17+$0x0], $0xffff  }
0x160: {  	vm15 =	veq.s32 v29, v17;
	v28 =	vor.u32 v36, v28  }
0x161: {  	v28 =	vor.u32 v59, v28  }
0x162: {  	v29 =	vld.idx.msk [tilespmem:v31+s17+$0x0], $0xffff;
	_ =	sdelay $0x1  }
0x163: {  	v63 =	vadd.f32 v34, v33  }
0x164: {  	s3 =	sshll.u32 s14, $0xE  }
0x165: {  	s3 =	sand.u32 $0xFA0000, s3;
	[tilespmem:v28+s29+$0x0] =	vst.idx.add.f32.msk vm15, v63  }
0x166: {  	s3 =	sor.u32 s13, s3;
	[tilespmem:v28+s30+$0x0] =	vst.idx.add.f32.msk vm15, v29  }
0x167: {  	s9 =	rddreg [dreg:$0x3];
	s3 =	sshrl.u32 s3, $0x3;
	v29 =	vnsel vm15, $0x800, v57;
	[tilespmem:v28+s31+$0x0] =	vst.idx.add.f32.msk vm15, v34  }
0x168: {  	s9 =	sadd.s32 s9, s3;
	[tilespmem:v56+s5+$0x0] =	vst.idx.msk $0xffff, v29  }
0x169: {  	[hbm4b:s9+s0] =	stream.strided.scatter [tilespmem:s29], [sflag:$0x4], $0x2000, s16, s0, $0x38;
	[tilespmem:$0x18D80] =	vst v63  }
0x16a: {  	s24 =	sadd.s32 s4, s3  }
0x16b: {  	[hbm4b:s24+s0] =	stream.strided.scatter [tilespmem:s30], [sflag:$0x4], $0x2000, s16, s0, $0x38;
	[tilespmem:$0x18D80] =	vst v63  }
0x16c: {  	s3 =	sadd.s32 s6, s3  }
0x16d: {  	[hbm4b:s3+s0] =	stream.strided.scatter [tilespmem:s31], [sflag:$0x4], $0x2000, s16, s0, $0x38;
	[tilespmem:$0x18D80] =	vst v63  }
.Ltmp4:
0x16e: {  	_ = 	snop;
	(pc) =	sbr.rel @p0 .LBB2_14-.Ltmp4, $4  }
0x16f: {  	p1 =	seq.s32 s12, $0x1F;
	s1 =	sadd.s32 $0x200, s1;
	_ =	swait.ge [sflag:s2], $0x200  }
0x170: {  	s1 =	simm.s32 @p1 $0x0;
	[sflag:s2] =	ssyncset.done $0x0  }
0x171: {  	s1 =	sadd.s32 s8, s1;
	[sflag:s2] =	ssyncadd.s32 $0xFFFFFE00  }
0x172: {  	[tilespmem:s25], [sflag:$0x1] =	stream.linear.gather [hbm4b:s1+s7], $0x200, $0x38;
	[tilespmem:$0x18D80] =	vst v63  }
0x173: {  	s1 =	simm.s32 $0x0  }
0x174: {  	_ =	swait.ge [sflag:s23], $0x2000;
	v28 =	vmov s1  }
0x175: {  	[sflag:s23] =	ssyncset.done $0x0;
	v28 =	vshll.u32 v28, $0x7  }
0x176: {  	[sflag:s23] =	ssyncadd.s32 $0xFFFFE000;
	v28 =	vbroadcast v28, $0x0  }
0x177: {  	_ =	swait.ge [sflag:s23], $0x2000  }
0x178: {  	[sflag:s23] =	ssyncset.done $0x0;
	v29 =	vor.u32 v24, v28  }
0x179: {  	[sflag:s23] =	ssyncadd.s32 $0xFFFFE000  }
0x17a: {  	_ =	swait.ge [sflag:s23], $0x2000  }
0x17b: {  	[sflag:s23] =	ssyncset.done $0x0  }
0x17c: {  	[sflag:s23] =	ssyncadd.s32 $0xFFFFE000  }
0x17d: {  	v29 =	vld.idx.msk [tilespmem:v29+s21+$0x0], $0xffff;
	_ =	sdelay $0x4  }
0x17e: {  	vm0 =	vlt.s32 v29, $0x7FF  }
0x17f: {  	v30 =	vnsel vm0, $0x7FF, v29  }
0x180: {  	v31 =	vshll.u32 v30, $0x2  }
0x181: {  	v30 =	vand.u32 $0x7F, v30;
	v31 =	vand.u32 $0xFFFFFE00, v31  }
0x182: {  	vm0 =	vlt.s32 v29, $0x800;
	v29 =	vor.u32 v31, v30  }
0x183: {  	v29 =	vor.u32 v28, v29;
	_ =	sdelay $0x2  }
0x184: {  	v30 =	vor.u32 v27, v28;
	_ =	sdelay $0x1  }
0x185: {  	[tilespmem:v29+s18+$0x0] =	vst.idx.msk vm0, v26  }
0x186: {  	[tilespmem:v29+s19+$0x0] =	vst.idx.msk vm0, v26  }
0x187: {  	[tilespmem:v29+s20+$0x0] =	vst.idx.msk vm0, v26  }
0x188: {  	v29 =	vld.idx.msk [tilespmem:v30+s21+$0x0], $0xffff;
	_ =	sdelay $0x4  }
0x189: {  	vm0 =	vlt.s32 v29, $0x7FF  }
0x18a: {  	v30 =	vnsel vm0, $0x7FF, v29  }
0x18b: {  	v31 =	vshll.u32 v30, $0x2  }
0x18c: {  	v30 =	vand.u32 $0x7F, v30;
	v31 =	vand.u32 $0xFFFFFE00, v31  }
0x18d: {  	s24 =	simm.s32 $0x1;
	vm0 =	vlt.s32 v29, $0x800;
	v29 =	vor.u32 v31, v30  }
0x18e: {  	v29 =	vor.u32 v28, v29;
	v28 =	vmov s24  }
0x18f: {  	v28 =	vshll.u32 v28, $0x7  }
0x190: {  	v28 =	vbroadcast v28, $0x0;
	_ =	sdelay $0x1  }
0x191: {  	v30 =	vor.u32 v24, v28;
	_ =	sdelay $0x1  }
0x192: {  	[tilespmem:v29+s18+$0x0] =	vst.idx.msk vm0, v26  }
0x193: {  	s1 =	simm.s32 $0x2;
	[tilespmem:v29+s19+$0x0] =	vst.idx.msk vm0, v26  }
.LBB2_12:
0x194: {  	p0 =	sne.s32 s1, $0x3;
	[tilespmem:v29+s20+$0x0] =	vst.idx.msk vm0, v26;
	s3 =	smov.u32 s1;
	s1 =	sadd.s32 $0x1, s1  }
0x195: {  	v29 =	vld.idx.msk [tilespmem:v30+s21+$0x0], $0xffff;
	_ =	sdelay $0x5  }
0x196: {  	vm0 =	vlt.s32 v29, $0x7FF  }
0x197: {  	v30 =	vnsel vm0, $0x7FF, v29  }
0x198: {  	v31 =	vshll.u32 v30, $0x2  }
0x199: {  	v30 =	vand.u32 $0x7F, v30;
	v31 =	vand.u32 $0xFFFFFE00, v31  }
0x19a: {  	vm0 =	vlt.s32 v29, $0x800;
	v29 =	vor.u32 v31, v30  }
0x19b: {  	v29 =	vor.u32 v28, v29;
	_ =	sdelay $0x2  }
0x19c: {  	v30 =	vor.u32 v27, v28;
	_ =	sdelay $0x1  }
0x19d: {  	[tilespmem:v29+s18+$0x0] =	vst.idx.msk vm0, v26  }
0x19e: {  	[tilespmem:v29+s19+$0x0] =	vst.idx.msk vm0, v26  }
0x19f: {  	[tilespmem:v29+s20+$0x0] =	vst.idx.msk vm0, v26  }
0x1a0: {  	v29 =	vld.idx.msk [tilespmem:v30+s21+$0x0], $0xffff;
	_ =	sdelay $0x5  }
0x1a1: {  	vm0 =	vlt.s32 v29, $0x7FF  }
0x1a2: {  	v30 =	vnsel vm0, $0x7FF, v29  }
0x1a3: {  	v31 =	vshll.u32 v30, $0x2  }
0x1a4: {  	v30 =	vand.u32 $0x7F, v30;
	v31 =	vand.u32 $0xFFFFFE00, v31  }
0x1a5: {  	v32 =	vmov s3;
	vm0 =	vlt.s32 v29, $0x800;
	v29 =	vor.u32 v31, v30  }
0x1a6: {  	v30 =	vshll.u32 v32, $0x7;
	v29 =	vor.u32 v28, v29  }
0x1a7: {  	v28 =	vbroadcast v30, $0x0  }
.Ltmp5:
0x1a8: {  	(pc) =	sbr.rel @p0 .LBB2_12-.Ltmp5, $3  }
0x1a9: {  	v30 =	vor.u32 v24, v28;
	_ =	sdelay $0x1  }
0x1aa: {  	[tilespmem:v29+s18+$0x0] =	vst.idx.msk vm0, v26  }
0x1ab: {  	[tilespmem:v29+s19+$0x0] =	vst.idx.msk vm0, v26  }
0x1ac: {  	_ =	sdelay $0x4  }
0x1ad: {  	[tilespmem:v29+s20+$0x0] =	vst.idx.msk vm0, v26  }
0x1ae: {  	v29 =	vld.idx.msk [tilespmem:v30+s21+$0x0], $0xffff;
	_ =	sdelay $0x4  }
0x1af: {  	vm12 =	vlt.s32 v29, $0x7FF  }
0x1b0: {  	v30 =	vnsel vm12, $0x7FF, v29  }
0x1b1: {  	v31 =	vshll.u32 v30, $0x2  }
0x1b2: {  	v30 =	vand.u32 $0x7F, v30;
	v31 =	vand.u32 $0xFFFFFE00, v31  }
0x1b3: {  	vm13 =	vlt.s32 v29, $0x800;
	v29 =	vor.u32 v31, v30  }
0x1b4: {  	v29 =	vor.u32 v28, v29;
	_ =	sdelay $0x2  }
0x1b5: {  	v62 =	vor.u32 v27, v28;
	_ =	sdelay $0x1  }
0x1b6: {  	[tilespmem:v29+s18+$0x0] =	vst.idx.msk vm13, v26  }
0x1b7: {  	[tilespmem:v29+s19+$0x0] =	vst.idx.msk vm13, v26  }
0x1b8: {  	[tilespmem:v29+s20+$0x0] =	vst.idx.msk vm13, v26  }
0x1b9: {  	v29 =	vld.idx.msk [tilespmem:v62+s21+$0x0], $0xffff;
	_ =	sdelay $0x4  }
0x1ba: {  	vm14 =	vlt.s32 v29, $0x7FF  }
0x1bb: {  	v30 =	vnsel vm14, $0x7FF, v29  }
0x1bc: {  	v63 =	vshll.u32 v30, $0x2  }
0x1bd: {  	v30 =	vand.u32 $0x7F, v30;
	v31 =	vand.u32 $0xFFFFFE00, v63  }
0x1be: {  	vm15 =	vlt.s32 v29, $0x800;
	v29 =	vor.u32 v31, v30  }
0x1bf: {  	v28 =	vor.u32 v28, v29;
	_ =	sdelay $0x4  }
0x1c0: {  	[tilespmem:v28+s18+$0x0] =	vst.idx.msk vm15, v26  }
0x1c1: {  	[tilespmem:v28+s19+$0x0] =	vst.idx.msk vm15, v26  }
0x1c2: {  	[tilespmem:v28+s20+$0x0] =	vst.idx.msk vm15, v26  }
.LBB2_14:
0x1c3: {  	s1 =	simm.s32 $0x0  }
0x1c4: {  	v28 =	vmov s1  }
0x1c5: {  	v28 =	vshll.u32 v28, $0x7  }
0x1c6: {  	v28 =	vbroadcast v28, $0x0  }
0x1c7: {  	s1 =	sor.u32 $0x10, s14  }
0x1c8: {  	s3 =	sadd.s32 $0x0, s1;
	v30 =	vor.u32 v24, v28  }
0x1c9: {  	v29 =	vmov s3;
	_ =	sdelay $0x3  }
0x1ca: {  	v31 =	vld.idx.msk [tilespmem:v30+s28+$0x0], $0xffff  }
0x1cb: {  	v29 =	vld.idx.msk [tilespmem:v29+s7+$0x0], $0xffff;
	_ =	sdelay $0x3  }
0x1cc: {  	v32 =	vand.u32 $0x7FF, v31  }
0x1cd: {  	v33 =	vshll.u32 v29, $0x4;
	v29 =	vshrl.u32 v32, $0x7  }
0x1ce: {  	v29 =	vor.u32 v33, v29  }
0x1cf: {  	v29 =	vmul.u32 $0x180, v29  }
0x1d0: {  	v34 =	vand.u32 $0x7F, v31  }
0x1d1: {  	v29 =	vor.u32 v34, v29  }
0x1d2: {  	v35 =	vadd.s32 $0x80, v29  }
0x1d3: {  	v36 =	vadd.s32 $0x100, v29;
	_ =	sdelay $0x3  }
0x1d4: {  	v37 =	vshll.u32 v31, $0x2;
	v35 =	vld.idx.msk [tilespmem:v35+s17+$0x0], $0xffff  }
0x1d5: {  	v31 =	vshra.s32 v31, $0xB;
	v37 =	vand.u32 $0x1E00, v37;
	v36 =	vld.idx.msk [tilespmem:v36+s17+$0x0], $0xffff  }
0x1d6: {  	vm0 =	veq.s32 v31, v17;
	v37 =	vor.u32 v37, v28  }
0x1d7: {  	v31 =	vor.u32 v34, v37  }
0x1d8: {  	v56 =	vld.idx.msk [tilespmem:v29+s17+$0x0], $0xffff;
	_ =	sdelay $0x1  }
0x1d9: {  	v35 =	vadd.f32 v36, v35  }
0x1da: {  	v29 =	vor.u32 v27, v28  }
0x1db: {  	[tilespmem:v31+s18+$0x0] =	vst.idx.add.f32.msk vm0, v35  }
0x1dc: {  	[tilespmem:v31+s19+$0x0] =	vst.idx.add.f32.msk vm0, v56  }
0x1dd: {  	v32 =	vnsel vm0, $0x800, v32;
	[tilespmem:v31+s20+$0x0] =	vst.idx.add.f32.msk vm0, v36  }
0x1de: {  	[tilespmem:v30+s21+$0x0] =	vst.idx.msk $0xffff, v32  }
0x1df: {  	v30 =	vld.idx.msk [tilespmem:v29+s28+$0x0], $0xffff;
	_ =	sdelay $0x4  }
0x1e0: {  	v57 =	vand.u32 $0x7FF, v30  }
0x1e1: {  	v31 =	vshrl.u32 v57, $0x7  }
0x1e2: {  	v31 =	vor.u32 v33, v31  }
0x1e3: {  	v31 =	vmul.u32 $0x180, v31  }
0x1e4: {  	v58 =	vand.u32 $0x7F, v30  }
0x1e5: {  	v59 =	vor.u32 v58, v31  }
0x1e6: {  	v31 =	vadd.s32 $0x80, v59  }
0x1e7: {  	v60 =	vadd.s32 $0x100, v59;
	_ =	sdelay $0x3  }
0x1e8: {  	v61 =	vshll.u32 v30, $0x2;
	v62 =	vld.idx.msk [tilespmem:v31+s17+$0x0], $0xffff  }
0x1e9: {  	v30 =	vshra.s32 v30, $0xB;
	v36 =	vand.u32 $0x1E00, v61;
	v31 =	vld.idx.msk [tilespmem:v60+s17+$0x0], $0xffff  }
0x1ea: {  	s15 =	simm.s32 $0x1;
	vm0 =	veq.s32 v30, v17;
	v28 =	vor.u32 v36, v28  }
0x1eb: {  	v32 =	vor.u32 v58, v28;
	v28 =	vmov s15  }
0x1ec: {  	v28 =	vshll.u32 v28, $0x7;
	v34 =	vld.idx.msk [tilespmem:v59+s17+$0x0], $0xffff  }
0x1ed: {  	v28 =	vbroadcast v28, $0x0  }
0x1ee: {  	v63 =	vadd.f32 v31, v62  }
0x1ef: {  	s24 =	sadd.s32 $0x1, s1;
	v30 =	vor.u32 v24, v28  }
0x1f0: {  	s14 =	simm.s32 $0x2;
	v35 =	vmov s24;
	v33 =	vnsel vm0, $0x800, v57;
	[tilespmem:v32+s18+$0x0] =	vst.idx.add.f32.msk vm0, v63  }
.LBB2_15:
0x1f1: {  	p0 =	sne.s32 s14, $0x3;
	[tilespmem:v32+s19+$0x0] =	vst.idx.add.f32.msk vm0, v34;
	s15 =	smov.u32 s14;
	s14 =	sadd.s32 $0x1, s14  }
0x1f2: {  	[tilespmem:v32+s20+$0x0] =	vst.idx.add.f32.msk vm0, v31  }
0x1f3: {  	[tilespmem:v29+s21+$0x0] =	vst.idx.msk $0xffff, v33  }
0x1f4: {  	v29 =	vld.idx.msk [tilespmem:v30+s28+$0x0], $0xffff  }
0x1f5: {  	v31 =	vld.idx.msk [tilespmem:v35+s7+$0x0], $0xffff;
	_ =	sdelay $0x4  }
0x1f6: {  	v32 =	vshra.s32 v29, $0xB;
	v33 =	vand.u32 $0x7FF, v29;
	v34 =	vshll.u32 v29, $0x2  }
0x1f7: {  	v31 =	vshll.u32 v31, $0x4;
	v35 =	vshrl.u32 v33, $0x7;
	v34 =	vand.u32 $0x1E00, v34  }
0x1f8: {  	v35 =	vor.u32 v31, v35;
	v34 =	vor.u32 v34, v28  }
0x1f9: {  	v35 =	vmul.u32 $0x180, v35  }
0x1fa: {  	v29 =	vand.u32 $0x7F, v29  }
0x1fb: {  	v35 =	vor.u32 v29, v35  }
0x1fc: {  	v36 =	vadd.s32 $0x80, v35;
	v37 =	vadd.s32 $0x100, v35;
	_ =	sdelay $0x4  }
0x1fd: {  	v36 =	vld.idx.msk [tilespmem:v36+s17+$0x0], $0xffff  }
0x1fe: {  	v37 =	vld.idx.msk [tilespmem:v37+s17+$0x0], $0xffff  }
0x1ff: {  	vm0 =	veq.s32 v32, v17  }
0x200: {  	v33 =	vnsel vm0, $0x800, v33;
	v34 =	vor.u32 v29, v34;
	v32 =	vld.idx.msk [tilespmem:v35+s17+$0x0], $0xffff;
	_ =	sdelay $0x3  }
0x201: {  	v29 =	vor.u32 v27, v28;
	v35 =	vadd.f32 v37, v36;
	_ =	sdelay $0x1  }
0x202: {  	[tilespmem:v34+s18+$0x0] =	vst.idx.add.f32.msk vm0, v35  }
0x203: {  	[tilespmem:v34+s19+$0x0] =	vst.idx.add.f32.msk vm0, v32  }
0x204: {  	[tilespmem:v34+s20+$0x0] =	vst.idx.add.f32.msk vm0, v37  }
0x205: {  	[tilespmem:v30+s21+$0x0] =	vst.idx.msk $0xffff, v33  }
0x206: {  	v30 =	vld.idx.msk [tilespmem:v29+s28+$0x0], $0xffff;
	_ =	sdelay $0x5  }
0x207: {  	v32 =	vshra.s32 v30, $0xB;
	v33 =	vand.u32 $0x7FF, v30;
	v34 =	vshll.u32 v30, $0x2  }
0x208: {  	v35 =	vshrl.u32 v33, $0x7;
	v34 =	vand.u32 $0x1E00, v34  }
0x209: {  	v31 =	vor.u32 v31, v35;
	v28 =	vor.u32 v34, v28  }
0x20a: {  	v30 =	vand.u32 $0x7F, v30;
	v31 =	vmul.u32 $0x180, v31;
	_ =	sdelay $0x1  }
0x20b: {  	v34 =	vor.u32 v30, v31  }
0x20c: {  	v31 =	vadd.s32 $0x80, v34;
	v35 =	vadd.s32 $0x100, v34;
	_ =	sdelay $0x4  }
0x20d: {  	v36 =	vld.idx.msk [tilespmem:v31+s17+$0x0], $0xffff  }
0x20e: {  	vm0 =	veq.s32 v32, v17;
	v31 =	vld.idx.msk [tilespmem:v35+s17+$0x0], $0xffff  }
0x20f: {  	v33 =	vnsel vm0, $0x800, v33;
	v32 =	vor.u32 v30, v28;
	v34 =	vld.idx.msk [tilespmem:v34+s17+$0x0], $0xffff;
	_ =	sdelay $0x1  }
0x210: {  	v28 =	vmov s15  }
.Ltmp6:
0x211: {  	v28 =	vshll.u32 v28, $0x7;
	(pc) =	sbr.rel @p0 .LBB2_15-.Ltmp6, $4  }
0x212: {  	v28 =	vbroadcast v28, $0x0  }
0x213: {  	v36 =	vadd.f32 v31, v36  }
0x214: {  	s3 =	sadd.s32 s1, s15;
	v30 =	vor.u32 v24, v28  }
0x215: {  	v35 =	vmov s3;
	[tilespmem:v32+s18+$0x0] =	vst.idx.add.f32.msk vm0, v36  }
0x216: {  	_ =	sdelay $0x4  }
0x217: {  	[tilespmem:v32+s19+$0x0] =	vst.idx.add.f32.msk vm0, v34  }
0x218: {  	[tilespmem:v32+s20+$0x0] =	vst.idx.add.f32.msk vm0, v31  }
0x219: {  	[tilespmem:v29+s21+$0x0] =	vst.idx.msk $0xffff, v33  }
0x21a: {  	v29 =	vld.idx.msk [tilespmem:v30+s28+$0x0], $0xffff  }
0x21b: {  	v31 =	vld.idx.msk [tilespmem:v35+s7+$0x0], $0xffff;
	_ =	sdelay $0x3  }
0x21c: {  	v51 =	vand.u32 $0x7FF, v29  }
0x21d: {  	v31 =	vshll.u32 v31, $0x4;
	v52 =	vshrl.u32 v51, $0x7  }
0x21e: {  	v33 =	vor.u32 v31, v52  }
0x21f: {  	v33 =	vmul.u32 $0x180, v33  }
0x220: {  	v53 =	vand.u32 $0x7F, v29  }
0x221: {  	v33 =	vor.u32 v53, v33  }
0x222: {  	v54 =	vadd.s32 $0x80, v33  }
0x223: {  	v36 =	vadd.s32 $0x100, v33;
	_ =	sdelay $0x3  }
0x224: {  	v37 =	vshll.u32 v29, $0x2;
	v35 =	vld.idx.msk [tilespmem:v54+s17+$0x0], $0xffff  }
0x225: {  	v29 =	vshra.s32 v29, $0xB;
	v37 =	vand.u32 $0x1E00, v37;
	v36 =	vld.idx.msk [tilespmem:v36+s17+$0x0], $0xffff  }
0x226: {  	vm14 =	veq.s32 v29, v17;
	v37 =	vor.u32 v37, v28  }
0x227: {  	v29 =	vor.u32 v53, v37  }
0x228: {  	v33 =	vld.idx.msk [tilespmem:v33+s17+$0x0], $0xffff;
	_ =	sdelay $0x1  }
0x229: {  	v55 =	vadd.f32 v36, v35  }
0x22a: {  	v56 =	vor.u32 v27, v28  }
0x22b: {  	[tilespmem:v29+s18+$0x0] =	vst.idx.add.f32.msk vm14, v55  }
0x22c: {  	[tilespmem:v29+s19+$0x0] =	vst.idx.add.f32.msk vm14, v33  }
0x22d: {  	v32 =	vnsel vm14, $0x800, v51;
	[tilespmem:v29+s20+$0x0] =	vst.idx.add.f32.msk vm14, v36  }
0x22e: {  	[tilespmem:v30+s21+$0x0] =	vst.idx.msk $0xffff, v32  }
0x22f: {  	v29 =	vld.idx.msk [tilespmem:v56+s28+$0x0], $0xffff;
	_ =	sdelay $0x4  }
0x230: {  	v57 =	vand.u32 $0x7FF, v29  }
0x231: {  	v58 =	vshrl.u32 v57, $0x7  }
0x232: {  	v31 =	vor.u32 v31, v58  }
0x233: {  	v31 =	vmul.u32 $0x180, v31  }
0x234: {  	v59 =	vand.u32 $0x7F, v29  }
0x235: {  	v31 =	vor.u32 v59, v31  }
0x236: {  	v60 =	vadd.s32 $0x80, v31  }
0x237: {  	v61 =	vadd.s32 $0x100, v31;
	_ =	sdelay $0x3  }
0x238: {  	v62 =	vshll.u32 v29, $0x2;
	v33 =	vld.idx.msk [tilespmem:v60+s17+$0x0], $0xffff  }
0x239: {  	v29 =	vshra.s32 v29, $0xB;
	v36 =	vand.u32 $0x1E00, v62;
	v34 =	vld.idx.msk [tilespmem:v61+s17+$0x0], $0xffff  }
0x23a: {  	vm15 =	veq.s32 v29, v17;
	v28 =	vor.u32 v36, v28  }
0x23b: {  	v28 =	vor.u32 v59, v28  }
0x23c: {  	v29 =	vld.idx.msk [tilespmem:v31+s17+$0x0], $0xffff;
	_ =	sdelay $0x1  }
0x23d: {  	v63 =	vadd.f32 v34, v33  }
0x23e: {  	s1 =	sshll.u32 s1, $0xE  }
0x23f: {  	s1 =	sand.u32 $0x7FFE0000, s1;
	[tilespmem:v28+s18+$0x0] =	vst.idx.add.f32.msk vm15, v63  }
0x240: {  	s1 =	sor.u32 s13, s1;
	[tilespmem:v28+s19+$0x0] =	vst.idx.add.f32.msk vm15, v29  }
0x241: {  	s3 =	rddreg [dreg:$0x3];
	s12 =	sadd.s32 $0x1, s12;
	s1 =	sshrl.u32 s1, $0x3;
	v29 =	vnsel vm15, $0x800, v57;
	[tilespmem:v28+s20+$0x0] =	vst.idx.add.f32.msk vm15, v34  }
0x242: {  	p0 =	sne.s32 s12, $0x20;
	s3 =	sadd.s32 s3, s1;
	[tilespmem:v56+s21+$0x0] =	vst.idx.msk $0xffff, v29  }
0x243: {  	[hbm4b:s3+s0] =	stream.strided.scatter [tilespmem:s18], [sflag:$0x5], $0x2000, s16, s0, $0x38;
	[tilespmem:$0x18D80] =	vst v63  }
.Ltmp7:
0x244: {  	_ = 	snop;
	(pc) =	sbr.rel @p0 .LBB2_4-.Ltmp7, $4  }
0x245: {  	s24 =	sadd.s32 s4, s1  }
0x246: {  	[hbm4b:s24+s0] =	stream.strided.scatter [tilespmem:s19], [sflag:$0x5], $0x2000, s16, s0, $0x38;
	[tilespmem:$0x18D80] =	vst v63  }
0x247: {  	s1 =	sadd.s32 s6, s1  }
0x248: {  	[hbm4b:s1+s0] =	stream.strided.scatter [tilespmem:s20], [sflag:$0x5], $0x2000, s16, s0, $0x38;
	[tilespmem:$0x18D80] =	vst v63  }
0x249: {  	_ =	swait.ge [sflag:s22], $0x2000  }
0x24a: {  	[sflag:s22] =	ssyncset.done $0x0  }
0x24b: {  	[sflag:s22] =	ssyncadd.s32 $0xFFFFE000  }
0x24c: {  	_ =	swait.ge [sflag:s22], $0x2000  }
0x24d: {  	[sflag:s22] =	ssyncset.done $0x0  }
0x24e: {  	[sflag:s22] =	ssyncadd.s32 $0xFFFFE000  }
0x24f: {  	_ =	swait.ge [sflag:s22], $0x2000  }
0x250: {  	[sflag:s22] =	ssyncset.done $0x0  }
0x251: {  	[sflag:s22] =	ssyncadd.s32 $0xFFFFE000  }
0x252: {  	_ =	swait.ge [sflag:s23], $0x2000  }
0x253: {  	[sflag:s23] =	ssyncset.done $0x0  }
0x254: {  	[sflag:s23] =	ssyncadd.s32 $0xFFFFE000  }
0x255: {  	_ =	swait.ge [sflag:s23], $0x2000  }
0x256: {  	[sflag:s23] =	ssyncset.done $0x0  }
0x257: {  	[sflag:s23] =	ssyncadd.s32 $0xFFFFE000  }
0x258: {  	_ =	swait.ge [sflag:s23], $0x2000  }
0x259: {  	[sflag:s23] =	ssyncset.done $0x0  }
0x25a: {  	[sflag:s23] =	ssyncadd.s32 $0xFFFFE000  }
0x25b: {  	_ =	swait.ge [sflag:s26], $0x200  }
0x25c: {  	s3 =	rddreg [dreg:$0x9]  }
0x25d: {  	s1 =	rddreg [dreg:$0x8];
	s3 =	sadd.s32 $0x1, s3  }
0x25e: {  	p0 =	sne.s32 s3, s1  }
.Ltmp8:
0x25f: {  	_ = 	snop;
	(pc) =	sbr.rel @p0 .LBB2_1-.Ltmp8, $3  }
0x260: {  	_ =	sdelay $0x1  }
0x261: {  	[sflag:s26] =	ssyncset.done $0x0  }
0x262: {  	[sflag:s26] =	ssyncadd.s32 $0xFFFFFE00  }
0x263: {  	_ =	sfence.sel $0x180000  }
0x264: {  	[bflag:$0x0] =	sbarrier.arrive $0xFFFF  }
0x265: {  	_ =	strace $0x90000047  }
0x266: {  	s0 =	stileid.u32;
	[bflag:$0x2] =	sbarrier.arrive $0xFFFF  }
0x267: {  	p0 =	sne.s32 s0, $0x0;
	s0 =	rddreg [dreg:$0x6]  }
0x268: {  	s0 =	sadd.s32 @!p0 $0x100000, s0  }
0x269: {  	[sflag:s0] =	ssyncadd.tile.s32 @!p0 $0x1;
	_ =	shalt  }
.Lfunc_end2:
_tile_overlayer_lowered:
.L_overlay_start_2:
0x26a: {  	(tag) =	ssettag $0x2  }
0x26b: {  	s0 =	rddreg [dreg:$0x0];
	s2 =	stileid.u32  }
0x26c: {  	s1 =	rddreg [dreg:$0x1];
	p0 =	sne.s32 s2, $0x0  }
0x26d: {  	s3 =	rddreg [dreg:$0x2];
	[bflag:$0x3] =	sbarrier.arrive $0xFFFF;
	s2 =	simm.s32 @!p0 $0x1C06  }
0x26e: {  	[timem:s3], [sflag:s2] =	dma.local @!p0 [hbm:s0], s1  }
0x26f: {  	s0 =	simm.s32 @!p0 $0x6  }
0x270: {  	_ =	swait.ge @!p0 [sflag:s0], s1  }
0x271: {  	s1 =	ssub.s32 @!p0 $0x0, s1;
	[sflag:s0] =	ssyncset.done @!p0 $0x0  }
0x272: {  	[sflag:s0] =	ssyncadd.s32 @!p0 s1  }
0x273: {  	[bflag:$0x3] =	sbarrier.arrive $0xFFFF  }
0x274: {  	_ =	shalt  }

</sc_bundles>
